<compile_context>
chip_gen: v7x
topology: tpu7x:2x2x1
jax: 0.10.2.dev20260603
libtpu: 0.0.44.dev20260713+nightly
codegen_flags: <defaults>
</compile_context>

<pallas_src>
import functools
import math

import jax
import jax.numpy as jnp
from jax import lax
from jax.experimental import pallas as pl
from jax.experimental.pallas import tpu as pltpu
from jax.experimental.pallas import tpu_sc as plsc

NC = 2
NS = 16
WE = 128
CH = 40


def _ceil_to(a, m):
    return (a + m - 1) // m * m


def _sc_segsum(vals_flat, src_idx, dst_idx, zrows, zrow1, n_acc, ncb,
               with_cnt):
    kw = src_idx.shape[1]
    rt = n_acc // NS
    pp = ncb // NC

    out_type = [jax.ShapeDtypeStruct((ncb, n_acc, 128), jnp.float32)]
    if with_cnt:
        out_type.append(jax.ShapeDtypeStruct((n_acc,), jnp.float32))

    mesh = plsc.VectorSubcoreMesh(core_axis_name="c", subcore_axis_name="s",
                                  num_cores=NC, num_subcores=NS)

    def body(vals_hbm, src_hbm, dst_hbm, zr_hbm, z1_hbm, out_hbm, *rest):
        if with_cnt:
            (cnt_hbm, srcv, dstv, rows_a, rows_b, ones_v, accum,
             cnt_acc, sem_a, sem_b) = rest
        else:
            (srcv, dstv, rows_a, rows_b, ones_v, accum, sem_a,
             sem_b) = rest
        c = lax.axis_index("c")
        s = lax.axis_index("s")

        if with_cnt:
            for j in range(8):
                ones_v[pl.ds(j * 16, 16)] = jnp.ones((16,), jnp.float32)

        for p in range(pp):
            cb = c * pp + p
            pltpu.sync_copy(zr_hbm, accum.at[pl.ds(s * rt, rt)])
            if with_cnt and p == 0:
                @pl.when(c == 0)
                def _():
                    pltpu.sync_copy(z1_hbm, cnt_acc.at[pl.ds(s * rt, rt)])
            plsc.subcore_barrier()

            def gissue(k, buf, sem):
                pltpu.async_copy(vals_hbm.at[srcv.at[k]], buf, sem)

            def gwait(k, buf, sem):
                pltpu.make_async_copy(vals_hbm.at[srcv.at[k]], buf,
                                      sem).wait()

            def scat(k, buf):
                pltpu.sync_copy(buf, accum.at[dstv.at[k]], add=True)
                if with_cnt and p == 0:
                    @pl.when(c == 0)
                    def _():
                        pltpu.sync_copy(ones_v, cnt_acc.at[dstv.at[k]],
                                        add=True)

            for ch in range(kw // CH):
                pltpu.sync_copy(src_hbm.at[s, pl.ds(ch * CH, CH)], srcv)
                pltpu.sync_copy(dst_hbm.at[s, pl.ds(ch * CH, CH)], dstv)

                def sscale(k, carry):
                    for j in range(8):
                        sl = pl.ds(j * 16, 16)
                        srcv[k, sl] = srcv[k, sl] * ncb + cb
                    return carry

                lax.fori_loop(0, CH, sscale, 0)

                gissue(0, rows_a, sem_a)

                def pair(i, carry):
                    k = 2 * i
                    gwait(k, rows_a, sem_a)
                    gissue(k + 1, rows_b, sem_b)
                    scat(k, rows_a)
                    gwait(k + 1, rows_b, sem_b)

                    @pl.when(k + 2 < CH)
                    def _():
                        gissue(k + 2, rows_a, sem_a)

                    scat(k + 1, rows_b)
                    return carry

                lax.fori_loop(0, CH // 2, pair, 0)
            plsc.subcore_barrier()

            pltpu.sync_copy(accum.at[pl.ds(s * rt, rt)],
                            out_hbm.at[cb, pl.ds(s * rt, rt)])
            if with_cnt and p == 0:
                @pl.when(c == 0)
                def _():
                    pltpu.sync_copy(cnt_acc.at[pl.ds(s * rt, rt)],
                                    cnt_hbm.at[pl.ds(s * rt, rt)])
            if p + 1 < pp:
                plsc.subcore_barrier()

    scratch = [
        pltpu.VMEM((CH, 128), jnp.int32),
        pltpu.VMEM((CH, 128), jnp.int32),
        pltpu.VMEM((WE, 128), jnp.float32),
        pltpu.VMEM((WE, 128), jnp.float32),
        pltpu.VMEM((WE,), jnp.float32),
        pltpu.VMEM_SHARED((n_acc, 128), jnp.float32),
    ]
    if with_cnt:
        scratch.append(pltpu.VMEM_SHARED((n_acc,), jnp.float32))
    scratch.append(pltpu.SemaphoreType.DMA)
    scratch.append(pltpu.SemaphoreType.DMA)

    fn = pl.kernel(body, out_type=tuple(out_type), mesh=mesh,
                   scratch_types=tuple(scratch))
    return fn(vals_flat, src_idx, dst_idx, zrows, zrow1)


def _tc_layer0(x, agg, cnt2d, wl, wc, b2d, n, bn):
    grid = n // bn

    def body(x_ref, agg_ref, cnt_ref, wl_ref, wc_ref, b_ref, out_ref):
        recip = 1.0 / jnp.maximum(cnt_ref[...], 1.0)
        acc = jnp.dot(agg_ref[0], wl_ref[0],
                      preferred_element_type=jnp.float32)
        acc += jnp.dot(agg_ref[1], wl_ref[1],
                       preferred_element_type=jnp.float32)
        acc *= recip
        acc += jnp.dot(x_ref[...], wc_ref[...],
                       preferred_element_type=jnp.float32)
        acc += b_ref[...]
        out_ref[...] = jnp.maximum(acc, 0.0)

    return pl.pallas_call(
        body,
        grid=(grid,),
        in_specs=[
            pl.BlockSpec((bn, 256), lambda i: (i, 0)),
            pl.BlockSpec((2, bn, 128), lambda i: (0, i, 0)),
            pl.BlockSpec((bn, 1), lambda i: (i, 0)),
            pl.BlockSpec((2, 128, 512), lambda i: (0, 0, 0)),
            pl.BlockSpec((256, 512), lambda i: (0, 0)),
            pl.BlockSpec((1, 512), lambda i: (0, 0)),
        ],
        out_specs=pl.BlockSpec((bn, 512), lambda i: (i, 0)),
        out_shape=jax.ShapeDtypeStruct((n, 512), jnp.float32),
        compiler_params=pltpu.CompilerParams(
            dimension_semantics=("parallel",)),
    )(x, agg, cnt2d, wl, wc, b2d)


def _tc_layer1(h, agg, cnt2d, wl, wc, b2d, wout, n, bn):
    grid = n // bn

    def body(h_ref, agg_ref, cnt_ref, wl_ref, wc_ref, b_ref, wout_ref,
             z_ref):
        recip = 1.0 / jnp.maximum(cnt_ref[...], 1.0)
        acc = jnp.dot(agg_ref[0], wl_ref[0],
                      preferred_element_type=jnp.float32)
        for q in range(1, 4):
            acc += jnp.dot(agg_ref[q], wl_ref[q],
                           preferred_element_type=jnp.float32)
        acc *= recip
        acc += jnp.dot(h_ref[...], wc_ref[...],
                       preferred_element_type=jnp.float32)
        acc += b_ref[...]
        z_ref[...] = jnp.dot(acc, wout_ref[...],
                             preferred_element_type=jnp.float32)

    return pl.pallas_call(
        body,
        grid=(grid,),
        in_specs=[
            pl.BlockSpec((bn, 512), lambda i: (i, 0)),
            pl.BlockSpec((4, bn, 128), lambda i: (0, i, 0)),
            pl.BlockSpec((bn, 1), lambda i: (i, 0)),
            pl.BlockSpec((4, 128, 512), lambda i: (0, 0, 0)),
            pl.BlockSpec((512, 512), lambda i: (0, 0)),
            pl.BlockSpec((1, 512), lambda i: (0, 0)),
            pl.BlockSpec((512, 1), lambda i: (0, 0)),
        ],
        out_specs=pl.BlockSpec((bn, 1), lambda i: (i, 0)),
        out_shape=jax.ShapeDtypeStruct((n, 1), jnp.float32),
        compiler_params=pltpu.CompilerParams(
            dimension_semantics=("parallel",)),
    )(h, agg, cnt2d, wl, wc, b2d, wout)


def _tc_pool(z, batch2d, bout, n, nb):

    def body(z_ref, bt_ref, bout_ref, out_ref):
        zv = z_ref[...]
        bt = bt_ref[...]
        ids = lax.broadcasted_iota(jnp.int32, (1, nb), 1)
        onehot = (bt == ids).astype(jnp.float32)
        dn = (((0,), (0,)), ((), ()))
        sums = lax.dot_general(onehot, zv, dn,
                               preferred_element_type=jnp.float32)
        cnts = jnp.sum(onehot, axis=0, keepdims=True).T
        out_ref[...] = sums / jnp.maximum(cnts, 1.0) + bout_ref[...]

    return pl.pallas_call(
        body,
        grid=(1,),
        in_specs=[
            pl.BlockSpec((n, 1), lambda i: (0, 0)),
            pl.BlockSpec((n, 1), lambda i: (0, 0)),
            pl.BlockSpec((1, 1), lambda i: (0, 0)),
        ],
        out_specs=pl.BlockSpec((nb, 1), lambda i: (0, 0)),
        out_shape=jax.ShapeDtypeStruct((nb, 1), jnp.float32),
    )(z, batch2d, bout)


def kernel(x, edge_index, batch, Wl0, bl0, Wr0, Wres0, bres0,
           Wl1, bl1, Wr1, Wres1, bres1, Wout, bout):
    n, d = x.shape
    h = Wl0.shape[1]
    e = edge_index.shape[1]
    nb = 8

    src = edge_index[0]
    dst = edge_index[1]

    n_acc = _ceil_to(n, NS * 128)
    trash = n_acc - n
    kw = _ceil_to(math.ceil(math.ceil(e / NS) / WE), CH)
    e_pad = NS * kw * WE
    npad = e_pad - e

    pad_src = jnp.zeros((npad,), jnp.int32)
    pad_dst = (n + jnp.arange(npad, dtype=jnp.int32) % max(trash, 1))
    src_p = jnp.concatenate([src, pad_src])
    dst_p = jnp.concatenate([dst, pad_dst.astype(jnp.int32)])

    ncb0 = d // 128
    ncb1 = h // 128
    src_idx = src_p.reshape(NS, kw, WE)
    dst_idx = dst_p.reshape(NS, kw, WE)

    rt = n_acc // NS
    zrows = jnp.zeros((rt, 128), jnp.float32)
    zrow1 = jnp.zeros((rt,), jnp.float32)

    agg0, cnt = _sc_segsum(x.reshape(n * ncb0, 128), src_idx, dst_idx,
                           zrows, zrow1, n_acc, ncb0, True)
    b0 = (bl0 + bres0).reshape(1, h)
    cnt2d = cnt.reshape(n_acc, 1)
    h0 = _tc_layer0(x, agg0, cnt2d, Wl0.reshape(2, 128, h), Wr0 + Wres0,
                    b0, n, 1000)

    (agg1,) = _sc_segsum(h0.reshape(n * ncb1, 128), src_idx, dst_idx,
                         zrows, zrow1, n_acc, ncb1, False)
    b1 = (bl1 + bres1).reshape(1, h)
    z = _tc_layer1(h0, agg1, cnt2d, Wl1.reshape(4, 128, h), Wr1 + Wres1,
                   b1, Wout, n, 1000)

    return _tc_pool(z, batch.reshape(n, 1), bout.reshape(1, 1), n, nb)

# --- scband reference (transcript-rebuilt; emitter-appended) ---
"""Pipeline reference for scband-graph-sage-68728066670716 (READ-ONLY COPY).

The authoritative reference and input builder live on the scoring server;
editing this copy changes nothing except your own understanding.
"""

import jax, jax.numpy as jnp
import numpy as np

N = 10000
E = 160000
D = 256
H = 512
B = 8


def setup_inputs(seed: int = 0) -> dict:
    key = jax.random.key(seed)
    ks = jax.random.split(key, 20)
    x = jax.random.normal(ks[0], (N, D), dtype=jnp.float32)
    edge_index = jax.random.randint(ks[1], (2, E), 0, N, dtype=jnp.int32)
    batch = jnp.sort(jax.random.randint(ks[2], (N,), 0, B, dtype=jnp.int32))
    s = 0.05
    # SAGEConv layer 0: lin_l (aggregated neighbors, with bias), lin_r (root, no bias)
    Wl0 = jax.random.normal(ks[3], (D, H), dtype=jnp.float32) * s
    bl0 = jnp.zeros((H,), dtype=jnp.float32)
    Wr0 = jax.random.normal(ks[4], (D, H), dtype=jnp.float32) * s
    Wres0 = jax.random.normal(ks[5], (D, H), dtype=jnp.float32) * s
    bres0 = jnp.zeros((H,), dtype=jnp.float32)
    # SAGEConv layer 1
    Wl1 = jax.random.normal(ks[6], (H, H), dtype=jnp.float32) * s
    bl1 = jnp.zeros((H,), dtype=jnp.float32)
    Wr1 = jax.random.normal(ks[7], (H, H), dtype=jnp.float32) * s
    Wres1 = jax.random.normal(ks[8], (H, H), dtype=jnp.float32) * s
    bres1 = jnp.zeros((H,), dtype=jnp.float32)
    # final linear
    Wout = jax.random.normal(ks[9], (H, 1), dtype=jnp.float32) * s
    bout = jnp.zeros((1,), dtype=jnp.float32)
    return {
        'x': x, 'edge_index': edge_index, 'batch': batch,
        'Wl0': Wl0, 'bl0': bl0, 'Wr0': Wr0, 'Wres0': Wres0, 'bres0': bres0,
        'Wl1': Wl1, 'bl1': bl1, 'Wr1': Wr1, 'Wres1': Wres1, 'bres1': bres1,
        'Wout': Wout, 'bout': bout,
    }


def _sage_conv(x, src, dst, Wl, bl, Wr):
    # PyG SAGEConv with mean aggregation:
    # out = lin_l(mean_{j in N(i)} x_j) + lin_r(x_i)
    msg = x[src]
    agg = jax.ops.segment_sum(msg, dst, num_segments=N)
    cnt = jax.ops.segment_sum(jnp.ones((src.shape[0],), dtype=x.dtype), dst, num_segments=N)
    cnt = jnp.clip(cnt, 1.0, None)
    agg = agg / cnt[:, None]
    return agg @ Wl + bl + x @ Wr


def reference(x, edge_index, batch,
              Wl0, bl0, Wr0, Wres0, bres0,
              Wl1, bl1, Wr1, Wres1, bres1,
              Wout, bout):
    src = edge_index[0]
    dst = edge_index[1]
    # layer 0 (res=True, norm=Identity, dropout inactive in eval)
    h = _sage_conv(x, src, dst, Wl0, bl0, Wr0) + (x @ Wres0 + bres0)
    h = jax.nn.relu(h)  # relu applied for all but last layer
    # layer 1 (last layer: no relu)
    h = _sage_conv(h, src, dst, Wl1, bl1, Wr1) + (h @ Wres1 + bres1)
    # global mean pool over graphs
    summed = jax.ops.segment_sum(h, batch, num_segments=B)
    counts = jax.ops.segment_sum(jnp.ones((N,), dtype=h.dtype), batch, num_segments=B)
    counts = jnp.clip(counts, 1.0, None)
    pooled = summed / counts[:, None]
    out = pooled @ Wout + bout
    return out

if __name__ == "__main__":
    import jax
    _d = setup_inputs()
    print(jax.jit(kernel)(*tuple(_d.values())))

</pallas_src>

<mosaic_0001>
#map = affine_map<(d0, d1) -> (0, 0)>
#map1 = affine_map<(d0, d1) -> (0, 0, 0)>
#map2 = affine_map<(d0, d1) -> (0)>
module attributes {stable_mosaic.version = 14 : i64} {
  func.func @body(%arg0: i32, %arg1: i32, %arg2: memref<20000x128xf32, #tpu.memory_space<hbm>>, %arg3: memref<16x80x128xi32, #tpu.memory_space<hbm>>, %arg4: memref<16x80x128xi32, #tpu.memory_space<hbm>>, %arg5: memref<640x128xf32, #tpu.memory_space<hbm>>, %arg6: memref<640xf32, #tpu.memory_space<hbm>>, %arg7: memref<2x10240x128xf32, #tpu.memory_space<hbm>>, %arg8: memref<10240xf32, #tpu.memory_space<hbm>>, %arg9: memref<40x128xi32, #tpu.memory_space<vmem>>, %arg10: memref<40x128xi32, #tpu.memory_space<vmem>>, %arg11: memref<128x128xf32, #tpu.memory_space<vmem>>, %arg12: memref<128x128xf32, #tpu.memory_space<vmem>>, %arg13: memref<128xf32, #tpu.memory_space<vmem>>, %arg14: memref<10240x128xf32, #tpu.memory_space<vmem_shared>>, %arg15: memref<10240xf32, #tpu.memory_space<vmem_shared>>, %arg16: memref<!tpu.dma_semaphore, #tpu.memory_space<semaphore_mem>>, %arg17: memref<!tpu.dma_semaphore, #tpu.memory_space<semaphore_mem>>) attributes {dimension_semantics = [#tpu.dimension_semantics<core_parallel>, #tpu.dimension_semantics<subcore_parallel>], iteration_bounds = array<i64: 2, 16>, scalar_prefetch = 0 : i64, scratch_operands = 9 : i64, tpu.core_type = #tpu.core_type<sc_vector_subcore>, window_params = [{transform_indices = #map}, {transform_indices = #map1}, {transform_indices = #map1}, {transform_indices = #map}, {transform_indices = #map2}, {transform_indices = #map1}, {transform_indices = #map2}]} {
    %broadcast_in_dim3A = arith.constant 1.000000e+00 : f32
    %broadcast_in_dim3A_0 = vector.broadcast %broadcast_in_dim3A : f32 to vector<16xf32>
    %swap3A = arith.constant 0 : index
    %swap3A_1 = tpu.vector_load %arg13[%swap3A] {strides = array<i32>} : memref<128xf32, #tpu.memory_space<vmem>>, vector<16xf32>,
    %swap3A_2 = vector.shape_cast %swap3A_1 : vector<16xf32> to vector<16xf32>
    %swap3A_3 = vector.shape_cast %broadcast_in_dim3A_0 : vector<16xf32> to vector<16xf32>
    tpu.vector_store %arg13[%swap3A], %swap3A_3 {strides = array<i32>} : memref<128xf32, #tpu.memory_space<vmem>>, vector<16xf32>,
    %broadcast_in_dim3A_4 = arith.constant 1.000000e+00 : f32
    %broadcast_in_dim3A_5 = vector.broadcast %broadcast_in_dim3A_4 : f32 to vector<16xf32>
    %swap3A_6 = arith.constant 16 : index
    %swap3A_7 = tpu.vector_load %arg13[%swap3A_6] {strides = array<i32>} : memref<128xf32, #tpu.memory_space<vmem>>, vector<16xf32>,
    %swap3A_8 = vector.shape_cast %swap3A_7 : vector<16xf32> to vector<16xf32>
    %swap3A_9 = vector.shape_cast %broadcast_in_dim3A_5 : vector<16xf32> to vector<16xf32>
    tpu.vector_store %arg13[%swap3A_6], %swap3A_9 {strides = array<i32>} : memref<128xf32, #tpu.memory_space<vmem>>, vector<16xf32>,
    %broadcast_in_dim3A_10 = arith.constant 1.000000e+00 : f32
    %broadcast_in_dim3A_11 = vector.broadcast %broadcast_in_dim3A_10 : f32 to vector<16xf32>
    %swap3A_12 = arith.constant 32 : index
    %swap3A_13 = tpu.vector_load %arg13[%swap3A_12] {strides = array<i32>} : memref<128xf32, #tpu.memory_space<vmem>>, vector<16xf32>,
    %swap3A_14 = vector.shape_cast %swap3A_13 : vector<16xf32> to vector<16xf32>
    %swap3A_15 = vector.shape_cast %broadcast_in_dim3A_11 : vector<16xf32> to vector<16xf32>
    tpu.vector_store %arg13[%swap3A_12], %swap3A_15 {strides = array<i32>} : memref<128xf32, #tpu.memory_space<vmem>>, vector<16xf32>,
    %broadcast_in_dim3A_16 = arith.constant 1.000000e+00 : f32
    %broadcast_in_dim3A_17 = vector.broadcast %broadcast_in_dim3A_16 : f32 to vector<16xf32>
    %swap3A_18 = arith.constant 48 : index
    %swap3A_19 = tpu.vector_load %arg13[%swap3A_18] {strides = array<i32>} : memref<128xf32, #tpu.memory_space<vmem>>, vector<16xf32>,
    %swap3A_20 = vector.shape_cast %swap3A_19 : vector<16xf32> to vector<16xf32>
    %swap3A_21 = vector.shape_cast %broadcast_in_dim3A_17 : vector<16xf32> to vector<16xf32>
    tpu.vector_store %arg13[%swap3A_18], %swap3A_21 {strides = array<i32>} : memref<128xf32, #tpu.memory_space<vmem>>, vector<16xf32>,
    %broadcast_in_dim3A_22 = arith.constant 1.000000e+00 : f32
    %broadcast_in_dim3A_23 = vector.broadcast %broadcast_in_dim3A_22 : f32 to vector<16xf32>
    %swap3A_24 = arith.constant 64 : index
    %swap3A_25 = tpu.vector_load %arg13[%swap3A_24] {strides = array<i32>} : memref<128xf32, #tpu.memory_space<vmem>>, vector<16xf32>,
    %swap3A_26 = vector.shape_cast %swap3A_25 : vector<16xf32> to vector<16xf32>
    %swap3A_27 = vector.shape_cast %broadcast_in_dim3A_23 : vector<16xf32> to vector<16xf32>
    tpu.vector_store %arg13[%swap3A_24], %swap3A_27 {strides = array<i32>} : memref<128xf32, #tpu.memory_space<vmem>>, vector<16xf32>,
    %broadcast_in_dim3A_28 = arith.constant 1.000000e+00 : f32
    %broadcast_in_dim3A_29 = vector.broadcast %broadcast_in_dim3A_28 : f32 to vector<16xf32>
    %swap3A_30 = arith.constant 80 : index
    %swap3A_31 = tpu.vector_load %arg13[%swap3A_30] {strides = array<i32>} : memref<128xf32, #tpu.memory_space<vmem>>, vector<16xf32>,
    %swap3A_32 = vector.shape_cast %swap3A_31 : vector<16xf32> to vector<16xf32>
    %swap3A_33 = vector.shape_cast %broadcast_in_dim3A_29 : vector<16xf32> to vector<16xf32>
    tpu.vector_store %arg13[%swap3A_30], %swap3A_33 {strides = array<i32>} : memref<128xf32, #tpu.memory_space<vmem>>, vector<16xf32>,
    %broadcast_in_dim3A_34 = arith.constant 1.000000e+00 : f32
    %broadcast_in_dim3A_35 = vector.broadcast %broadcast_in_dim3A_34 : f32 to vector<16xf32>
    %swap3A_36 = arith.constant 96 : index
    %swap3A_37 = tpu.vector_load %arg13[%swap3A_36] {strides = array<i32>} : memref<128xf32, #tpu.memory_space<vmem>>, vector<16xf32>,
    %swap3A_38 = vector.shape_cast %swap3A_37 : vector<16xf32> to vector<16xf32>
    %swap3A_39 = vector.shape_cast %broadcast_in_dim3A_35 : vector<16xf32> to vector<16xf32>
    tpu.vector_store %arg13[%swap3A_36], %swap3A_39 {strides = array<i32>} : memref<128xf32, #tpu.memory_space<vmem>>, vector<16xf32>,
    %broadcast_in_dim3A_40 = arith.constant 1.000000e+00 : f32
    %broadcast_in_dim3A_41 = vector.broadcast %broadcast_in_dim3A_40 : f32 to vector<16xf32>
    %swap3A_42 = arith.constant 112 : index
    %swap3A_43 = tpu.vector_load %arg13[%swap3A_42] {strides = array<i32>} : memref<128xf32, #tpu.memory_space<vmem>>, vector<16xf32>,
    %swap3A_44 = vector.shape_cast %swap3A_43 : vector<16xf32> to vector<16xf32>
    %swap3A_45 = vector.shape_cast %broadcast_in_dim3A_41 : vector<16xf32> to vector<16xf32>
    tpu.vector_store %arg13[%swap3A_42], %swap3A_45 {strides = array<i32>} : memref<128xf32, #tpu.memory_space<vmem>>, vector<16xf32>,
    %mul3A = arith.constant 1 : i32
    %mul3A_46 = arith.muli %arg0, %mul3A : i32
    %add3A = arith.constant 0 : i32
    %add3A_47 = arith.addi %mul3A_46, %add3A : i32
    %mul3A_48 = arith.constant 640 : i32
    %mul3A_49 = arith.muli %arg1, %mul3A_48 : i32
    "tpu.region"() ({
      %run_scoped3A = tpu.sem_alloc : memref<!tpu.dma_semaphore, #tpu.memory_space<semaphore_mem>>
      %dma_start3A_98 = arith.constant 0 : i32
      %dma_start3A_99 = tpu.memref_slice %arg14[%mul3A_49, %dma_start3A_98] : memref<10240x128xf32, #tpu.memory_space<vmem_shared>> -> memref<640x128xf32, #tpu.memory_space<vmem_shared>>
      tpu.enqueue_dma source(%arg5 : memref<640x128xf32, #tpu.memory_space<hbm>>) target(%dma_start3A_99 : memref<640x128xf32, #tpu.memory_space<vmem_shared>>) target_semaphore(%run_scoped3A : memref<!tpu.dma_semaphore, #tpu.memory_space<semaphore_mem>>)
      %dma_wait3A = arith.constant 0 : i32
      %dma_wait3A_100 = tpu.memref_slice %arg14[%mul3A_49, %dma_wait3A] : memref<10240x128xf32, #tpu.memory_space<vmem_shared>> -> memref<640x128xf32, #tpu.memory_space<vmem_shared>>
      tpu.wait_dma2 semaphore(%run_scoped3A : memref<!tpu.dma_semaphore, #tpu.memory_space<semaphore_mem>>) src(%arg5 : memref<640x128xf32, #tpu.memory_space<hbm>>) dst(%dma_wait3A_100 : memref<640x128xf32, #tpu.memory_space<vmem_shared>>)
      tpu.yield
    }) : () -> ()
    %eq3A = arith.constant 0 : i32
    %eq3A_50 = arith.cmpi eq, %arg0, %eq3A : i32
    %convert_element_type3A = arith.extui %eq3A_50 : i1 to i32
    %cond3A = arith.constant 0 : i32
    %cond3A_51 = arith.cmpi ne, %convert_element_type3A, %cond3A : i32
    scf.if %cond3A_51 {
      %mul3A_98 = arith.constant 640 : i32
      %mul3A_99 = arith.muli %arg1, %mul3A_98 : i32
      "tpu.region"() ({
        %run_scoped3A = tpu.sem_alloc : memref<!tpu.dma_semaphore, #tpu.memory_space<semaphore_mem>>
        %dma_start3A_100 = tpu.memref_slice %arg15[%mul3A_99] : memref<10240xf32, #tpu.memory_space<vmem_shared>> -> memref<640xf32, #tpu.memory_space<vmem_shared>>
        tpu.enqueue_dma source(%arg6 : memref<640xf32, #tpu.memory_space<hbm>>) target(%dma_start3A_100 : memref<640xf32, #tpu.memory_space<vmem_shared>>) target_semaphore(%run_scoped3A : memref<!tpu.dma_semaphore, #tpu.memory_space<semaphore_mem>>)
        %dma_wait3A = tpu.memref_slice %arg15[%mul3A_99] : memref<10240xf32, #tpu.memory_space<vmem_shared>> -> memref<640xf32, #tpu.memory_space<vmem_shared>>
        tpu.wait_dma2 semaphore(%run_scoped3A : memref<!tpu.dma_semaphore, #tpu.memory_space<semaphore_mem>>) src(%arg6 : memref<640xf32, #tpu.memory_space<hbm>>) dst(%dma_wait3A : memref<640xf32, #tpu.memory_space<vmem_shared>>)
        tpu.yield
      }) : () -> ()
    } else {
    }
    %barrier3A = arith.constant 0 : index
    tpu.barrier barrier_id(%barrier3A)
    "tpu.region"() ({
      %run_scoped3A = tpu.sem_alloc : memref<!tpu.dma_semaphore, #tpu.memory_space<semaphore_mem>>
      %dma_start3A_98 = arith.constant 0 : i32
      %dma_start3A_99 = arith.constant 0 : i32
      %dma_start3A_100 = tpu.memref_slice %arg3[%arg1, %dma_start3A_98, %dma_start3A_99] : memref<16x80x128xi32, #tpu.memory_space<hbm>> -> memref<1x40x128xi32, #tpu.memory_space<hbm>>
      %dma_start3A_101 = tpu.memref_squeeze %dma_start3A_100 : memref<1x40x128xi32, #tpu.memory_space<hbm>> -> memref<40x128xi32, #tpu.memory_space<hbm>>
      %dma_start3A_102 = arith.constant 0 : i32
      %dma_start3A_103 = arith.constant 0 : i32
      %dma_start3A_104 = tpu.memref_slice %arg3[%arg1, %dma_start3A_102, %dma_start3A_103] : memref<16x80x128xi32, #tpu.memory_space<hbm>> -> memref<1x40x128xi32, #tpu.memory_space<hbm>>
      %dma_start3A_105 = tpu.memref_squeeze %dma_start3A_104 : memref<1x40x128xi32, #tpu.memory_space<hbm>> -> memref<40x128xi32, #tpu.memory_space<hbm>>
      tpu.enqueue_dma source(%dma_start3A_105 : memref<40x128xi32, #tpu.memory_space<hbm>>) target(%arg9 : memref<40x128xi32, #tpu.memory_space<vmem>>) target_semaphore(%run_scoped3A : memref<!tpu.dma_semaphore, #tpu.memory_space<semaphore_mem>>)
      %dma_wait3A = arith.constant 0 : i32
      %dma_wait3A_106 = arith.constant 0 : i32
      %dma_wait3A_107 = tpu.memref_slice %arg3[%arg1, %dma_wait3A, %dma_wait3A_106] : memref<16x80x128xi32, #tpu.memory_space<hbm>> -> memref<1x40x128xi32, #tpu.memory_space<hbm>>
      %dma_wait3A_108 = tpu.memref_squeeze %dma_wait3A_107 : memref<1x40x128xi32, #tpu.memory_space<hbm>> -> memref<40x128xi32, #tpu.memory_space<hbm>>
      %dma_wait3A_109 = arith.constant 0 : i32
      %dma_wait3A_110 = arith.constant 0 : i32
      %dma_wait3A_111 = tpu.memref_slice %arg3[%arg1, %dma_wait3A_109, %dma_wait3A_110] : memref<16x80x128xi32, #tpu.memory_space<hbm>> -> memref<1x40x128xi32, #tpu.memory_space<hbm>>
      %dma_wait3A_112 = tpu.memref_squeeze %dma_wait3A_111 : memref<1x40x128xi32, #tpu.memory_space<hbm>> -> memref<40x128xi32, #tpu.memory_space<hbm>>
      tpu.wait_dma2 semaphore(%run_scoped3A : memref<!tpu.dma_semaphore, #tpu.memory_space<semaphore_mem>>) src(%dma_wait3A_112 : memref<40x128xi32, #tpu.memory_space<hbm>>) dst(%arg9 : memref<40x128xi32, #tpu.memory_space<vmem>>)
      tpu.yield
    }) : () -> ()
    "tpu.region"() ({
      %run_scoped3A = tpu.sem_alloc : memref<!tpu.dma_semaphore, #tpu.memory_space<semaphore_mem>>
      %dma_start3A_98 = arith.constant 0 : i32
      %dma_start3A_99 = arith.constant 0 : i32
      %dma_start3A_100 = tpu.memref_slice %arg4[%arg1, %dma_start3A_98, %dma_start3A_99] : memref<16x80x128xi32, #tpu.memory_space<hbm>> -> memref<1x40x128xi32, #tpu.memory_space<hbm>>
      %dma_start3A_101 = tpu.memref_squeeze %dma_start3A_100 : memref<1x40x128xi32, #tpu.memory_space<hbm>> -> memref<40x128xi32, #tpu.memory_space<hbm>>
      %dma_start3A_102 = arith.constant 0 : i32
      %dma_start3A_103 = arith.constant 0 : i32
      %dma_start3A_104 = tpu.memref_slice %arg4[%arg1, %dma_start3A_102, %dma_start3A_103] : memref<16x80x128xi32, #tpu.memory_space<hbm>> -> memref<1x40x128xi32, #tpu.memory_space<hbm>>
      %dma_start3A_105 = tpu.memref_squeeze %dma_start3A_104 : memref<1x40x128xi32, #tpu.memory_space<hbm>> -> memref<40x128xi32, #tpu.memory_space<hbm>>
      tpu.enqueue_dma source(%dma_start3A_105 : memref<40x128xi32, #tpu.memory_space<hbm>>) target(%arg10 : memref<40x128xi32, #tpu.memory_space<vmem>>) target_semaphore(%run_scoped3A : memref<!tpu.dma_semaphore, #tpu.memory_space<semaphore_mem>>)
      %dma_wait3A = arith.constant 0 : i32
      %dma_wait3A_106 = arith.constant 0 : i32
      %dma_wait3A_107 = tpu.memref_slice %arg4[%arg1, %dma_wait3A, %dma_wait3A_106] : memref<16x80x128xi32, #tpu.memory_space<hbm>> -> memref<1x40x128xi32, #tpu.memory_space<hbm>>
      %dma_wait3A_108 = tpu.memref_squeeze %dma_wait3A_107 : memref<1x40x128xi32, #tpu.memory_space<hbm>> -> memref<40x128xi32, #tpu.memory_space<hbm>>
      %dma_wait3A_109 = arith.constant 0 : i32
      %dma_wait3A_110 = arith.constant 0 : i32
      %dma_wait3A_111 = tpu.memref_slice %arg4[%arg1, %dma_wait3A_109, %dma_wait3A_110] : memref<16x80x128xi32, #tpu.memory_space<hbm>> -> memref<1x40x128xi32, #tpu.memory_space<hbm>>
      %dma_wait3A_112 = tpu.memref_squeeze %dma_wait3A_111 : memref<1x40x128xi32, #tpu.memory_space<hbm>> -> memref<40x128xi32, #tpu.memory_space<hbm>>
      tpu.wait_dma2 semaphore(%run_scoped3A : memref<!tpu.dma_semaphore, #tpu.memory_space<semaphore_mem>>) src(%dma_wait3A_112 : memref<40x128xi32, #tpu.memory_space<hbm>>) dst(%arg10 : memref<40x128xi32, #tpu.memory_space<vmem>>)
      tpu.yield
    }) : () -> ()
    %scan3A = arith.constant 0 : i32
    %scan3A_52 = arith.constant 0 : i32
    %scan3A_53 = arith.constant 40 : i32
    %scan3A_54 = arith.addi %scan3A_52, %scan3A_53 : i32
    %scan3A_55 = arith.constant 1 : i32
    scf.for %scan3A_98 = %scan3A_52 to %scan3A_54 step %scan3A_55  : i32 {
      %get3A = arith.index_cast %scan3A_98 : i32 to index
      %get3A_99 = arith.constant 0 : index
      %get3A_100 = tpu.vector_load %arg9[%get3A, %get3A_99] {strides = array<i32>} : memref<40x128xi32, #tpu.memory_space<vmem>>, vector<1x16xi32>,
      %get3A_101 = vector.shape_cast %get3A_100 : vector<1x16xi32> to vector<16xi32>
      %mul3A_102 = arith.constant 2 : i32
      %mul3A_103 = vector.broadcast %mul3A_102 : i32 to vector<16xi32>
      %mul3A_104 = arith.muli %get3A_101, %mul3A_103 : vector<16xi32>
      %add3A_105 = vector.broadcast %add3A_47 : i32 to vector<16xi32>
      %add3A_106 = arith.addi %mul3A_104, %add3A_105 : vector<16xi32>
      %swap3A_107 = arith.index_cast %scan3A_98 : i32 to index
      %swap3A_108 = arith.constant 0 : index
      %swap3A_109 = tpu.vector_load %arg9[%swap3A_107, %swap3A_108] {strides = array<i32>} : memref<40x128xi32, #tpu.memory_space<vmem>>, vector<1x16xi32>,
      %swap3A_110 = vector.shape_cast %swap3A_109 : vector<1x16xi32> to vector<16xi32>
      %swap3A_111 = vector.shape_cast %add3A_106 : vector<16xi32> to vector<1x16xi32>
      tpu.vector_store %arg9[%swap3A_107, %swap3A_108], %swap3A_111 {strides = array<i32>} : memref<40x128xi32, #tpu.memory_space<vmem>>, vector<1x16xi32>,
      %get3A_112 = arith.index_cast %scan3A_98 : i32 to index
      %get3A_113 = arith.constant 16 : index
      %get3A_114 = tpu.vector_load %arg9[%get3A_112, %get3A_113] {strides = array<i32>} : memref<40x128xi32, #tpu.memory_space<vmem>>, vector<1x16xi32>,
      %get3A_115 = vector.shape_cast %get3A_114 : vector<1x16xi32> to vector<16xi32>
      %mul3A_116 = arith.constant 2 : i32
      %mul3A_117 = vector.broadcast %mul3A_116 : i32 to vector<16xi32>
      %mul3A_118 = arith.muli %get3A_115, %mul3A_117 : vector<16xi32>
      %add3A_119 = vector.broadcast %add3A_47 : i32 to vector<16xi32>
      %add3A_120 = arith.addi %mul3A_118, %add3A_119 : vector<16xi32>
      %swap3A_121 = arith.index_cast %scan3A_98 : i32 to index
      %swap3A_122 = arith.constant 16 : index
      %swap3A_123 = tpu.vector_load %arg9[%swap3A_121, %swap3A_122] {strides = array<i32>} : memref<40x128xi32, #tpu.memory_space<vmem>>, vector<1x16xi32>,
      %swap3A_124 = vector.shape_cast %swap3A_123 : vector<1x16xi32> to vector<16xi32>
      %swap3A_125 = vector.shape_cast %add3A_120 : vector<16xi32> to vector<1x16xi32>
      tpu.vector_store %arg9[%swap3A_121, %swap3A_122], %swap3A_125 {strides = array<i32>} : memref<40x128xi32, #tpu.memory_space<vmem>>, vector<1x16xi32>,
      %get3A_126 = arith.index_cast %scan3A_98 : i32 to index
      %get3A_127 = arith.constant 32 : index
      %get3A_128 = tpu.vector_load %arg9[%get3A_126, %get3A_127] {strides = array<i32>} : memref<40x128xi32, #tpu.memory_space<vmem>>, vector<1x16xi32>,
      %get3A_129 = vector.shape_cast %get3A_128 : vector<1x16xi32> to vector<16xi32>
      %mul3A_130 = arith.constant 2 : i32
      %mul3A_131 = vector.broadcast %mul3A_130 : i32 to vector<16xi32>
      %mul3A_132 = arith.muli %get3A_129, %mul3A_131 : vector<16xi32>
      %add3A_133 = vector.broadcast %add3A_47 : i32 to vector<16xi32>
      %add3A_134 = arith.addi %mul3A_132, %add3A_133 : vector<16xi32>
      %swap3A_135 = arith.index_cast %scan3A_98 : i32 to index
      %swap3A_136 = arith.constant 32 : index
      %swap3A_137 = tpu.vector_load %arg9[%swap3A_135, %swap3A_136] {strides = array<i32>} : memref<40x128xi32, #tpu.memory_space<vmem>>, vector<1x16xi32>,
      %swap3A_138 = vector.shape_cast %swap3A_137 : vector<1x16xi32> to vector<16xi32>
      %swap3A_139 = vector.shape_cast %add3A_134 : vector<16xi32> to vector<1x16xi32>
      tpu.vector_store %arg9[%swap3A_135, %swap3A_136], %swap3A_139 {strides = array<i32>} : memref<40x128xi32, #tpu.memory_space<vmem>>, vector<1x16xi32>,
      %get3A_140 = arith.index_cast %scan3A_98 : i32 to index
      %get3A_141 = arith.constant 48 : index
      %get3A_142 = tpu.vector_load %arg9[%get3A_140, %get3A_141] {strides = array<i32>} : memref<40x128xi32, #tpu.memory_space<vmem>>, vector<1x16xi32>,
      %get3A_143 = vector.shape_cast %get3A_142 : vector<1x16xi32> to vector<16xi32>
      %mul3A_144 = arith.constant 2 : i32
      %mul3A_145 = vector.broadcast %mul3A_144 : i32 to vector<16xi32>
      %mul3A_146 = arith.muli %get3A_143, %mul3A_145 : vector<16xi32>
      %add3A_147 = vector.broadcast %add3A_47 : i32 to vector<16xi32>
      %add3A_148 = arith.addi %mul3A_146, %add3A_147 : vector<16xi32>
      %swap3A_149 = arith.index_cast %scan3A_98 : i32 to index
      %swap3A_150 = arith.constant 48 : index
      %swap3A_151 = tpu.vector_load %arg9[%swap3A_149, %swap3A_150] {strides = array<i32>} : memref<40x128xi32, #tpu.memory_space<vmem>>, vector<1x16xi32>,
      %swap3A_152 = vector.shape_cast %swap3A_151 : vector<1x16xi32> to vector<16xi32>
      %swap3A_153 = vector.shape_cast %add3A_148 : vector<16xi32> to vector<1x16xi32>
      tpu.vector_store %arg9[%swap3A_149, %swap3A_150], %swap3A_153 {strides = array<i32>} : memref<40x128xi32, #tpu.memory_space<vmem>>, vector<1x16xi32>,
      %get3A_154 = arith.index_cast %scan3A_98 : i32 to index
      %get3A_155 = arith.constant 64 : index
      %get3A_156 = tpu.vector_load %arg9[%get3A_154, %get3A_155] {strides = array<i32>} : memref<40x128xi32, #tpu.memory_space<vmem>>, vector<1x16xi32>,
      %get3A_157 = vector.shape_cast %get3A_156 : vector<1x16xi32> to vector<16xi32>
      %mul3A_158 = arith.constant 2 : i32
      %mul3A_159 = vector.broadcast %mul3A_158 : i32 to vector<16xi32>
      %mul3A_160 = arith.muli %get3A_157, %mul3A_159 : vector<16xi32>
      %add3A_161 = vector.broadcast %add3A_47 : i32 to vector<16xi32>
      %add3A_162 = arith.addi %mul3A_160, %add3A_161 : vector<16xi32>
      %swap3A_163 = arith.index_cast %scan3A_98 : i32 to index
      %swap3A_164 = arith.constant 64 : index
      %swap3A_165 = tpu.vector_load %arg9[%swap3A_163, %swap3A_164] {strides = array<i32>} : memref<40x128xi32, #tpu.memory_space<vmem>>, vector<1x16xi32>,
      %swap3A_166 = vector.shape_cast %swap3A_165 : vector<1x16xi32> to vector<16xi32>
      %swap3A_167 = vector.shape_cast %add3A_162 : vector<16xi32> to vector<1x16xi32>
      tpu.vector_store %arg9[%swap3A_163, %swap3A_164], %swap3A_167 {strides = array<i32>} : memref<40x128xi32, #tpu.memory_space<vmem>>, vector<1x16xi32>,
      %get3A_168 = arith.index_cast %scan3A_98 : i32 to index
      %get3A_169 = arith.constant 80 : index
      %get3A_170 = tpu.vector_load %arg9[%get3A_168, %get3A_169] {strides = array<i32>} : memref<40x128xi32, #tpu.memory_space<vmem>>, vector<1x16xi32>,
      %get3A_171 = vector.shape_cast %get3A_170 : vector<1x16xi32> to vector<16xi32>
      %mul3A_172 = arith.constant 2 : i32
      %mul3A_173 = vector.broadcast %mul3A_172 : i32 to vector<16xi32>
      %mul3A_174 = arith.muli %get3A_171, %mul3A_173 : vector<16xi32>
      %add3A_175 = vector.broadcast %add3A_47 : i32 to vector<16xi32>
      %add3A_176 = arith.addi %mul3A_174, %add3A_175 : vector<16xi32>
      %swap3A_177 = arith.index_cast %scan3A_98 : i32 to index
      %swap3A_178 = arith.constant 80 : index
      %swap3A_179 = tpu.vector_load %arg9[%swap3A_177, %swap3A_178] {strides = array<i32>} : memref<40x128xi32, #tpu.memory_space<vmem>>, vector<1x16xi32>,
      %swap3A_180 = vector.shape_cast %swap3A_179 : vector<1x16xi32> to vector<16xi32>
      %swap3A_181 = vector.shape_cast %add3A_176 : vector<16xi32> to vector<1x16xi32>
      tpu.vector_store %arg9[%swap3A_177, %swap3A_178], %swap3A_181 {strides = array<i32>} : memref<40x128xi32, #tpu.memory_space<vmem>>, vector<1x16xi32>,
      %get3A_182 = arith.index_cast %scan3A_98 : i32 to index
      %get3A_183 = arith.constant 96 : index
      %get3A_184 = tpu.vector_load %arg9[%get3A_182, %get3A_183] {strides = array<i32>} : memref<40x128xi32, #tpu.memory_space<vmem>>, vector<1x16xi32>,
      %get3A_185 = vector.shape_cast %get3A_184 : vector<1x16xi32> to vector<16xi32>
      %mul3A_186 = arith.constant 2 : i32
      %mul3A_187 = vector.broadcast %mul3A_186 : i32 to vector<16xi32>
      %mul3A_188 = arith.muli %get3A_185, %mul3A_187 : vector<16xi32>
      %add3A_189 = vector.broadcast %add3A_47 : i32 to vector<16xi32>
      %add3A_190 = arith.addi %mul3A_188, %add3A_189 : vector<16xi32>
      %swap3A_191 = arith.index_cast %scan3A_98 : i32 to index
      %swap3A_192 = arith.constant 96 : index
      %swap3A_193 = tpu.vector_load %arg9[%swap3A_191, %swap3A_192] {strides = array<i32>} : memref<40x128xi32, #tpu.memory_space<vmem>>, vector<1x16xi32>,
      %swap3A_194 = vector.shape_cast %swap3A_193 : vector<1x16xi32> to vector<16xi32>
      %swap3A_195 = vector.shape_cast %add3A_190 : vector<16xi32> to vector<1x16xi32>
      tpu.vector_store %arg9[%swap3A_191, %swap3A_192], %swap3A_195 {strides = array<i32>} : memref<40x128xi32, #tpu.memory_space<vmem>>, vector<1x16xi32>,
      %get3A_196 = arith.index_cast %scan3A_98 : i32 to index
      %get3A_197 = arith.constant 112 : index
      %get3A_198 = tpu.vector_load %arg9[%get3A_196, %get3A_197] {strides = array<i32>} : memref<40x128xi32, #tpu.memory_space<vmem>>, vector<1x16xi32>,
      %get3A_199 = vector.shape_cast %get3A_198 : vector<1x16xi32> to vector<16xi32>
      %mul3A_200 = arith.constant 2 : i32
      %mul3A_201 = vector.broadcast %mul3A_200 : i32 to vector<16xi32>
      %mul3A_202 = arith.muli %get3A_199, %mul3A_201 : vector<16xi32>
      %add3A_203 = vector.broadcast %add3A_47 : i32 to vector<16xi32>
      %add3A_204 = arith.addi %mul3A_202, %add3A_203 : vector<16xi32>
      %swap3A_205 = arith.index_cast %scan3A_98 : i32 to index
      %swap3A_206 = arith.constant 112 : index
      %swap3A_207 = tpu.vector_load %arg9[%swap3A_205, %swap3A_206] {strides = array<i32>} : memref<40x128xi32, #tpu.memory_space<vmem>>, vector<1x16xi32>,
      %swap3A_208 = vector.shape_cast %swap3A_207 : vector<1x16xi32> to vector<16xi32>
      %swap3A_209 = vector.shape_cast %add3A_204 : vector<16xi32> to vector<1x16xi32>
      tpu.vector_store %arg9[%swap3A_205, %swap3A_206], %swap3A_209 {strides = array<i32>} : memref<40x128xi32, #tpu.memory_space<vmem>>, vector<1x16xi32>,
    }
    %scan3A_56 = arith.constant 40 : i32
    %dma_start3A = arith.constant 0 : i32
    %dma_start3A_57 = arith.constant 0 : i32
    %dma_start3A_58 = tpu.memref_slice %arg9[%dma_start3A, %dma_start3A_57] : memref<40x128xi32, #tpu.memory_space<vmem>> -> memref<1x128xi32, #tpu.memory_space<vmem>>
    %dma_start3A_59 = tpu.memref_squeeze %dma_start3A_58 : memref<1x128xi32, #tpu.memory_space<vmem>> -> memref<128xi32, #tpu.memory_space<vmem>>
    %dma_start3A_60 = arith.constant 0 : i32
    %dma_start3A_61 = arith.constant 0 : i32
    %dma_start3A_62 = tpu.memref_slice %arg2[%dma_start3A_60, %dma_start3A_61] : memref<20000x128xf32, #tpu.memory_space<hbm>> -> memref<20000x128xf32, #tpu.memory_space<hbm>>
    tpu.enqueue_indirect_dma source(%dma_start3A_62 : memref<20000x128xf32, #tpu.memory_space<hbm>>) target(%arg11 : memref<128x128xf32, #tpu.memory_space<vmem>>) offsets(%dma_start3A_59 : memref<128xi32, #tpu.memory_space<vmem>>) semaphore(%arg16 : memref<!tpu.dma_semaphore, #tpu.memory_space<semaphore_mem>>)
    %scan3A_63 = arith.constant 0 : i32
    %scan3A_64 = arith.constant 0 : i32
    %scan3A_65 = arith.constant 20 : i32
    %scan3A_66 = arith.addi %scan3A_64, %scan3A_65 : i32
    %scan3A_67 = arith.constant 1 : i32
    scf.for %scan3A_98 = %scan3A_64 to %scan3A_66 step %scan3A_67  : i32 {
      %mul3A_99 = arith.constant 2 : i32
      %mul3A_100 = arith.muli %mul3A_99, %scan3A_98 : i32
      %dma_wait3A = arith.constant 0 : i32
      %dma_wait3A_101 = tpu.memref_slice %arg9[%mul3A_100, %dma_wait3A] : memref<40x128xi32, #tpu.memory_space<vmem>> -> memref<1x128xi32, #tpu.memory_space<vmem>>
      %dma_wait3A_102 = tpu.memref_squeeze %dma_wait3A_101 : memref<1x128xi32, #tpu.memory_space<vmem>> -> memref<128xi32, #tpu.memory_space<vmem>>
      %dma_wait3A_103 = arith.constant 0 : i32
      %dma_wait3A_104 = arith.constant 0 : i32
      %dma_wait3A_105 = tpu.memref_slice %arg2[%dma_wait3A_103, %dma_wait3A_104] : memref<20000x128xf32, #tpu.memory_space<hbm>> -> memref<20000x128xf32, #tpu.memory_space<hbm>>
      tpu.wait_indirect_dma semaphore(%arg16 : memref<!tpu.dma_semaphore, #tpu.memory_space<semaphore_mem>>) src(%dma_wait3A_105 : memref<20000x128xf32, #tpu.memory_space<hbm>>) dst(%arg11 : memref<128x128xf32, #tpu.memory_space<vmem>>)
      %add3A_106 = arith.constant 1 : i32
      %add3A_107 = arith.addi %mul3A_100, %add3A_106 : i32
      %dma_start3A_108 = arith.constant 0 : i32
      %dma_start3A_109 = tpu.memref_slice %arg9[%add3A_107, %dma_start3A_108] : memref<40x128xi32, #tpu.memory_space<vmem>> -> memref<1x128xi32, #tpu.memory_space<vmem>>
      %dma_start3A_110 = tpu.memref_squeeze %dma_start3A_109 : memref<1x128xi32, #tpu.memory_space<vmem>> -> memref<128xi32, #tpu.memory_space<vmem>>
      %dma_start3A_111 = arith.constant 0 : i32
      %dma_start3A_112 = arith.constant 0 : i32
      %dma_start3A_113 = tpu.memref_slice %arg2[%dma_start3A_111, %dma_start3A_112] : memref<20000x128xf32, #tpu.memory_space<hbm>> -> memref<20000x128xf32, #tpu.memory_space<hbm>>
      tpu.enqueue_indirect_dma source(%dma_start3A_113 : memref<20000x128xf32, #tpu.memory_space<hbm>>) target(%arg12 : memref<128x128xf32, #tpu.memory_space<vmem>>) offsets(%dma_start3A_110 : memref<128xi32, #tpu.memory_space<vmem>>) semaphore(%arg17 : memref<!tpu.dma_semaphore, #tpu.memory_space<semaphore_mem>>)
      "tpu.region"() ({
        %run_scoped3A = tpu.sem_alloc : memref<!tpu.dma_semaphore, #tpu.memory_space<semaphore_mem>>
        %dma_start3A_140 = arith.constant 0 : i32
        %dma_start3A_141 = tpu.memref_slice %arg10[%mul3A_100, %dma_start3A_140] : memref<40x128xi32, #tpu.memory_space<vmem>> -> memref<1x128xi32, #tpu.memory_space<vmem>>
        %dma_start3A_142 = tpu.memref_squeeze %dma_start3A_141 : memref<1x128xi32, #tpu.memory_space<vmem>> -> memref<128xi32, #tpu.memory_space<vmem>>
        %dma_start3A_143 = arith.constant 0 : i32
        %dma_start3A_144 = arith.constant 0 : i32
        %dma_start3A_145 = tpu.memref_slice %arg14[%dma_start3A_143, %dma_start3A_144] : memref<10240x128xf32, #tpu.memory_space<vmem_shared>> -> memref<10240x128xf32, #tpu.memory_space<vmem_shared>>
        tpu.enqueue_indirect_dma source(%arg11 : memref<128x128xf32, #tpu.memory_space<vmem>>) target(%dma_start3A_145 : memref<10240x128xf32, #tpu.memory_space<vmem_shared>>) offsets(%dma_start3A_142 : memref<128xi32, #tpu.memory_space<vmem>>) semaphore(%run_scoped3A : memref<!tpu.dma_semaphore, #tpu.memory_space<semaphore_mem>>) {add = true}
        %dma_wait3A_146 = arith.constant 0 : i32
        %dma_wait3A_147 = tpu.memref_slice %arg10[%mul3A_100, %dma_wait3A_146] : memref<40x128xi32, #tpu.memory_space<vmem>> -> memref<1x128xi32, #tpu.memory_space<vmem>>
        %dma_wait3A_148 = tpu.memref_squeeze %dma_wait3A_147 : memref<1x128xi32, #tpu.memory_space<vmem>> -> memref<128xi32, #tpu.memory_space<vmem>>
        %dma_wait3A_149 = arith.constant 0 : i32
        %dma_wait3A_150 = arith.constant 0 : i32
        %dma_wait3A_151 = tpu.memref_slice %arg14[%dma_wait3A_149, %dma_wait3A_150] : memref<10240x128xf32, #tpu.memory_space<vmem_shared>> -> memref<10240x128xf32, #tpu.memory_space<vmem_shared>>
        tpu.wait_indirect_dma semaphore(%run_scoped3A : memref<!tpu.dma_semaphore, #tpu.memory_space<semaphore_mem>>) src(%arg11 : memref<128x128xf32, #tpu.memory_space<vmem>>) dst(%dma_wait3A_151 : memref<10240x128xf32, #tpu.memory_space<vmem_shared>>)
        tpu.yield
      }) : () -> ()
      %eq3A_114 = arith.constant 0 : i32
      %eq3A_115 = arith.cmpi eq, %arg0, %eq3A_114 : i32
      %convert_element_type3A_116 = arith.extui %eq3A_115 : i1 to i32
      %cond3A_117 = arith.constant 0 : i32
      %cond3A_118 = arith.cmpi ne, %convert_element_type3A_116, %cond3A_117 : i32
      scf.if %cond3A_118 {
        "tpu.region"() ({
          %run_scoped3A = tpu.sem_alloc : memref<!tpu.dma_semaphore, #tpu.memory_space<semaphore_mem>>
          %dma_start3A_140 = arith.constant 0 : i32
          %dma_start3A_141 = tpu.memref_slice %arg10[%mul3A_100, %dma_start3A_140] : memref<40x128xi32, #tpu.memory_space<vmem>> -> memref<1x128xi32, #tpu.memory_space<vmem>>
          %dma_start3A_142 = tpu.memref_squeeze %dma_start3A_141 : memref<1x128xi32, #tpu.memory_space<vmem>> -> memref<128xi32, #tpu.memory_space<vmem>>
          %dma_start3A_143 = arith.constant 0 : i32
          %dma_start3A_144 = tpu.memref_slice %arg15[%dma_start3A_143] : memref<10240xf32, #tpu.memory_space<vmem_shared>> -> memref<10240xf32, #tpu.memory_space<vmem_shared>>
          tpu.enqueue_indirect_dma source(%arg13 : memref<128xf32, #tpu.memory_space<vmem>>) target(%dma_start3A_144 : memref<10240xf32, #tpu.memory_space<vmem_shared>>) offsets(%dma_start3A_142 : memref<128xi32, #tpu.memory_space<vmem>>) semaphore(%run_scoped3A : memref<!tpu.dma_semaphore, #tpu.memory_space<semaphore_mem>>) {add = true}
          %dma_wait3A_145 = arith.constant 0 : i32
          %dma_wait3A_146 = tpu.memref_slice %arg10[%mul3A_100, %dma_wait3A_145] : memref<40x128xi32, #tpu.memory_space<vmem>> -> memref<1x128xi32, #tpu.memory_space<vmem>>
          %dma_wait3A_147 = tpu.memref_squeeze %dma_wait3A_146 : memref<1x128xi32, #tpu.memory_space<vmem>> -> memref<128xi32, #tpu.memory_space<vmem>>
          %dma_wait3A_148 = arith.constant 0 : i32
          %dma_wait3A_149 = tpu.memref_slice %arg15[%dma_wait3A_148] : memref<10240xf32, #tpu.memory_space<vmem_shared>> -> memref<10240xf32, #tpu.memory_space<vmem_shared>>
          tpu.wait_indirect_dma semaphore(%run_scoped3A : memref<!tpu.dma_semaphore, #tpu.memory_space<semaphore_mem>>) src(%arg13 : memref<128xf32, #tpu.memory_space<vmem>>) dst(%dma_wait3A_149 : memref<10240xf32, #tpu.memory_space<vmem_shared>>)
          tpu.yield
        }) : () -> ()
      } else {
      }
      %add3A_119 = arith.constant 1 : i32
      %add3A_120 = arith.addi %mul3A_100, %add3A_119 : i32
      %dma_wait3A_121 = arith.constant 0 : i32
      %dma_wait3A_122 = tpu.memref_slice %arg9[%add3A_120, %dma_wait3A_121] : memref<40x128xi32, #tpu.memory_space<vmem>> -> memref<1x128xi32, #tpu.memory_space<vmem>>
      %dma_wait3A_123 = tpu.memref_squeeze %dma_wait3A_122 : memref<1x128xi32, #tpu.memory_space<vmem>> -> memref<128xi32, #tpu.memory_space<vmem>>
      %dma_wait3A_124 = arith.constant 0 : i32
      %dma_wait3A_125 = arith.constant 0 : i32
      %dma_wait3A_126 = tpu.memref_slice %arg2[%dma_wait3A_124, %dma_wait3A_125] : memref<20000x128xf32, #tpu.memory_space<hbm>> -> memref<20000x128xf32, #tpu.memory_space<hbm>>
      tpu.wait_indirect_dma semaphore(%arg17 : memref<!tpu.dma_semaphore, #tpu.memory_space<semaphore_mem>>) src(%dma_wait3A_126 : memref<20000x128xf32, #tpu.memory_space<hbm>>) dst(%arg12 : memref<128x128xf32, #tpu.memory_space<vmem>>)
      %add3A_127 = arith.constant 2 : i32
      %add3A_128 = arith.addi %mul3A_100, %add3A_127 : i32
      %lt3A = arith.constant 40 : i32
      %lt3A_129 = arith.cmpi slt, %add3A_128, %lt3A : i32
      %convert_element_type3A_130 = arith.extui %lt3A_129 : i1 to i32
      %cond3A_131 = arith.constant 0 : i32
      %cond3A_132 = arith.cmpi ne, %convert_element_type3A_130, %cond3A_131 : i32
      scf.if %cond3A_132 {
        %add3A_140 = arith.constant 2 : i32
        %add3A_141 = arith.addi %mul3A_100, %add3A_140 : i32
        %dma_start3A_142 = arith.constant 0 : i32
        %dma_start3A_143 = tpu.memref_slice %arg9[%add3A_141, %dma_start3A_142] : memref<40x128xi32, #tpu.memory_space<vmem>> -> memref<1x128xi32, #tpu.memory_space<vmem>>
        %dma_start3A_144 = tpu.memref_squeeze %dma_start3A_143 : memref<1x128xi32, #tpu.memory_space<vmem>> -> memref<128xi32, #tpu.memory_space<vmem>>
        %dma_start3A_145 = arith.constant 0 : i32
        %dma_start3A_146 = arith.constant 0 : i32
        %dma_start3A_147 = tpu.memref_slice %arg2[%dma_start3A_145, %dma_start3A_146] : memref<20000x128xf32, #tpu.memory_space<hbm>> -> memref<20000x128xf32, #tpu.memory_space<hbm>>
        tpu.enqueue_indirect_dma source(%dma_start3A_147 : memref<20000x128xf32, #tpu.memory_space<hbm>>) target(%arg11 : memref<128x128xf32, #tpu.memory_space<vmem>>) offsets(%dma_start3A_144 : memref<128xi32, #tpu.memory_space<vmem>>) semaphore(%arg16 : memref<!tpu.dma_semaphore, #tpu.memory_space<semaphore_mem>>)
      } else {
      }
      %add3A_133 = arith.constant 1 : i32
      %add3A_134 = arith.addi %mul3A_100, %add3A_133 : i32
      "tpu.region"() ({
        %run_scoped3A = tpu.sem_alloc : memref<!tpu.dma_semaphore, #tpu.memory_space<semaphore_mem>>
        %dma_start3A_140 = arith.constant 0 : i32
        %dma_start3A_141 = tpu.memref_slice %arg10[%add3A_134, %dma_start3A_140] : memref<40x128xi32, #tpu.memory_space<vmem>> -> memref<1x128xi32, #tpu.memory_space<vmem>>
        %dma_start3A_142 = tpu.memref_squeeze %dma_start3A_141 : memref<1x128xi32, #tpu.memory_space<vmem>> -> memref<128xi32, #tpu.memory_space<vmem>>
        %dma_start3A_143 = arith.constant 0 : i32
        %dma_start3A_144 = arith.constant 0 : i32
        %dma_start3A_145 = tpu.memref_slice %arg14[%dma_start3A_143, %dma_start3A_144] : memref<10240x128xf32, #tpu.memory_space<vmem_shared>> -> memref<10240x128xf32, #tpu.memory_space<vmem_shared>>
        tpu.enqueue_indirect_dma source(%arg12 : memref<128x128xf32, #tpu.memory_space<vmem>>) target(%dma_start3A_145 : memref<10240x128xf32, #tpu.memory_space<vmem_shared>>) offsets(%dma_start3A_142 : memref<128xi32, #tpu.memory_space<vmem>>) semaphore(%run_scoped3A : memref<!tpu.dma_semaphore, #tpu.memory_space<semaphore_mem>>) {add = true}
        %dma_wait3A_146 = arith.constant 0 : i32
        %dma_wait3A_147 = tpu.memref_slice %arg10[%add3A_134, %dma_wait3A_146] : memref<40x128xi32, #tpu.memory_space<vmem>> -> memref<1x128xi32, #tpu.memory_space<vmem>>
        %dma_wait3A_148 = tpu.memref_squeeze %dma_wait3A_147 : memref<1x128xi32, #tpu.memory_space<vmem>> -> memref<128xi32, #tpu.memory_space<vmem>>
        %dma_wait3A_149 = arith.constant 0 : i32
        %dma_wait3A_150 = arith.constant 0 : i32
        %dma_wait3A_151 = tpu.memref_slice %arg14[%dma_wait3A_149, %dma_wait3A_150] : memref<10240x128xf32, #tpu.memory_space<vmem_shared>> -> memref<10240x128xf32, #tpu.memory_space<vmem_shared>>
        tpu.wait_indirect_dma semaphore(%run_scoped3A : memref<!tpu.dma_semaphore, #tpu.memory_space<semaphore_mem>>) src(%arg12 : memref<128x128xf32, #tpu.memory_space<vmem>>) dst(%dma_wait3A_151 : memref<10240x128xf32, #tpu.memory_space<vmem_shared>>)
        tpu.yield
      }) : () -> ()
      %eq3A_135 = arith.constant 0 : i32
      %eq3A_136 = arith.cmpi eq, %arg0, %eq3A_135 : i32
      %convert_element_type3A_137 = arith.extui %eq3A_136 : i1 to i32
      %cond3A_138 = arith.constant 0 : i32
      %cond3A_139 = arith.cmpi ne, %convert_element_type3A_137, %cond3A_138 : i32
      scf.if %cond3A_139 {
        "tpu.region"() ({
          %run_scoped3A = tpu.sem_alloc : memref<!tpu.dma_semaphore, #tpu.memory_space<semaphore_mem>>
          %dma_start3A_140 = arith.constant 0 : i32
          %dma_start3A_141 = tpu.memref_slice %arg10[%add3A_134, %dma_start3A_140] : memref<40x128xi32, #tpu.memory_space<vmem>> -> memref<1x128xi32, #tpu.memory_space<vmem>>
          %dma_start3A_142 = tpu.memref_squeeze %dma_start3A_141 : memref<1x128xi32, #tpu.memory_space<vmem>> -> memref<128xi32, #tpu.memory_space<vmem>>
          %dma_start3A_143 = arith.constant 0 : i32
          %dma_start3A_144 = tpu.memref_slice %arg15[%dma_start3A_143] : memref<10240xf32, #tpu.memory_space<vmem_shared>> -> memref<10240xf32, #tpu.memory_space<vmem_shared>>
          tpu.enqueue_indirect_dma source(%arg13 : memref<128xf32, #tpu.memory_space<vmem>>) target(%dma_start3A_144 : memref<10240xf32, #tpu.memory_space<vmem_shared>>) offsets(%dma_start3A_142 : memref<128xi32, #tpu.memory_space<vmem>>) semaphore(%run_scoped3A : memref<!tpu.dma_semaphore, #tpu.memory_space<semaphore_mem>>) {add = true}
          %dma_wait3A_145 = arith.constant 0 : i32
          %dma_wait3A_146 = tpu.memref_slice %arg10[%add3A_134, %dma_wait3A_145] : memref<40x128xi32, #tpu.memory_space<vmem>> -> memref<1x128xi32, #tpu.memory_space<vmem>>
          %dma_wait3A_147 = tpu.memref_squeeze %dma_wait3A_146 : memref<1x128xi32, #tpu.memory_space<vmem>> -> memref<128xi32, #tpu.memory_space<vmem>>
          %dma_wait3A_148 = arith.constant 0 : i32
          %dma_wait3A_149 = tpu.memref_slice %arg15[%dma_wait3A_148] : memref<10240xf32, #tpu.memory_space<vmem_shared>> -> memref<10240xf32, #tpu.memory_space<vmem_shared>>
          tpu.wait_indirect_dma semaphore(%run_scoped3A : memref<!tpu.dma_semaphore, #tpu.memory_space<semaphore_mem>>) src(%arg13 : memref<128xf32, #tpu.memory_space<vmem>>) dst(%dma_wait3A_149 : memref<10240xf32, #tpu.memory_space<vmem_shared>>)
          tpu.yield
        }) : () -> ()
      } else {
      }
    }
    %scan3A_68 = arith.constant 20 : i32
    "tpu.region"() ({
      %run_scoped3A = tpu.sem_alloc : memref<!tpu.dma_semaphore, #tpu.memory_space<semaphore_mem>>
      %dma_start3A_98 = arith.constant 40 : i32
      %dma_start3A_99 = arith.constant 0 : i32
      %dma_start3A_100 = tpu.memref_slice %arg3[%arg1, %dma_start3A_98, %dma_start3A_99] : memref<16x80x128xi32, #tpu.memory_space<hbm>> -> memref<1x40x128xi32, #tpu.memory_space<hbm>>
      %dma_start3A_101 = tpu.memref_squeeze %dma_start3A_100 : memref<1x40x128xi32, #tpu.memory_space<hbm>> -> memref<40x128xi32, #tpu.memory_space<hbm>>
      %dma_start3A_102 = arith.constant 40 : i32
      %dma_start3A_103 = arith.constant 0 : i32
      %dma_start3A_104 = tpu.memref_slice %arg3[%arg1, %dma_start3A_102, %dma_start3A_103] : memref<16x80x128xi32, #tpu.memory_space<hbm>> -> memref<1x40x128xi32, #tpu.memory_space<hbm>>
      %dma_start3A_105 = tpu.memref_squeeze %dma_start3A_104 : memref<1x40x128xi32, #tpu.memory_space<hbm>> -> memref<40x128xi32, #tpu.memory_space<hbm>>
      tpu.enqueue_dma source(%dma_start3A_105 : memref<40x128xi32, #tpu.memory_space<hbm>>) target(%arg9 : memref<40x128xi32, #tpu.memory_space<vmem>>) target_semaphore(%run_scoped3A : memref<!tpu.dma_semaphore, #tpu.memory_space<semaphore_mem>>)
      %dma_wait3A = arith.constant 40 : i32
      %dma_wait3A_106 = arith.constant 0 : i32
      %dma_wait3A_107 = tpu.memref_slice %arg3[%arg1, %dma_wait3A, %dma_wait3A_106] : memref<16x80x128xi32, #tpu.memory_space<hbm>> -> memref<1x40x128xi32, #tpu.memory_space<hbm>>
      %dma_wait3A_108 = tpu.memref_squeeze %dma_wait3A_107 : memref<1x40x128xi32, #tpu.memory_space<hbm>> -> memref<40x128xi32, #tpu.memory_space<hbm>>
      %dma_wait3A_109 = arith.constant 40 : i32
      %dma_wait3A_110 = arith.constant 0 : i32
      %dma_wait3A_111 = tpu.memref_slice %arg3[%arg1, %dma_wait3A_109, %dma_wait3A_110] : memref<16x80x128xi32, #tpu.memory_space<hbm>> -> memref<1x40x128xi32, #tpu.memory_space<hbm>>
      %dma_wait3A_112 = tpu.memref_squeeze %dma_wait3A_111 : memref<1x40x128xi32, #tpu.memory_space<hbm>> -> memref<40x128xi32, #tpu.memory_space<hbm>>
      tpu.wait_dma2 semaphore(%run_scoped3A : memref<!tpu.dma_semaphore, #tpu.memory_space<semaphore_mem>>) src(%dma_wait3A_112 : memref<40x128xi32, #tpu.memory_space<hbm>>) dst(%arg9 : memref<40x128xi32, #tpu.memory_space<vmem>>)
      tpu.yield
    }) : () -> ()
    "tpu.region"() ({
      %run_scoped3A = tpu.sem_alloc : memref<!tpu.dma_semaphore, #tpu.memory_space<semaphore_mem>>
      %dma_start3A_98 = arith.constant 40 : i32
      %dma_start3A_99 = arith.constant 0 : i32
      %dma_start3A_100 = tpu.memref_slice %arg4[%arg1, %dma_start3A_98, %dma_start3A_99] : memref<16x80x128xi32, #tpu.memory_space<hbm>> -> memref<1x40x128xi32, #tpu.memory_space<hbm>>
      %dma_start3A_101 = tpu.memref_squeeze %dma_start3A_100 : memref<1x40x128xi32, #tpu.memory_space<hbm>> -> memref<40x128xi32, #tpu.memory_space<hbm>>
      %dma_start3A_102 = arith.constant 40 : i32
      %dma_start3A_103 = arith.constant 0 : i32
      %dma_start3A_104 = tpu.memref_slice %arg4[%arg1, %dma_start3A_102, %dma_start3A_103] : memref<16x80x128xi32, #tpu.memory_space<hbm>> -> memref<1x40x128xi32, #tpu.memory_space<hbm>>
      %dma_start3A_105 = tpu.memref_squeeze %dma_start3A_104 : memref<1x40x128xi32, #tpu.memory_space<hbm>> -> memref<40x128xi32, #tpu.memory_space<hbm>>
      tpu.enqueue_dma source(%dma_start3A_105 : memref<40x128xi32, #tpu.memory_space<hbm>>) target(%arg10 : memref<40x128xi32, #tpu.memory_space<vmem>>) target_semaphore(%run_scoped3A : memref<!tpu.dma_semaphore, #tpu.memory_space<semaphore_mem>>)
      %dma_wait3A = arith.constant 40 : i32
      %dma_wait3A_106 = arith.constant 0 : i32
      %dma_wait3A_107 = tpu.memref_slice %arg4[%arg1, %dma_wait3A, %dma_wait3A_106] : memref<16x80x128xi32, #tpu.memory_space<hbm>> -> memref<1x40x128xi32, #tpu.memory_space<hbm>>
      %dma_wait3A_108 = tpu.memref_squeeze %dma_wait3A_107 : memref<1x40x128xi32, #tpu.memory_space<hbm>> -> memref<40x128xi32, #tpu.memory_space<hbm>>
      %dma_wait3A_109 = arith.constant 40 : i32
      %dma_wait3A_110 = arith.constant 0 : i32
      %dma_wait3A_111 = tpu.memref_slice %arg4[%arg1, %dma_wait3A_109, %dma_wait3A_110] : memref<16x80x128xi32, #tpu.memory_space<hbm>> -> memref<1x40x128xi32, #tpu.memory_space<hbm>>
      %dma_wait3A_112 = tpu.memref_squeeze %dma_wait3A_111 : memref<1x40x128xi32, #tpu.memory_space<hbm>> -> memref<40x128xi32, #tpu.memory_space<hbm>>
      tpu.wait_dma2 semaphore(%run_scoped3A : memref<!tpu.dma_semaphore, #tpu.memory_space<semaphore_mem>>) src(%dma_wait3A_112 : memref<40x128xi32, #tpu.memory_space<hbm>>) dst(%arg10 : memref<40x128xi32, #tpu.memory_space<vmem>>)
      tpu.yield
    }) : () -> ()
    %scan3A_69 = arith.constant 0 : i32
    %scan3A_70 = arith.constant 0 : i32
    %scan3A_71 = arith.constant 40 : i32
    %scan3A_72 = arith.addi %scan3A_70, %scan3A_71 : i32
    %scan3A_73 = arith.constant 1 : i32
    scf.for %scan3A_98 = %scan3A_70 to %scan3A_72 step %scan3A_73  : i32 {
      %get3A = arith.index_cast %scan3A_98 : i32 to index
      %get3A_99 = arith.constant 0 : index
      %get3A_100 = tpu.vector_load %arg9[%get3A, %get3A_99] {strides = array<i32>} : memref<40x128xi32, #tpu.memory_space<vmem>>, vector<1x16xi32>,
      %get3A_101 = vector.shape_cast %get3A_100 : vector<1x16xi32> to vector<16xi32>
      %mul3A_102 = arith.constant 2 : i32
      %mul3A_103 = vector.broadcast %mul3A_102 : i32 to vector<16xi32>
      %mul3A_104 = arith.muli %get3A_101, %mul3A_103 : vector<16xi32>
      %add3A_105 = vector.broadcast %add3A_47 : i32 to vector<16xi32>
      %add3A_106 = arith.addi %mul3A_104, %add3A_105 : vector<16xi32>
      %swap3A_107 = arith.index_cast %scan3A_98 : i32 to index
      %swap3A_108 = arith.constant 0 : index
      %swap3A_109 = tpu.vector_load %arg9[%swap3A_107, %swap3A_108] {strides = array<i32>} : memref<40x128xi32, #tpu.memory_space<vmem>>, vector<1x16xi32>,
      %swap3A_110 = vector.shape_cast %swap3A_109 : vector<1x16xi32> to vector<16xi32>
      %swap3A_111 = vector.shape_cast %add3A_106 : vector<16xi32> to vector<1x16xi32>
      tpu.vector_store %arg9[%swap3A_107, %swap3A_108], %swap3A_111 {strides = array<i32>} : memref<40x128xi32, #tpu.memory_space<vmem>>, vector<1x16xi32>,
      %get3A_112 = arith.index_cast %scan3A_98 : i32 to index
      %get3A_113 = arith.constant 16 : index
      %get3A_114 = tpu.vector_load %arg9[%get3A_112, %get3A_113] {strides = array<i32>} : memref<40x128xi32, #tpu.memory_space<vmem>>, vector<1x16xi32>,
      %get3A_115 = vector.shape_cast %get3A_114 : vector<1x16xi32> to vector<16xi32>
      %mul3A_116 = arith.constant 2 : i32
      %mul3A_117 = vector.broadcast %mul3A_116 : i32 to vector<16xi32>
      %mul3A_118 = arith.muli %get3A_115, %mul3A_117 : vector<16xi32>
      %add3A_119 = vector.broadcast %add3A_47 : i32 to vector<16xi32>
      %add3A_120 = arith.addi %mul3A_118, %add3A_119 : vector<16xi32>
      %swap3A_121 = arith.index_cast %scan3A_98 : i32 to index
      %swap3A_122 = arith.constant 16 : index
      %swap3A_123 = tpu.vector_load %arg9[%swap3A_121, %swap3A_122] {strides = array<i32>} : memref<40x128xi32, #tpu.memory_space<vmem>>, vector<1x16xi32>,
      %swap3A_124 = vector.shape_cast %swap3A_123 : vector<1x16xi32> to vector<16xi32>
      %swap3A_125 = vector.shape_cast %add3A_120 : vector<16xi32> to vector<1x16xi32>
      tpu.vector_store %arg9[%swap3A_121, %swap3A_122], %swap3A_125 {strides = array<i32>} : memref<40x128xi32, #tpu.memory_space<vmem>>, vector<1x16xi32>,
      %get3A_126 = arith.index_cast %scan3A_98 : i32 to index
      %get3A_127 = arith.constant 32 : index
      %get3A_128 = tpu.vector_load %arg9[%get3A_126, %get3A_127] {strides = array<i32>} : memref<40x128xi32, #tpu.memory_space<vmem>>, vector<1x16xi32>,
      %get3A_129 = vector.shape_cast %get3A_128 : vector<1x16xi32> to vector<16xi32>
      %mul3A_130 = arith.constant 2 : i32
      %mul3A_131 = vector.broadcast %mul3A_130 : i32 to vector<16xi32>
      %mul3A_132 = arith.muli %get3A_129, %mul3A_131 : vector<16xi32>
      %add3A_133 = vector.broadcast %add3A_47 : i32 to vector<16xi32>
      %add3A_134 = arith.addi %mul3A_132, %add3A_133 : vector<16xi32>
      %swap3A_135 = arith.index_cast %scan3A_98 : i32 to index
      %swap3A_136 = arith.constant 32 : index
      %swap3A_137 = tpu.vector_load %arg9[%swap3A_135, %swap3A_136] {strides = array<i32>} : memref<40x128xi32, #tpu.memory_space<vmem>>, vector<1x16xi32>,
      %swap3A_138 = vector.shape_cast %swap3A_137 : vector<1x16xi32> to vector<16xi32>
      %swap3A_139 = vector.shape_cast %add3A_134 : vector<16xi32> to vector<1x16xi32>
      tpu.vector_store %arg9[%swap3A_135, %swap3A_136], %swap3A_139 {strides = array<i32>} : memref<40x128xi32, #tpu.memory_space<vmem>>, vector<1x16xi32>,
      %get3A_140 = arith.index_cast %scan3A_98 : i32 to index
      %get3A_141 = arith.constant 48 : index
      %get3A_142 = tpu.vector_load %arg9[%get3A_140, %get3A_141] {strides = array<i32>} : memref<40x128xi32, #tpu.memory_space<vmem>>, vector<1x16xi32>,
      %get3A_143 = vector.shape_cast %get3A_142 : vector<1x16xi32> to vector<16xi32>
      %mul3A_144 = arith.constant 2 : i32
      %mul3A_145 = vector.broadcast %mul3A_144 : i32 to vector<16xi32>
      %mul3A_146 = arith.muli %get3A_143, %mul3A_145 : vector<16xi32>
      %add3A_147 = vector.broadcast %add3A_47 : i32 to vector<16xi32>
      %add3A_148 = arith.addi %mul3A_146, %add3A_147 : vector<16xi32>
      %swap3A_149 = arith.index_cast %scan3A_98 : i32 to index
      %swap3A_150 = arith.constant 48 : index
      %swap3A_151 = tpu.vector_load %arg9[%swap3A_149, %swap3A_150] {strides = array<i32>} : memref<40x128xi32, #tpu.memory_space<vmem>>, vector<1x16xi32>,
      %swap3A_152 = vector.shape_cast %swap3A_151 : vector<1x16xi32> to vector<16xi32>
      %swap3A_153 = vector.shape_cast %add3A_148 : vector<16xi32> to vector<1x16xi32>
      tpu.vector_store %arg9[%swap3A_149, %swap3A_150], %swap3A_153 {strides = array<i32>} : memref<40x128xi32, #tpu.memory_space<vmem>>, vector<1x16xi32>,
      %get3A_154 = arith.index_cast %scan3A_98 : i32 to index
      %get3A_155 = arith.constant 64 : index
      %get3A_156 = tpu.vector_load %arg9[%get3A_154, %get3A_155] {strides = array<i32>} : memref<40x128xi32, #tpu.memory_space<vmem>>, vector<1x16xi32>,
      %get3A_157 = vector.shape_cast %get3A_156 : vector<1x16xi32> to vector<16xi32>
      %mul3A_158 = arith.constant 2 : i32
      %mul3A_159 = vector.broadcast %mul3A_158 : i32 to vector<16xi32>
      %mul3A_160 = arith.muli %get3A_157, %mul3A_159 : vector<16xi32>
      %add3A_161 = vector.broadcast %add3A_47 : i32 to vector<16xi32>
      %add3A_162 = arith.addi %mul3A_160, %add3A_161 : vector<16xi32>
      %swap3A_163 = arith.index_cast %scan3A_98 : i32 to index
      %swap3A_164 = arith.constant 64 : index
      %swap3A_165 = tpu.vector_load %arg9[%swap3A_163, %swap3A_164] {strides = array<i32>} : memref<40x128xi32, #tpu.memory_space<vmem>>, vector<1x16xi32>,
      %swap3A_166 = vector.shape_cast %swap3A_165 : vector<1x16xi32> to vector<16xi32>
      %swap3A_167 = vector.shape_cast %add3A_162 : vector<16xi32> to vector<1x16xi32>
      tpu.vector_store %arg9[%swap3A_163, %swap3A_164], %swap3A_167 {strides = array<i32>} : memref<40x128xi32, #tpu.memory_space<vmem>>, vector<1x16xi32>,
      %get3A_168 = arith.index_cast %scan3A_98 : i32 to index
      %get3A_169 = arith.constant 80 : index
      %get3A_170 = tpu.vector_load %arg9[%get3A_168, %get3A_169] {strides = array<i32>} : memref<40x128xi32, #tpu.memory_space<vmem>>, vector<1x16xi32>,
      %get3A_171 = vector.shape_cast %get3A_170 : vector<1x16xi32> to vector<16xi32>
      %mul3A_172 = arith.constant 2 : i32
      %mul3A_173 = vector.broadcast %mul3A_172 : i32 to vector<16xi32>
      %mul3A_174 = arith.muli %get3A_171, %mul3A_173 : vector<16xi32>
      %add3A_175 = vector.broadcast %add3A_47 : i32 to vector<16xi32>
      %add3A_176 = arith.addi %mul3A_174, %add3A_175 : vector<16xi32>
      %swap3A_177 = arith.index_cast %scan3A_98 : i32 to index
      %swap3A_178 = arith.constant 80 : index
      %swap3A_179 = tpu.vector_load %arg9[%swap3A_177, %swap3A_178] {strides = array<i32>} : memref<40x128xi32, #tpu.memory_space<vmem>>, vector<1x16xi32>,
      %swap3A_180 = vector.shape_cast %swap3A_179 : vector<1x16xi32> to vector<16xi32>
      %swap3A_181 = vector.shape_cast %add3A_176 : vector<16xi32> to vector<1x16xi32>
      tpu.vector_store %arg9[%swap3A_177, %swap3A_178], %swap3A_181 {strides = array<i32>} : memref<40x128xi32, #tpu.memory_space<vmem>>, vector<1x16xi32>,
      %get3A_182 = arith.index_cast %scan3A_98 : i32 to index
      %get3A_183 = arith.constant 96 : index
      %get3A_184 = tpu.vector_load %arg9[%get3A_182, %get3A_183] {strides = array<i32>} : memref<40x128xi32, #tpu.memory_space<vmem>>, vector<1x16xi32>,
      %get3A_185 = vector.shape_cast %get3A_184 : vector<1x16xi32> to vector<16xi32>
      %mul3A_186 = arith.constant 2 : i32
      %mul3A_187 = vector.broadcast %mul3A_186 : i32 to vector<16xi32>
      %mul3A_188 = arith.muli %get3A_185, %mul3A_187 : vector<16xi32>
      %add3A_189 = vector.broadcast %add3A_47 : i32 to vector<16xi32>
      %add3A_190 = arith.addi %mul3A_188, %add3A_189 : vector<16xi32>
      %swap3A_191 = arith.index_cast %scan3A_98 : i32 to index
      %swap3A_192 = arith.constant 96 : index
      %swap3A_193 = tpu.vector_load %arg9[%swap3A_191, %swap3A_192] {strides = array<i32>} : memref<40x128xi32, #tpu.memory_space<vmem>>, vector<1x16xi32>,
      %swap3A_194 = vector.shape_cast %swap3A_193 : vector<1x16xi32> to vector<16xi32>
      %swap3A_195 = vector.shape_cast %add3A_190 : vector<16xi32> to vector<1x16xi32>
      tpu.vector_store %arg9[%swap3A_191, %swap3A_192], %swap3A_195 {strides = array<i32>} : memref<40x128xi32, #tpu.memory_space<vmem>>, vector<1x16xi32>,
      %get3A_196 = arith.index_cast %scan3A_98 : i32 to index
      %get3A_197 = arith.constant 112 : index
      %get3A_198 = tpu.vector_load %arg9[%get3A_196, %get3A_197] {strides = array<i32>} : memref<40x128xi32, #tpu.memory_space<vmem>>, vector<1x16xi32>,
      %get3A_199 = vector.shape_cast %get3A_198 : vector<1x16xi32> to vector<16xi32>
      %mul3A_200 = arith.constant 2 : i32
      %mul3A_201 = vector.broadcast %mul3A_200 : i32 to vector<16xi32>
      %mul3A_202 = arith.muli %get3A_199, %mul3A_201 : vector<16xi32>
      %add3A_203 = vector.broadcast %add3A_47 : i32 to vector<16xi32>
      %add3A_204 = arith.addi %mul3A_202, %add3A_203 : vector<16xi32>
      %swap3A_205 = arith.index_cast %scan3A_98 : i32 to index
      %swap3A_206 = arith.constant 112 : index
      %swap3A_207 = tpu.vector_load %arg9[%swap3A_205, %swap3A_206] {strides = array<i32>} : memref<40x128xi32, #tpu.memory_space<vmem>>, vector<1x16xi32>,
      %swap3A_208 = vector.shape_cast %swap3A_207 : vector<1x16xi32> to vector<16xi32>
      %swap3A_209 = vector.shape_cast %add3A_204 : vector<16xi32> to vector<1x16xi32>
      tpu.vector_store %arg9[%swap3A_205, %swap3A_206], %swap3A_209 {strides = array<i32>} : memref<40x128xi32, #tpu.memory_space<vmem>>, vector<1x16xi32>,
    }
    %scan3A_74 = arith.constant 40 : i32
    %dma_start3A_75 = arith.constant 0 : i32
    %dma_start3A_76 = arith.constant 0 : i32
    %dma_start3A_77 = tpu.memref_slice %arg9[%dma_start3A_75, %dma_start3A_76] : memref<40x128xi32, #tpu.memory_space<vmem>> -> memref<1x128xi32, #tpu.memory_space<vmem>>
    %dma_start3A_78 = tpu.memref_squeeze %dma_start3A_77 : memref<1x128xi32, #tpu.memory_space<vmem>> -> memref<128xi32, #tpu.memory_space<vmem>>
    %dma_start3A_79 = arith.constant 0 : i32
    %dma_start3A_80 = arith.constant 0 : i32
    %dma_start3A_81 = tpu.memref_slice %arg2[%dma_start3A_79, %dma_start3A_80] : memref<20000x128xf32, #tpu.memory_space<hbm>> -> memref<20000x128xf32, #tpu.memory_space<hbm>>
    tpu.enqueue_indirect_dma source(%dma_start3A_81 : memref<20000x128xf32, #tpu.memory_space<hbm>>) target(%arg11 : memref<128x128xf32, #tpu.memory_space<vmem>>) offsets(%dma_start3A_78 : memref<128xi32, #tpu.memory_space<vmem>>) semaphore(%arg16 : memref<!tpu.dma_semaphore, #tpu.memory_space<semaphore_mem>>)
    %scan3A_82 = arith.constant 0 : i32
    %scan3A_83 = arith.constant 0 : i32
    %scan3A_84 = arith.constant 20 : i32
    %scan3A_85 = arith.addi %scan3A_83, %scan3A_84 : i32
    %scan3A_86 = arith.constant 1 : i32
    scf.for %scan3A_98 = %scan3A_83 to %scan3A_85 step %scan3A_86  : i32 {
      %mul3A_99 = arith.constant 2 : i32
      %mul3A_100 = arith.muli %mul3A_99, %scan3A_98 : i32
      %dma_wait3A = arith.constant 0 : i32
      %dma_wait3A_101 = tpu.memref_slice %arg9[%mul3A_100, %dma_wait3A] : memref<40x128xi32, #tpu.memory_space<vmem>> -> memref<1x128xi32, #tpu.memory_space<vmem>>
      %dma_wait3A_102 = tpu.memref_squeeze %dma_wait3A_101 : memref<1x128xi32, #tpu.memory_space<vmem>> -> memref<128xi32, #tpu.memory_space<vmem>>
      %dma_wait3A_103 = arith.constant 0 : i32
      %dma_wait3A_104 = arith.constant 0 : i32
      %dma_wait3A_105 = tpu.memref_slice %arg2[%dma_wait3A_103, %dma_wait3A_104] : memref<20000x128xf32, #tpu.memory_space<hbm>> -> memref<20000x128xf32, #tpu.memory_space<hbm>>
      tpu.wait_indirect_dma semaphore(%arg16 : memref<!tpu.dma_semaphore, #tpu.memory_space<semaphore_mem>>) src(%dma_wait3A_105 : memref<20000x128xf32, #tpu.memory_space<hbm>>) dst(%arg11 : memref<128x128xf32, #tpu.memory_space<vmem>>)
      %add3A_106 = arith.constant 1 : i32
      %add3A_107 = arith.addi %mul3A_100, %add3A_106 : i32
      %dma_start3A_108 = arith.constant 0 : i32
      %dma_start3A_109 = tpu.memref_slice %arg9[%add3A_107, %dma_start3A_108] : memref<40x128xi32, #tpu.memory_space<vmem>> -> memref<1x128xi32, #tpu.memory_space<vmem>>
      %dma_start3A_110 = tpu.memref_squeeze %dma_start3A_109 : memref<1x128xi32, #tpu.memory_space<vmem>> -> memref<128xi32, #tpu.memory_space<vmem>>
      %dma_start3A_111 = arith.constant 0 : i32
      %dma_start3A_112 = arith.constant 0 : i32
      %dma_start3A_113 = tpu.memref_slice %arg2[%dma_start3A_111, %dma_start3A_112] : memref<20000x128xf32, #tpu.memory_space<hbm>> -> memref<20000x128xf32, #tpu.memory_space<hbm>>
      tpu.enqueue_indirect_dma source(%dma_start3A_113 : memref<20000x128xf32, #tpu.memory_space<hbm>>) target(%arg12 : memref<128x128xf32, #tpu.memory_space<vmem>>) offsets(%dma_start3A_110 : memref<128xi32, #tpu.memory_space<vmem>>) semaphore(%arg17 : memref<!tpu.dma_semaphore, #tpu.memory_space<semaphore_mem>>)
      "tpu.region"() ({
        %run_scoped3A = tpu.sem_alloc : memref<!tpu.dma_semaphore, #tpu.memory_space<semaphore_mem>>
        %dma_start3A_140 = arith.constant 0 : i32
        %dma_start3A_141 = tpu.memref_slice %arg10[%mul3A_100, %dma_start3A_140] : memref<40x128xi32, #tpu.memory_space<vmem>> -> memref<1x128xi32, #tpu.memory_space<vmem>>
        %dma_start3A_142 = tpu.memref_squeeze %dma_start3A_141 : memref<1x128xi32, #tpu.memory_space<vmem>> -> memref<128xi32, #tpu.memory_space<vmem>>
        %dma_start3A_143 = arith.constant 0 : i32
        %dma_start3A_144 = arith.constant 0 : i32
        %dma_start3A_145 = tpu.memref_slice %arg14[%dma_start3A_143, %dma_start3A_144] : memref<10240x128xf32, #tpu.memory_space<vmem_shared>> -> memref<10240x128xf32, #tpu.memory_space<vmem_shared>>
        tpu.enqueue_indirect_dma source(%arg11 : memref<128x128xf32, #tpu.memory_space<vmem>>) target(%dma_start3A_145 : memref<10240x128xf32, #tpu.memory_space<vmem_shared>>) offsets(%dma_start3A_142 : memref<128xi32, #tpu.memory_space<vmem>>) semaphore(%run_scoped3A : memref<!tpu.dma_semaphore, #tpu.memory_space<semaphore_mem>>) {add = true}
        %dma_wait3A_146 = arith.constant 0 : i32
        %dma_wait3A_147 = tpu.memref_slice %arg10[%mul3A_100, %dma_wait3A_146] : memref<40x128xi32, #tpu.memory_space<vmem>> -> memref<1x128xi32, #tpu.memory_space<vmem>>
        %dma_wait3A_148 = tpu.memref_squeeze %dma_wait3A_147 : memref<1x128xi32, #tpu.memory_space<vmem>> -> memref<128xi32, #tpu.memory_space<vmem>>
        %dma_wait3A_149 = arith.constant 0 : i32
        %dma_wait3A_150 = arith.constant 0 : i32
        %dma_wait3A_151 = tpu.memref_slice %arg14[%dma_wait3A_149, %dma_wait3A_150] : memref<10240x128xf32, #tpu.memory_space<vmem_shared>> -> memref<10240x128xf32, #tpu.memory_space<vmem_shared>>
        tpu.wait_indirect_dma semaphore(%run_scoped3A : memref<!tpu.dma_semaphore, #tpu.memory_space<semaphore_mem>>) src(%arg11 : memref<128x128xf32, #tpu.memory_space<vmem>>) dst(%dma_wait3A_151 : memref<10240x128xf32, #tpu.memory_space<vmem_shared>>)
        tpu.yield
      }) : () -> ()
      %eq3A_114 = arith.constant 0 : i32
      %eq3A_115 = arith.cmpi eq, %arg0, %eq3A_114 : i32
      %convert_element_type3A_116 = arith.extui %eq3A_115 : i1 to i32
      %cond3A_117 = arith.constant 0 : i32
      %cond3A_118 = arith.cmpi ne, %convert_element_type3A_116, %cond3A_117 : i32
      scf.if %cond3A_118 {
        "tpu.region"() ({
          %run_scoped3A = tpu.sem_alloc : memref<!tpu.dma_semaphore, #tpu.memory_space<semaphore_mem>>
          %dma_start3A_140 = arith.constant 0 : i32
          %dma_start3A_141 = tpu.memref_slice %arg10[%mul3A_100, %dma_start3A_140] : memref<40x128xi32, #tpu.memory_space<vmem>> -> memref<1x128xi32, #tpu.memory_space<vmem>>
          %dma_start3A_142 = tpu.memref_squeeze %dma_start3A_141 : memref<1x128xi32, #tpu.memory_space<vmem>> -> memref<128xi32, #tpu.memory_space<vmem>>
          %dma_start3A_143 = arith.constant 0 : i32
          %dma_start3A_144 = tpu.memref_slice %arg15[%dma_start3A_143] : memref<10240xf32, #tpu.memory_space<vmem_shared>> -> memref<10240xf32, #tpu.memory_space<vmem_shared>>
          tpu.enqueue_indirect_dma source(%arg13 : memref<128xf32, #tpu.memory_space<vmem>>) target(%dma_start3A_144 : memref<10240xf32, #tpu.memory_space<vmem_shared>>) offsets(%dma_start3A_142 : memref<128xi32, #tpu.memory_space<vmem>>) semaphore(%run_scoped3A : memref<!tpu.dma_semaphore, #tpu.memory_space<semaphore_mem>>) {add = true}
          %dma_wait3A_145 = arith.constant 0 : i32
          %dma_wait3A_146 = tpu.memref_slice %arg10[%mul3A_100, %dma_wait3A_145] : memref<40x128xi32, #tpu.memory_space<vmem>> -> memref<1x128xi32, #tpu.memory_space<vmem>>
          %dma_wait3A_147 = tpu.memref_squeeze %dma_wait3A_146 : memref<1x128xi32, #tpu.memory_space<vmem>> -> memref<128xi32, #tpu.memory_space<vmem>>
          %dma_wait3A_148 = arith.constant 0 : i32
          %dma_wait3A_149 = tpu.memref_slice %arg15[%dma_wait3A_148] : memref<10240xf32, #tpu.memory_space<vmem_shared>> -> memref<10240xf32, #tpu.memory_space<vmem_shared>>
          tpu.wait_indirect_dma semaphore(%run_scoped3A : memref<!tpu.dma_semaphore, #tpu.memory_space<semaphore_mem>>) src(%arg13 : memref<128xf32, #tpu.memory_space<vmem>>) dst(%dma_wait3A_149 : memref<10240xf32, #tpu.memory_space<vmem_shared>>)
          tpu.yield
        }) : () -> ()
      } else {
      }
      %add3A_119 = arith.constant 1 : i32
      %add3A_120 = arith.addi %mul3A_100, %add3A_119 : i32
      %dma_wait3A_121 = arith.constant 0 : i32
      %dma_wait3A_122 = tpu.memref_slice %arg9[%add3A_120, %dma_wait3A_121] : memref<40x128xi32, #tpu.memory_space<vmem>> -> memref<1x128xi32, #tpu.memory_space<vmem>>
      %dma_wait3A_123 = tpu.memref_squeeze %dma_wait3A_122 : memref<1x128xi32, #tpu.memory_space<vmem>> -> memref<128xi32, #tpu.memory_space<vmem>>
      %dma_wait3A_124 = arith.constant 0 : i32
      %dma_wait3A_125 = arith.constant 0 : i32
      %dma_wait3A_126 = tpu.memref_slice %arg2[%dma_wait3A_124, %dma_wait3A_125] : memref<20000x128xf32, #tpu.memory_space<hbm>> -> memref<20000x128xf32, #tpu.memory_space<hbm>>
      tpu.wait_indirect_dma semaphore(%arg17 : memref<!tpu.dma_semaphore, #tpu.memory_space<semaphore_mem>>) src(%dma_wait3A_126 : memref<20000x128xf32, #tpu.memory_space<hbm>>) dst(%arg12 : memref<128x128xf32, #tpu.memory_space<vmem>>)
      %add3A_127 = arith.constant 2 : i32
      %add3A_128 = arith.addi %mul3A_100, %add3A_127 : i32
      %lt3A = arith.constant 40 : i32
      %lt3A_129 = arith.cmpi slt, %add3A_128, %lt3A : i32
      %convert_element_type3A_130 = arith.extui %lt3A_129 : i1 to i32
      %cond3A_131 = arith.constant 0 : i32
      %cond3A_132 = arith.cmpi ne, %convert_element_type3A_130, %cond3A_131 : i32
      scf.if %cond3A_132 {
        %add3A_140 = arith.constant 2 : i32
        %add3A_141 = arith.addi %mul3A_100, %add3A_140 : i32
        %dma_start3A_142 = arith.constant 0 : i32
        %dma_start3A_143 = tpu.memref_slice %arg9[%add3A_141, %dma_start3A_142] : memref<40x128xi32, #tpu.memory_space<vmem>> -> memref<1x128xi32, #tpu.memory_space<vmem>>
        %dma_start3A_144 = tpu.memref_squeeze %dma_start3A_143 : memref<1x128xi32, #tpu.memory_space<vmem>> -> memref<128xi32, #tpu.memory_space<vmem>>
        %dma_start3A_145 = arith.constant 0 : i32
        %dma_start3A_146 = arith.constant 0 : i32
        %dma_start3A_147 = tpu.memref_slice %arg2[%dma_start3A_145, %dma_start3A_146] : memref<20000x128xf32, #tpu.memory_space<hbm>> -> memref<20000x128xf32, #tpu.memory_space<hbm>>
        tpu.enqueue_indirect_dma source(%dma_start3A_147 : memref<20000x128xf32, #tpu.memory_space<hbm>>) target(%arg11 : memref<128x128xf32, #tpu.memory_space<vmem>>) offsets(%dma_start3A_144 : memref<128xi32, #tpu.memory_space<vmem>>) semaphore(%arg16 : memref<!tpu.dma_semaphore, #tpu.memory_space<semaphore_mem>>)
      } else {
      }
      %add3A_133 = arith.constant 1 : i32
      %add3A_134 = arith.addi %mul3A_100, %add3A_133 : i32
      "tpu.region"() ({
        %run_scoped3A = tpu.sem_alloc : memref<!tpu.dma_semaphore, #tpu.memory_space<semaphore_mem>>
        %dma_start3A_140 = arith.constant 0 : i32
        %dma_start3A_141 = tpu.memref_slice %arg10[%add3A_134, %dma_start3A_140] : memref<40x128xi32, #tpu.memory_space<vmem>> -> memref<1x128xi32, #tpu.memory_space<vmem>>
        %dma_start3A_142 = tpu.memref_squeeze %dma_start3A_141 : memref<1x128xi32, #tpu.memory_space<vmem>> -> memref<128xi32, #tpu.memory_space<vmem>>
        %dma_start3A_143 = arith.constant 0 : i32
        %dma_start3A_144 = arith.constant 0 : i32
        %dma_start3A_145 = tpu.memref_slice %arg14[%dma_start3A_143, %dma_start3A_144] : memref<10240x128xf32, #tpu.memory_space<vmem_shared>> -> memref<10240x128xf32, #tpu.memory_space<vmem_shared>>
        tpu.enqueue_indirect_dma source(%arg12 : memref<128x128xf32, #tpu.memory_space<vmem>>) target(%dma_start3A_145 : memref<10240x128xf32, #tpu.memory_space<vmem_shared>>) offsets(%dma_start3A_142 : memref<128xi32, #tpu.memory_space<vmem>>) semaphore(%run_scoped3A : memref<!tpu.dma_semaphore, #tpu.memory_space<semaphore_mem>>) {add = true}
        %dma_wait3A_146 = arith.constant 0 : i32
        %dma_wait3A_147 = tpu.memref_slice %arg10[%add3A_134, %dma_wait3A_146] : memref<40x128xi32, #tpu.memory_space<vmem>> -> memref<1x128xi32, #tpu.memory_space<vmem>>
        %dma_wait3A_148 = tpu.memref_squeeze %dma_wait3A_147 : memref<1x128xi32, #tpu.memory_space<vmem>> -> memref<128xi32, #tpu.memory_space<vmem>>
        %dma_wait3A_149 = arith.constant 0 : i32
        %dma_wait3A_150 = arith.constant 0 : i32
        %dma_wait3A_151 = tpu.memref_slice %arg14[%dma_wait3A_149, %dma_wait3A_150] : memref<10240x128xf32, #tpu.memory_space<vmem_shared>> -> memref<10240x128xf32, #tpu.memory_space<vmem_shared>>
        tpu.wait_indirect_dma semaphore(%run_scoped3A : memref<!tpu.dma_semaphore, #tpu.memory_space<semaphore_mem>>) src(%arg12 : memref<128x128xf32, #tpu.memory_space<vmem>>) dst(%dma_wait3A_151 : memref<10240x128xf32, #tpu.memory_space<vmem_shared>>)
        tpu.yield
      }) : () -> ()
      %eq3A_135 = arith.constant 0 : i32
      %eq3A_136 = arith.cmpi eq, %arg0, %eq3A_135 : i32
      %convert_element_type3A_137 = arith.extui %eq3A_136 : i1 to i32
      %cond3A_138 = arith.constant 0 : i32
      %cond3A_139 = arith.cmpi ne, %convert_element_type3A_137, %cond3A_138 : i32
      scf.if %cond3A_139 {
        "tpu.region"() ({
          %run_scoped3A = tpu.sem_alloc : memref<!tpu.dma_semaphore, #tpu.memory_space<semaphore_mem>>
          %dma_start3A_140 = arith.constant 0 : i32
          %dma_start3A_141 = tpu.memref_slice %arg10[%add3A_134, %dma_start3A_140] : memref<40x128xi32, #tpu.memory_space<vmem>> -> memref<1x128xi32, #tpu.memory_space<vmem>>
          %dma_start3A_142 = tpu.memref_squeeze %dma_start3A_141 : memref<1x128xi32, #tpu.memory_space<vmem>> -> memref<128xi32, #tpu.memory_space<vmem>>
          %dma_start3A_143 = arith.constant 0 : i32
          %dma_start3A_144 = tpu.memref_slice %arg15[%dma_start3A_143] : memref<10240xf32, #tpu.memory_space<vmem_shared>> -> memref<10240xf32, #tpu.memory_space<vmem_shared>>
          tpu.enqueue_indirect_dma source(%arg13 : memref<128xf32, #tpu.memory_space<vmem>>) target(%dma_start3A_144 : memref<10240xf32, #tpu.memory_space<vmem_shared>>) offsets(%dma_start3A_142 : memref<128xi32, #tpu.memory_space<vmem>>) semaphore(%run_scoped3A : memref<!tpu.dma_semaphore, #tpu.memory_space<semaphore_mem>>) {add = true}
          %dma_wait3A_145 = arith.constant 0 : i32
          %dma_wait3A_146 = tpu.memref_slice %arg10[%add3A_134, %dma_wait3A_145] : memref<40x128xi32, #tpu.memory_space<vmem>> -> memref<1x128xi32, #tpu.memory_space<vmem>>
          %dma_wait3A_147 = tpu.memref_squeeze %dma_wait3A_146 : memref<1x128xi32, #tpu.memory_space<vmem>> -> memref<128xi32, #tpu.memory_space<vmem>>
          %dma_wait3A_148 = arith.constant 0 : i32
          %dma_wait3A_149 = tpu.memref_slice %arg15[%dma_wait3A_148] : memref<10240xf32, #tpu.memory_space<vmem_shared>> -> memref<10240xf32, #tpu.memory_space<vmem_shared>>
          tpu.wait_indirect_dma semaphore(%run_scoped3A : memref<!tpu.dma_semaphore, #tpu.memory_space<semaphore_mem>>) src(%arg13 : memref<128xf32, #tpu.memory_space<vmem>>) dst(%dma_wait3A_149 : memref<10240xf32, #tpu.memory_space<vmem_shared>>)
          tpu.yield
        }) : () -> ()
      } else {
      }
    }
    %scan3A_87 = arith.constant 20 : i32
    %barrier3A_88 = arith.constant 0 : index
    tpu.barrier barrier_id(%barrier3A_88)
    %mul3A_89 = arith.constant 640 : i32
    %mul3A_90 = arith.muli %arg1, %mul3A_89 : i32
    %mul3A_91 = arith.constant 640 : i32
    %mul3A_92 = arith.muli %arg1, %mul3A_91 : i32
    "tpu.region"() ({
      %run_scoped3A = tpu.sem_alloc : memref<!tpu.dma_semaphore, #tpu.memory_space<semaphore_mem>>
      %dma_start3A_98 = arith.constant 0 : i32
      %dma_start3A_99 = tpu.memref_slice %arg7[%add3A_47, %mul3A_92, %dma_start3A_98] : memref<2x10240x128xf32, #tpu.memory_space<hbm>> -> memref<1x640x128xf32, #tpu.memory_space<hbm>>
      %dma_start3A_100 = tpu.memref_squeeze %dma_start3A_99 : memref<1x640x128xf32, #tpu.memory_space<hbm>> -> memref<640x128xf32, #tpu.memory_space<hbm>>
      %dma_start3A_101 = arith.constant 0 : i32
      %dma_start3A_102 = tpu.memref_slice %arg14[%mul3A_90, %dma_start3A_101] : memref<10240x128xf32, #tpu.memory_space<vmem_shared>> -> memref<640x128xf32, #tpu.memory_space<vmem_shared>>
      tpu.enqueue_dma source(%dma_start3A_102 : memref<640x128xf32, #tpu.memory_space<vmem_shared>>) target(%dma_start3A_100 : memref<640x128xf32, #tpu.memory_space<hbm>>) target_semaphore(%run_scoped3A : memref<!tpu.dma_semaphore, #tpu.memory_space<semaphore_mem>>)
      %dma_wait3A = arith.constant 0 : i32
      %dma_wait3A_103 = tpu.memref_slice %arg7[%add3A_47, %mul3A_92, %dma_wait3A] : memref<2x10240x128xf32, #tpu.memory_space<hbm>> -> memref<1x640x128xf32, #tpu.memory_space<hbm>>
      %dma_wait3A_104 = tpu.memref_squeeze %dma_wait3A_103 : memref<1x640x128xf32, #tpu.memory_space<hbm>> -> memref<640x128xf32, #tpu.memory_space<hbm>>
      %dma_wait3A_105 = arith.constant 0 : i32
      %dma_wait3A_106 = tpu.memref_slice %arg14[%mul3A_90, %dma_wait3A_105] : memref<10240x128xf32, #tpu.memory_space<vmem_shared>> -> memref<640x128xf32, #tpu.memory_space<vmem_shared>>
      tpu.wait_dma2 semaphore(%run_scoped3A : memref<!tpu.dma_semaphore, #tpu.memory_space<semaphore_mem>>) src(%dma_wait3A_106 : memref<640x128xf32, #tpu.memory_space<vmem_shared>>) dst(%dma_wait3A_104 : memref<640x128xf32, #tpu.memory_space<hbm>>)
      tpu.yield
    }) : () -> ()
    %eq3A_93 = arith.constant 0 : i32
    %eq3A_94 = arith.cmpi eq, %arg0, %eq3A_93 : i32
    %convert_element_type3A_95 = arith.extui %eq3A_94 : i1 to i32
    %cond3A_96 = arith.constant 0 : i32
    %cond3A_97 = arith.cmpi ne, %convert_element_type3A_95, %cond3A_96 : i32
    scf.if %cond3A_97 {
      %mul3A_98 = arith.constant 640 : i32
      %mul3A_99 = arith.muli %arg1, %mul3A_98 : i32
      %mul3A_100 = arith.constant 640 : i32
      %mul3A_101 = arith.muli %arg1, %mul3A_100 : i32
      "tpu.region"() ({
        %run_scoped3A = tpu.sem_alloc : memref<!tpu.dma_semaphore, #tpu.memory_space<semaphore_mem>>
        %dma_start3A_102 = tpu.memref_slice %arg8[%mul3A_101] : memref<10240xf32, #tpu.memory_space<hbm>> -> memref<640xf32, #tpu.memory_space<hbm>>
        %dma_start3A_103 = tpu.memref_slice %arg15[%mul3A_99] : memref<10240xf32, #tpu.memory_space<vmem_shared>> -> memref<640xf32, #tpu.memory_space<vmem_shared>>
        tpu.enqueue_dma source(%dma_start3A_103 : memref<640xf32, #tpu.memory_space<vmem_shared>>) target(%dma_start3A_102 : memref<640xf32, #tpu.memory_space<hbm>>) target_semaphore(%run_scoped3A : memref<!tpu.dma_semaphore, #tpu.memory_space<semaphore_mem>>)
        %dma_wait3A = tpu.memref_slice %arg8[%mul3A_101] : memref<10240xf32, #tpu.memory_space<hbm>> -> memref<640xf32, #tpu.memory_space<hbm>>
        %dma_wait3A_104 = tpu.memref_slice %arg15[%mul3A_99] : memref<10240xf32, #tpu.memory_space<vmem_shared>> -> memref<640xf32, #tpu.memory_space<vmem_shared>>
        tpu.wait_dma2 semaphore(%run_scoped3A : memref<!tpu.dma_semaphore, #tpu.memory_space<semaphore_mem>>) src(%dma_wait3A_104 : memref<640xf32, #tpu.memory_space<vmem_shared>>) dst(%dma_wait3A : memref<640xf32, #tpu.memory_space<hbm>>)
        tpu.yield
      }) : () -> ()
    } else {
    }
    return
  }
}

#map = affine_map<(d0, d1) -> (0, 0)>
#map1 = affine_map<(d0, d1) -> (0, 0, 0)>
#map2 = affine_map<(d0, d1) -> (0)>
module attributes {stable_mosaic.version = 14 : i64} {
  func.func @body(%arg0: i32, %arg1: i32, %arg2: memref<40000x128xf32, #tpu.memory_space<hbm>>, %arg3: memref<16x80x128xi32, #tpu.memory_space<hbm>>, %arg4: memref<16x80x128xi32, #tpu.memory_space<hbm>>, %arg5: memref<640x128xf32, #tpu.memory_space<hbm>>, %arg6: memref<640xf32, #tpu.memory_space<hbm>>, %arg7: memref<4x10240x128xf32, #tpu.memory_space<hbm>>, %arg8: memref<40x128xi32, #tpu.memory_space<vmem>>, %arg9: memref<40x128xi32, #tpu.memory_space<vmem>>, %arg10: memref<128x128xf32, #tpu.memory_space<vmem>>, %arg11: memref<128x128xf32, #tpu.memory_space<vmem>>, %arg12: memref<128xf32, #tpu.memory_space<vmem>>, %arg13: memref<10240x128xf32, #tpu.memory_space<vmem_shared>>, %arg14: memref<!tpu.dma_semaphore, #tpu.memory_space<semaphore_mem>>, %arg15: memref<!tpu.dma_semaphore, #tpu.memory_space<semaphore_mem>>) attributes {dimension_semantics = [#tpu.dimension_semantics<core_parallel>, #tpu.dimension_semantics<subcore_parallel>], iteration_bounds = array<i64: 2, 16>, scalar_prefetch = 0 : i64, scratch_operands = 8 : i64, tpu.core_type = #tpu.core_type<sc_vector_subcore>, window_params = [{transform_indices = #map}, {transform_indices = #map1}, {transform_indices = #map1}, {transform_indices = #map}, {transform_indices = #map2}, {transform_indices = #map1}]} {
    %mul3A = arith.constant 2 : i32
    %mul3A_0 = arith.muli %arg0, %mul3A : i32
    %add3A = arith.constant 0 : i32
    %add3A_1 = arith.addi %mul3A_0, %add3A : i32
    %mul3A_2 = arith.constant 640 : i32
    %mul3A_3 = arith.muli %arg1, %mul3A_2 : i32
    "tpu.region"() ({
      %run_scoped3A = tpu.sem_alloc : memref<!tpu.dma_semaphore, #tpu.memory_space<semaphore_mem>>
      %dma_start3A_96 = arith.constant 0 : i32
      %dma_start3A_97 = tpu.memref_slice %arg13[%mul3A_3, %dma_start3A_96] : memref<10240x128xf32, #tpu.memory_space<vmem_shared>> -> memref<640x128xf32, #tpu.memory_space<vmem_shared>>
      tpu.enqueue_dma source(%arg5 : memref<640x128xf32, #tpu.memory_space<hbm>>) target(%dma_start3A_97 : memref<640x128xf32, #tpu.memory_space<vmem_shared>>) target_semaphore(%run_scoped3A : memref<!tpu.dma_semaphore, #tpu.memory_space<semaphore_mem>>)
      %dma_wait3A = arith.constant 0 : i32
      %dma_wait3A_98 = tpu.memref_slice %arg13[%mul3A_3, %dma_wait3A] : memref<10240x128xf32, #tpu.memory_space<vmem_shared>> -> memref<640x128xf32, #tpu.memory_space<vmem_shared>>
      tpu.wait_dma2 semaphore(%run_scoped3A : memref<!tpu.dma_semaphore, #tpu.memory_space<semaphore_mem>>) src(%arg5 : memref<640x128xf32, #tpu.memory_space<hbm>>) dst(%dma_wait3A_98 : memref<640x128xf32, #tpu.memory_space<vmem_shared>>)
      tpu.yield
    }) : () -> ()
    %barrier3A = arith.constant 0 : index
    tpu.barrier barrier_id(%barrier3A)
    "tpu.region"() ({
      %run_scoped3A = tpu.sem_alloc : memref<!tpu.dma_semaphore, #tpu.memory_space<semaphore_mem>>
      %dma_start3A_96 = arith.constant 0 : i32
      %dma_start3A_97 = arith.constant 0 : i32
      %dma_start3A_98 = tpu.memref_slice %arg3[%arg1, %dma_start3A_96, %dma_start3A_97] : memref<16x80x128xi32, #tpu.memory_space<hbm>> -> memref<1x40x128xi32, #tpu.memory_space<hbm>>
      %dma_start3A_99 = tpu.memref_squeeze %dma_start3A_98 : memref<1x40x128xi32, #tpu.memory_space<hbm>> -> memref<40x128xi32, #tpu.memory_space<hbm>>
      %dma_start3A_100 = arith.constant 0 : i32
      %dma_start3A_101 = arith.constant 0 : i32
      %dma_start3A_102 = tpu.memref_slice %arg3[%arg1, %dma_start3A_100, %dma_start3A_101] : memref<16x80x128xi32, #tpu.memory_space<hbm>> -> memref<1x40x128xi32, #tpu.memory_space<hbm>>
      %dma_start3A_103 = tpu.memref_squeeze %dma_start3A_102 : memref<1x40x128xi32, #tpu.memory_space<hbm>> -> memref<40x128xi32, #tpu.memory_space<hbm>>
      tpu.enqueue_dma source(%dma_start3A_103 : memref<40x128xi32, #tpu.memory_space<hbm>>) target(%arg8 : memref<40x128xi32, #tpu.memory_space<vmem>>) target_semaphore(%run_scoped3A : memref<!tpu.dma_semaphore, #tpu.memory_space<semaphore_mem>>)
      %dma_wait3A = arith.constant 0 : i32
      %dma_wait3A_104 = arith.constant 0 : i32
      %dma_wait3A_105 = tpu.memref_slice %arg3[%arg1, %dma_wait3A, %dma_wait3A_104] : memref<16x80x128xi32, #tpu.memory_space<hbm>> -> memref<1x40x128xi32, #tpu.memory_space<hbm>>
      %dma_wait3A_106 = tpu.memref_squeeze %dma_wait3A_105 : memref<1x40x128xi32, #tpu.memory_space<hbm>> -> memref<40x128xi32, #tpu.memory_space<hbm>>
      %dma_wait3A_107 = arith.constant 0 : i32
      %dma_wait3A_108 = arith.constant 0 : i32
      %dma_wait3A_109 = tpu.memref_slice %arg3[%arg1, %dma_wait3A_107, %dma_wait3A_108] : memref<16x80x128xi32, #tpu.memory_space<hbm>> -> memref<1x40x128xi32, #tpu.memory_space<hbm>>
      %dma_wait3A_110 = tpu.memref_squeeze %dma_wait3A_109 : memref<1x40x128xi32, #tpu.memory_space<hbm>> -> memref<40x128xi32, #tpu.memory_space<hbm>>
      tpu.wait_dma2 semaphore(%run_scoped3A : memref<!tpu.dma_semaphore, #tpu.memory_space<semaphore_mem>>) src(%dma_wait3A_110 : memref<40x128xi32, #tpu.memory_space<hbm>>) dst(%arg8 : memref<40x128xi32, #tpu.memory_space<vmem>>)
      tpu.yield
    }) : () -> ()
    "tpu.region"() ({
      %run_scoped3A = tpu.sem_alloc : memref<!tpu.dma_semaphore, #tpu.memory_space<semaphore_mem>>
      %dma_start3A_96 = arith.constant 0 : i32
      %dma_start3A_97 = arith.constant 0 : i32
      %dma_start3A_98 = tpu.memref_slice %arg4[%arg1, %dma_start3A_96, %dma_start3A_97] : memref<16x80x128xi32, #tpu.memory_space<hbm>> -> memref<1x40x128xi32, #tpu.memory_space<hbm>>
      %dma_start3A_99 = tpu.memref_squeeze %dma_start3A_98 : memref<1x40x128xi32, #tpu.memory_space<hbm>> -> memref<40x128xi32, #tpu.memory_space<hbm>>
      %dma_start3A_100 = arith.constant 0 : i32
      %dma_start3A_101 = arith.constant 0 : i32
      %dma_start3A_102 = tpu.memref_slice %arg4[%arg1, %dma_start3A_100, %dma_start3A_101] : memref<16x80x128xi32, #tpu.memory_space<hbm>> -> memref<1x40x128xi32, #tpu.memory_space<hbm>>
      %dma_start3A_103 = tpu.memref_squeeze %dma_start3A_102 : memref<1x40x128xi32, #tpu.memory_space<hbm>> -> memref<40x128xi32, #tpu.memory_space<hbm>>
      tpu.enqueue_dma source(%dma_start3A_103 : memref<40x128xi32, #tpu.memory_space<hbm>>) target(%arg9 : memref<40x128xi32, #tpu.memory_space<vmem>>) target_semaphore(%run_scoped3A : memref<!tpu.dma_semaphore, #tpu.memory_space<semaphore_mem>>)
      %dma_wait3A = arith.constant 0 : i32
      %dma_wait3A_104 = arith.constant 0 : i32
      %dma_wait3A_105 = tpu.memref_slice %arg4[%arg1, %dma_wait3A, %dma_wait3A_104] : memref<16x80x128xi32, #tpu.memory_space<hbm>> -> memref<1x40x128xi32, #tpu.memory_space<hbm>>
      %dma_wait3A_106 = tpu.memref_squeeze %dma_wait3A_105 : memref<1x40x128xi32, #tpu.memory_space<hbm>> -> memref<40x128xi32, #tpu.memory_space<hbm>>
      %dma_wait3A_107 = arith.constant 0 : i32
      %dma_wait3A_108 = arith.constant 0 : i32
      %dma_wait3A_109 = tpu.memref_slice %arg4[%arg1, %dma_wait3A_107, %dma_wait3A_108] : memref<16x80x128xi32, #tpu.memory_space<hbm>> -> memref<1x40x128xi32, #tpu.memory_space<hbm>>
      %dma_wait3A_110 = tpu.memref_squeeze %dma_wait3A_109 : memref<1x40x128xi32, #tpu.memory_space<hbm>> -> memref<40x128xi32, #tpu.memory_space<hbm>>
      tpu.wait_dma2 semaphore(%run_scoped3A : memref<!tpu.dma_semaphore, #tpu.memory_space<semaphore_mem>>) src(%dma_wait3A_110 : memref<40x128xi32, #tpu.memory_space<hbm>>) dst(%arg9 : memref<40x128xi32, #tpu.memory_space<vmem>>)
      tpu.yield
    }) : () -> ()
    %scan3A = arith.constant 0 : i32
    %scan3A_4 = arith.constant 0 : i32
    %scan3A_5 = arith.constant 40 : i32
    %scan3A_6 = arith.addi %scan3A_4, %scan3A_5 : i32
    %scan3A_7 = arith.constant 1 : i32
    scf.for %scan3A_96 = %scan3A_4 to %scan3A_6 step %scan3A_7  : i32 {
      %get3A = arith.index_cast %scan3A_96 : i32 to index
      %get3A_97 = arith.constant 0 : index
      %get3A_98 = tpu.vector_load %arg8[%get3A, %get3A_97] {strides = array<i32>} : memref<40x128xi32, #tpu.memory_space<vmem>>, vector<1x16xi32>,
      %get3A_99 = vector.shape_cast %get3A_98 : vector<1x16xi32> to vector<16xi32>
      %mul3A_100 = arith.constant 4 : i32
      %mul3A_101 = vector.broadcast %mul3A_100 : i32 to vector<16xi32>
      %mul3A_102 = arith.muli %get3A_99, %mul3A_101 : vector<16xi32>
      %add3A_103 = vector.broadcast %add3A_1 : i32 to vector<16xi32>
      %add3A_104 = arith.addi %mul3A_102, %add3A_103 : vector<16xi32>
      %swap3A = arith.index_cast %scan3A_96 : i32 to index
      %swap3A_105 = arith.constant 0 : index
      %swap3A_106 = tpu.vector_load %arg8[%swap3A, %swap3A_105] {strides = array<i32>} : memref<40x128xi32, #tpu.memory_space<vmem>>, vector<1x16xi32>,
      %swap3A_107 = vector.shape_cast %swap3A_106 : vector<1x16xi32> to vector<16xi32>
      %swap3A_108 = vector.shape_cast %add3A_104 : vector<16xi32> to vector<1x16xi32>
      tpu.vector_store %arg8[%swap3A, %swap3A_105], %swap3A_108 {strides = array<i32>} : memref<40x128xi32, #tpu.memory_space<vmem>>, vector<1x16xi32>,
      %get3A_109 = arith.index_cast %scan3A_96 : i32 to index
      %get3A_110 = arith.constant 16 : index
      %get3A_111 = tpu.vector_load %arg8[%get3A_109, %get3A_110] {strides = array<i32>} : memref<40x128xi32, #tpu.memory_space<vmem>>, vector<1x16xi32>,
      %get3A_112 = vector.shape_cast %get3A_111 : vector<1x16xi32> to vector<16xi32>
      %mul3A_113 = arith.constant 4 : i32
      %mul3A_114 = vector.broadcast %mul3A_113 : i32 to vector<16xi32>
      %mul3A_115 = arith.muli %get3A_112, %mul3A_114 : vector<16xi32>
      %add3A_116 = vector.broadcast %add3A_1 : i32 to vector<16xi32>
      %add3A_117 = arith.addi %mul3A_115, %add3A_116 : vector<16xi32>
      %swap3A_118 = arith.index_cast %scan3A_96 : i32 to index
      %swap3A_119 = arith.constant 16 : index
      %swap3A_120 = tpu.vector_load %arg8[%swap3A_118, %swap3A_119] {strides = array<i32>} : memref<40x128xi32, #tpu.memory_space<vmem>>, vector<1x16xi32>,
      %swap3A_121 = vector.shape_cast %swap3A_120 : vector<1x16xi32> to vector<16xi32>
      %swap3A_122 = vector.shape_cast %add3A_117 : vector<16xi32> to vector<1x16xi32>
      tpu.vector_store %arg8[%swap3A_118, %swap3A_119], %swap3A_122 {strides = array<i32>} : memref<40x128xi32, #tpu.memory_space<vmem>>, vector<1x16xi32>,
      %get3A_123 = arith.index_cast %scan3A_96 : i32 to index
      %get3A_124 = arith.constant 32 : index
      %get3A_125 = tpu.vector_load %arg8[%get3A_123, %get3A_124] {strides = array<i32>} : memref<40x128xi32, #tpu.memory_space<vmem>>, vector<1x16xi32>,
      %get3A_126 = vector.shape_cast %get3A_125 : vector<1x16xi32> to vector<16xi32>
      %mul3A_127 = arith.constant 4 : i32
      %mul3A_128 = vector.broadcast %mul3A_127 : i32 to vector<16xi32>
      %mul3A_129 = arith.muli %get3A_126, %mul3A_128 : vector<16xi32>
      %add3A_130 = vector.broadcast %add3A_1 : i32 to vector<16xi32>
      %add3A_131 = arith.addi %mul3A_129, %add3A_130 : vector<16xi32>
      %swap3A_132 = arith.index_cast %scan3A_96 : i32 to index
      %swap3A_133 = arith.constant 32 : index
      %swap3A_134 = tpu.vector_load %arg8[%swap3A_132, %swap3A_133] {strides = array<i32>} : memref<40x128xi32, #tpu.memory_space<vmem>>, vector<1x16xi32>,
      %swap3A_135 = vector.shape_cast %swap3A_134 : vector<1x16xi32> to vector<16xi32>
      %swap3A_136 = vector.shape_cast %add3A_131 : vector<16xi32> to vector<1x16xi32>
      tpu.vector_store %arg8[%swap3A_132, %swap3A_133], %swap3A_136 {strides = array<i32>} : memref<40x128xi32, #tpu.memory_space<vmem>>, vector<1x16xi32>,
      %get3A_137 = arith.index_cast %scan3A_96 : i32 to index
      %get3A_138 = arith.constant 48 : index
      %get3A_139 = tpu.vector_load %arg8[%get3A_137, %get3A_138] {strides = array<i32>} : memref<40x128xi32, #tpu.memory_space<vmem>>, vector<1x16xi32>,
      %get3A_140 = vector.shape_cast %get3A_139 : vector<1x16xi32> to vector<16xi32>
      %mul3A_141 = arith.constant 4 : i32
      %mul3A_142 = vector.broadcast %mul3A_141 : i32 to vector<16xi32>
      %mul3A_143 = arith.muli %get3A_140, %mul3A_142 : vector<16xi32>
      %add3A_144 = vector.broadcast %add3A_1 : i32 to vector<16xi32>
      %add3A_145 = arith.addi %mul3A_143, %add3A_144 : vector<16xi32>
      %swap3A_146 = arith.index_cast %scan3A_96 : i32 to index
      %swap3A_147 = arith.constant 48 : index
      %swap3A_148 = tpu.vector_load %arg8[%swap3A_146, %swap3A_147] {strides = array<i32>} : memref<40x128xi32, #tpu.memory_space<vmem>>, vector<1x16xi32>,
      %swap3A_149 = vector.shape_cast %swap3A_148 : vector<1x16xi32> to vector<16xi32>
      %swap3A_150 = vector.shape_cast %add3A_145 : vector<16xi32> to vector<1x16xi32>
      tpu.vector_store %arg8[%swap3A_146, %swap3A_147], %swap3A_150 {strides = array<i32>} : memref<40x128xi32, #tpu.memory_space<vmem>>, vector<1x16xi32>,
      %get3A_151 = arith.index_cast %scan3A_96 : i32 to index
      %get3A_152 = arith.constant 64 : index
      %get3A_153 = tpu.vector_load %arg8[%get3A_151, %get3A_152] {strides = array<i32>} : memref<40x128xi32, #tpu.memory_space<vmem>>, vector<1x16xi32>,
      %get3A_154 = vector.shape_cast %get3A_153 : vector<1x16xi32> to vector<16xi32>
      %mul3A_155 = arith.constant 4 : i32
      %mul3A_156 = vector.broadcast %mul3A_155 : i32 to vector<16xi32>
      %mul3A_157 = arith.muli %get3A_154, %mul3A_156 : vector<16xi32>
      %add3A_158 = vector.broadcast %add3A_1 : i32 to vector<16xi32>
      %add3A_159 = arith.addi %mul3A_157, %add3A_158 : vector<16xi32>
      %swap3A_160 = arith.index_cast %scan3A_96 : i32 to index
      %swap3A_161 = arith.constant 64 : index
      %swap3A_162 = tpu.vector_load %arg8[%swap3A_160, %swap3A_161] {strides = array<i32>} : memref<40x128xi32, #tpu.memory_space<vmem>>, vector<1x16xi32>,
      %swap3A_163 = vector.shape_cast %swap3A_162 : vector<1x16xi32> to vector<16xi32>
      %swap3A_164 = vector.shape_cast %add3A_159 : vector<16xi32> to vector<1x16xi32>
      tpu.vector_store %arg8[%swap3A_160, %swap3A_161], %swap3A_164 {strides = array<i32>} : memref<40x128xi32, #tpu.memory_space<vmem>>, vector<1x16xi32>,
      %get3A_165 = arith.index_cast %scan3A_96 : i32 to index
      %get3A_166 = arith.constant 80 : index
      %get3A_167 = tpu.vector_load %arg8[%get3A_165, %get3A_166] {strides = array<i32>} : memref<40x128xi32, #tpu.memory_space<vmem>>, vector<1x16xi32>,
      %get3A_168 = vector.shape_cast %get3A_167 : vector<1x16xi32> to vector<16xi32>
      %mul3A_169 = arith.constant 4 : i32
      %mul3A_170 = vector.broadcast %mul3A_169 : i32 to vector<16xi32>
      %mul3A_171 = arith.muli %get3A_168, %mul3A_170 : vector<16xi32>
      %add3A_172 = vector.broadcast %add3A_1 : i32 to vector<16xi32>
      %add3A_173 = arith.addi %mul3A_171, %add3A_172 : vector<16xi32>
      %swap3A_174 = arith.index_cast %scan3A_96 : i32 to index
      %swap3A_175 = arith.constant 80 : index
      %swap3A_176 = tpu.vector_load %arg8[%swap3A_174, %swap3A_175] {strides = array<i32>} : memref<40x128xi32, #tpu.memory_space<vmem>>, vector<1x16xi32>,
      %swap3A_177 = vector.shape_cast %swap3A_176 : vector<1x16xi32> to vector<16xi32>
      %swap3A_178 = vector.shape_cast %add3A_173 : vector<16xi32> to vector<1x16xi32>
      tpu.vector_store %arg8[%swap3A_174, %swap3A_175], %swap3A_178 {strides = array<i32>} : memref<40x128xi32, #tpu.memory_space<vmem>>, vector<1x16xi32>,
      %get3A_179 = arith.index_cast %scan3A_96 : i32 to index
      %get3A_180 = arith.constant 96 : index
      %get3A_181 = tpu.vector_load %arg8[%get3A_179, %get3A_180] {strides = array<i32>} : memref<40x128xi32, #tpu.memory_space<vmem>>, vector<1x16xi32>,
      %get3A_182 = vector.shape_cast %get3A_181 : vector<1x16xi32> to vector<16xi32>
      %mul3A_183 = arith.constant 4 : i32
      %mul3A_184 = vector.broadcast %mul3A_183 : i32 to vector<16xi32>
      %mul3A_185 = arith.muli %get3A_182, %mul3A_184 : vector<16xi32>
      %add3A_186 = vector.broadcast %add3A_1 : i32 to vector<16xi32>
      %add3A_187 = arith.addi %mul3A_185, %add3A_186 : vector<16xi32>
      %swap3A_188 = arith.index_cast %scan3A_96 : i32 to index
      %swap3A_189 = arith.constant 96 : index
      %swap3A_190 = tpu.vector_load %arg8[%swap3A_188, %swap3A_189] {strides = array<i32>} : memref<40x128xi32, #tpu.memory_space<vmem>>, vector<1x16xi32>,
      %swap3A_191 = vector.shape_cast %swap3A_190 : vector<1x16xi32> to vector<16xi32>
      %swap3A_192 = vector.shape_cast %add3A_187 : vector<16xi32> to vector<1x16xi32>
      tpu.vector_store %arg8[%swap3A_188, %swap3A_189], %swap3A_192 {strides = array<i32>} : memref<40x128xi32, #tpu.memory_space<vmem>>, vector<1x16xi32>,
      %get3A_193 = arith.index_cast %scan3A_96 : i32 to index
      %get3A_194 = arith.constant 112 : index
      %get3A_195 = tpu.vector_load %arg8[%get3A_193, %get3A_194] {strides = array<i32>} : memref<40x128xi32, #tpu.memory_space<vmem>>, vector<1x16xi32>,
      %get3A_196 = vector.shape_cast %get3A_195 : vector<1x16xi32> to vector<16xi32>
      %mul3A_197 = arith.constant 4 : i32
      %mul3A_198 = vector.broadcast %mul3A_197 : i32 to vector<16xi32>
      %mul3A_199 = arith.muli %get3A_196, %mul3A_198 : vector<16xi32>
      %add3A_200 = vector.broadcast %add3A_1 : i32 to vector<16xi32>
      %add3A_201 = arith.addi %mul3A_199, %add3A_200 : vector<16xi32>
      %swap3A_202 = arith.index_cast %scan3A_96 : i32 to index
      %swap3A_203 = arith.constant 112 : index
      %swap3A_204 = tpu.vector_load %arg8[%swap3A_202, %swap3A_203] {strides = array<i32>} : memref<40x128xi32, #tpu.memory_space<vmem>>, vector<1x16xi32>,
      %swap3A_205 = vector.shape_cast %swap3A_204 : vector<1x16xi32> to vector<16xi32>
      %swap3A_206 = vector.shape_cast %add3A_201 : vector<16xi32> to vector<1x16xi32>
      tpu.vector_store %arg8[%swap3A_202, %swap3A_203], %swap3A_206 {strides = array<i32>} : memref<40x128xi32, #tpu.memory_space<vmem>>, vector<1x16xi32>,
    }
    %scan3A_8 = arith.constant 40 : i32
    %dma_start3A = arith.constant 0 : i32
    %dma_start3A_9 = arith.constant 0 : i32
    %dma_start3A_10 = tpu.memref_slice %arg8[%dma_start3A, %dma_start3A_9] : memref<40x128xi32, #tpu.memory_space<vmem>> -> memref<1x128xi32, #tpu.memory_space<vmem>>
    %dma_start3A_11 = tpu.memref_squeeze %dma_start3A_10 : memref<1x128xi32, #tpu.memory_space<vmem>> -> memref<128xi32, #tpu.memory_space<vmem>>
    %dma_start3A_12 = arith.constant 0 : i32
    %dma_start3A_13 = arith.constant 0 : i32
    %dma_start3A_14 = tpu.memref_slice %arg2[%dma_start3A_12, %dma_start3A_13] : memref<40000x128xf32, #tpu.memory_space<hbm>> -> memref<40000x128xf32, #tpu.memory_space<hbm>>
    tpu.enqueue_indirect_dma source(%dma_start3A_14 : memref<40000x128xf32, #tpu.memory_space<hbm>>) target(%arg10 : memref<128x128xf32, #tpu.memory_space<vmem>>) offsets(%dma_start3A_11 : memref<128xi32, #tpu.memory_space<vmem>>) semaphore(%arg14 : memref<!tpu.dma_semaphore, #tpu.memory_space<semaphore_mem>>)
    %scan3A_15 = arith.constant 0 : i32
    %scan3A_16 = arith.constant 0 : i32
    %scan3A_17 = arith.constant 20 : i32
    %scan3A_18 = arith.addi %scan3A_16, %scan3A_17 : i32
    %scan3A_19 = arith.constant 1 : i32
    scf.for %scan3A_96 = %scan3A_16 to %scan3A_18 step %scan3A_19  : i32 {
      %mul3A_97 = arith.constant 2 : i32
      %mul3A_98 = arith.muli %mul3A_97, %scan3A_96 : i32
      %dma_wait3A = arith.constant 0 : i32
      %dma_wait3A_99 = tpu.memref_slice %arg8[%mul3A_98, %dma_wait3A] : memref<40x128xi32, #tpu.memory_space<vmem>> -> memref<1x128xi32, #tpu.memory_space<vmem>>
      %dma_wait3A_100 = tpu.memref_squeeze %dma_wait3A_99 : memref<1x128xi32, #tpu.memory_space<vmem>> -> memref<128xi32, #tpu.memory_space<vmem>>
      %dma_wait3A_101 = arith.constant 0 : i32
      %dma_wait3A_102 = arith.constant 0 : i32
      %dma_wait3A_103 = tpu.memref_slice %arg2[%dma_wait3A_101, %dma_wait3A_102] : memref<40000x128xf32, #tpu.memory_space<hbm>> -> memref<40000x128xf32, #tpu.memory_space<hbm>>
      tpu.wait_indirect_dma semaphore(%arg14 : memref<!tpu.dma_semaphore, #tpu.memory_space<semaphore_mem>>) src(%dma_wait3A_103 : memref<40000x128xf32, #tpu.memory_space<hbm>>) dst(%arg10 : memref<128x128xf32, #tpu.memory_space<vmem>>)
      %add3A_104 = arith.constant 1 : i32
      %add3A_105 = arith.addi %mul3A_98, %add3A_104 : i32
      %dma_start3A_106 = arith.constant 0 : i32
      %dma_start3A_107 = tpu.memref_slice %arg8[%add3A_105, %dma_start3A_106] : memref<40x128xi32, #tpu.memory_space<vmem>> -> memref<1x128xi32, #tpu.memory_space<vmem>>
      %dma_start3A_108 = tpu.memref_squeeze %dma_start3A_107 : memref<1x128xi32, #tpu.memory_space<vmem>> -> memref<128xi32, #tpu.memory_space<vmem>>
      %dma_start3A_109 = arith.constant 0 : i32
      %dma_start3A_110 = arith.constant 0 : i32
      %dma_start3A_111 = tpu.memref_slice %arg2[%dma_start3A_109, %dma_start3A_110] : memref<40000x128xf32, #tpu.memory_space<hbm>> -> memref<40000x128xf32, #tpu.memory_space<hbm>>
      tpu.enqueue_indirect_dma source(%dma_start3A_111 : memref<40000x128xf32, #tpu.memory_space<hbm>>) target(%arg11 : memref<128x128xf32, #tpu.memory_space<vmem>>) offsets(%dma_start3A_108 : memref<128xi32, #tpu.memory_space<vmem>>) semaphore(%arg15 : memref<!tpu.dma_semaphore, #tpu.memory_space<semaphore_mem>>)
      "tpu.region"() ({
        %run_scoped3A = tpu.sem_alloc : memref<!tpu.dma_semaphore, #tpu.memory_space<semaphore_mem>>
        %dma_start3A_126 = arith.constant 0 : i32
        %dma_start3A_127 = tpu.memref_slice %arg9[%mul3A_98, %dma_start3A_126] : memref<40x128xi32, #tpu.memory_space<vmem>> -> memref<1x128xi32, #tpu.memory_space<vmem>>
        %dma_start3A_128 = tpu.memref_squeeze %dma_start3A_127 : memref<1x128xi32, #tpu.memory_space<vmem>> -> memref<128xi32, #tpu.memory_space<vmem>>
        %dma_start3A_129 = arith.constant 0 : i32
        %dma_start3A_130 = arith.constant 0 : i32
        %dma_start3A_131 = tpu.memref_slice %arg13[%dma_start3A_129, %dma_start3A_130] : memref<10240x128xf32, #tpu.memory_space<vmem_shared>> -> memref<10240x128xf32, #tpu.memory_space<vmem_shared>>
        tpu.enqueue_indirect_dma source(%arg10 : memref<128x128xf32, #tpu.memory_space<vmem>>) target(%dma_start3A_131 : memref<10240x128xf32, #tpu.memory_space<vmem_shared>>) offsets(%dma_start3A_128 : memref<128xi32, #tpu.memory_space<vmem>>) semaphore(%run_scoped3A : memref<!tpu.dma_semaphore, #tpu.memory_space<semaphore_mem>>) {add = true}
        %dma_wait3A_132 = arith.constant 0 : i32
        %dma_wait3A_133 = tpu.memref_slice %arg9[%mul3A_98, %dma_wait3A_132] : memref<40x128xi32, #tpu.memory_space<vmem>> -> memref<1x128xi32, #tpu.memory_space<vmem>>
        %dma_wait3A_134 = tpu.memref_squeeze %dma_wait3A_133 : memref<1x128xi32, #tpu.memory_space<vmem>> -> memref<128xi32, #tpu.memory_space<vmem>>
        %dma_wait3A_135 = arith.constant 0 : i32
        %dma_wait3A_136 = arith.constant 0 : i32
        %dma_wait3A_137 = tpu.memref_slice %arg13[%dma_wait3A_135, %dma_wait3A_136] : memref<10240x128xf32, #tpu.memory_space<vmem_shared>> -> memref<10240x128xf32, #tpu.memory_space<vmem_shared>>
        tpu.wait_indirect_dma semaphore(%run_scoped3A : memref<!tpu.dma_semaphore, #tpu.memory_space<semaphore_mem>>) src(%arg10 : memref<128x128xf32, #tpu.memory_space<vmem>>) dst(%dma_wait3A_137 : memref<10240x128xf32, #tpu.memory_space<vmem_shared>>)
        tpu.yield
      }) : () -> ()
      %add3A_112 = arith.constant 1 : i32
      %add3A_113 = arith.addi %mul3A_98, %add3A_112 : i32
      %dma_wait3A_114 = arith.constant 0 : i32
      %dma_wait3A_115 = tpu.memref_slice %arg8[%add3A_113, %dma_wait3A_114] : memref<40x128xi32, #tpu.memory_space<vmem>> -> memref<1x128xi32, #tpu.memory_space<vmem>>
      %dma_wait3A_116 = tpu.memref_squeeze %dma_wait3A_115 : memref<1x128xi32, #tpu.memory_space<vmem>> -> memref<128xi32, #tpu.memory_space<vmem>>
      %dma_wait3A_117 = arith.constant 0 : i32
      %dma_wait3A_118 = arith.constant 0 : i32
      %dma_wait3A_119 = tpu.memref_slice %arg2[%dma_wait3A_117, %dma_wait3A_118] : memref<40000x128xf32, #tpu.memory_space<hbm>> -> memref<40000x128xf32, #tpu.memory_space<hbm>>
      tpu.wait_indirect_dma semaphore(%arg15 : memref<!tpu.dma_semaphore, #tpu.memory_space<semaphore_mem>>) src(%dma_wait3A_119 : memref<40000x128xf32, #tpu.memory_space<hbm>>) dst(%arg11 : memref<128x128xf32, #tpu.memory_space<vmem>>)
      %add3A_120 = arith.constant 2 : i32
      %add3A_121 = arith.addi %mul3A_98, %add3A_120 : i32
      %lt3A = arith.constant 40 : i32
      %lt3A_122 = arith.cmpi slt, %add3A_121, %lt3A : i32
      %convert_element_type3A = arith.extui %lt3A_122 : i1 to i32
      %cond3A = arith.constant 0 : i32
      %cond3A_123 = arith.cmpi ne, %convert_element_type3A, %cond3A : i32
      scf.if %cond3A_123 {
        %add3A_126 = arith.constant 2 : i32
        %add3A_127 = arith.addi %mul3A_98, %add3A_126 : i32
        %dma_start3A_128 = arith.constant 0 : i32
        %dma_start3A_129 = tpu.memref_slice %arg8[%add3A_127, %dma_start3A_128] : memref<40x128xi32, #tpu.memory_space<vmem>> -> memref<1x128xi32, #tpu.memory_space<vmem>>
        %dma_start3A_130 = tpu.memref_squeeze %dma_start3A_129 : memref<1x128xi32, #tpu.memory_space<vmem>> -> memref<128xi32, #tpu.memory_space<vmem>>
        %dma_start3A_131 = arith.constant 0 : i32
        %dma_start3A_132 = arith.constant 0 : i32
        %dma_start3A_133 = tpu.memref_slice %arg2[%dma_start3A_131, %dma_start3A_132] : memref<40000x128xf32, #tpu.memory_space<hbm>> -> memref<40000x128xf32, #tpu.memory_space<hbm>>
        tpu.enqueue_indirect_dma source(%dma_start3A_133 : memref<40000x128xf32, #tpu.memory_space<hbm>>) target(%arg10 : memref<128x128xf32, #tpu.memory_space<vmem>>) offsets(%dma_start3A_130 : memref<128xi32, #tpu.memory_space<vmem>>) semaphore(%arg14 : memref<!tpu.dma_semaphore, #tpu.memory_space<semaphore_mem>>)
      } else {
      }
      %add3A_124 = arith.constant 1 : i32
      %add3A_125 = arith.addi %mul3A_98, %add3A_124 : i32
      "tpu.region"() ({
        %run_scoped3A = tpu.sem_alloc : memref<!tpu.dma_semaphore, #tpu.memory_space<semaphore_mem>>
        %dma_start3A_126 = arith.constant 0 : i32
        %dma_start3A_127 = tpu.memref_slice %arg9[%add3A_125, %dma_start3A_126] : memref<40x128xi32, #tpu.memory_space<vmem>> -> memref<1x128xi32, #tpu.memory_space<vmem>>
        %dma_start3A_128 = tpu.memref_squeeze %dma_start3A_127 : memref<1x128xi32, #tpu.memory_space<vmem>> -> memref<128xi32, #tpu.memory_space<vmem>>
        %dma_start3A_129 = arith.constant 0 : i32
        %dma_start3A_130 = arith.constant 0 : i32
        %dma_start3A_131 = tpu.memref_slice %arg13[%dma_start3A_129, %dma_start3A_130] : memref<10240x128xf32, #tpu.memory_space<vmem_shared>> -> memref<10240x128xf32, #tpu.memory_space<vmem_shared>>
        tpu.enqueue_indirect_dma source(%arg11 : memref<128x128xf32, #tpu.memory_space<vmem>>) target(%dma_start3A_131 : memref<10240x128xf32, #tpu.memory_space<vmem_shared>>) offsets(%dma_start3A_128 : memref<128xi32, #tpu.memory_space<vmem>>) semaphore(%run_scoped3A : memref<!tpu.dma_semaphore, #tpu.memory_space<semaphore_mem>>) {add = true}
        %dma_wait3A_132 = arith.constant 0 : i32
        %dma_wait3A_133 = tpu.memref_slice %arg9[%add3A_125, %dma_wait3A_132] : memref<40x128xi32, #tpu.memory_space<vmem>> -> memref<1x128xi32, #tpu.memory_space<vmem>>
        %dma_wait3A_134 = tpu.memref_squeeze %dma_wait3A_133 : memref<1x128xi32, #tpu.memory_space<vmem>> -> memref<128xi32, #tpu.memory_space<vmem>>
        %dma_wait3A_135 = arith.constant 0 : i32
        %dma_wait3A_136 = arith.constant 0 : i32
        %dma_wait3A_137 = tpu.memref_slice %arg13[%dma_wait3A_135, %dma_wait3A_136] : memref<10240x128xf32, #tpu.memory_space<vmem_shared>> -> memref<10240x128xf32, #tpu.memory_space<vmem_shared>>
        tpu.wait_indirect_dma semaphore(%run_scoped3A : memref<!tpu.dma_semaphore, #tpu.memory_space<semaphore_mem>>) src(%arg11 : memref<128x128xf32, #tpu.memory_space<vmem>>) dst(%dma_wait3A_137 : memref<10240x128xf32, #tpu.memory_space<vmem_shared>>)
        tpu.yield
      }) : () -> ()
    }
    %scan3A_20 = arith.constant 20 : i32
    "tpu.region"() ({
      %run_scoped3A = tpu.sem_alloc : memref<!tpu.dma_semaphore, #tpu.memory_space<semaphore_mem>>
      %dma_start3A_96 = arith.constant 40 : i32
      %dma_start3A_97 = arith.constant 0 : i32
      %dma_start3A_98 = tpu.memref_slice %arg3[%arg1, %dma_start3A_96, %dma_start3A_97] : memref<16x80x128xi32, #tpu.memory_space<hbm>> -> memref<1x40x128xi32, #tpu.memory_space<hbm>>
      %dma_start3A_99 = tpu.memref_squeeze %dma_start3A_98 : memref<1x40x128xi32, #tpu.memory_space<hbm>> -> memref<40x128xi32, #tpu.memory_space<hbm>>
      %dma_start3A_100 = arith.constant 40 : i32
      %dma_start3A_101 = arith.constant 0 : i32
      %dma_start3A_102 = tpu.memref_slice %arg3[%arg1, %dma_start3A_100, %dma_start3A_101] : memref<16x80x128xi32, #tpu.memory_space<hbm>> -> memref<1x40x128xi32, #tpu.memory_space<hbm>>
      %dma_start3A_103 = tpu.memref_squeeze %dma_start3A_102 : memref<1x40x128xi32, #tpu.memory_space<hbm>> -> memref<40x128xi32, #tpu.memory_space<hbm>>
      tpu.enqueue_dma source(%dma_start3A_103 : memref<40x128xi32, #tpu.memory_space<hbm>>) target(%arg8 : memref<40x128xi32, #tpu.memory_space<vmem>>) target_semaphore(%run_scoped3A : memref<!tpu.dma_semaphore, #tpu.memory_space<semaphore_mem>>)
      %dma_wait3A = arith.constant 40 : i32
      %dma_wait3A_104 = arith.constant 0 : i32
      %dma_wait3A_105 = tpu.memref_slice %arg3[%arg1, %dma_wait3A, %dma_wait3A_104] : memref<16x80x128xi32, #tpu.memory_space<hbm>> -> memref<1x40x128xi32, #tpu.memory_space<hbm>>
      %dma_wait3A_106 = tpu.memref_squeeze %dma_wait3A_105 : memref<1x40x128xi32, #tpu.memory_space<hbm>> -> memref<40x128xi32, #tpu.memory_space<hbm>>
      %dma_wait3A_107 = arith.constant 40 : i32
      %dma_wait3A_108 = arith.constant 0 : i32
      %dma_wait3A_109 = tpu.memref_slice %arg3[%arg1, %dma_wait3A_107, %dma_wait3A_108] : memref<16x80x128xi32, #tpu.memory_space<hbm>> -> memref<1x40x128xi32, #tpu.memory_space<hbm>>
      %dma_wait3A_110 = tpu.memref_squeeze %dma_wait3A_109 : memref<1x40x128xi32, #tpu.memory_space<hbm>> -> memref<40x128xi32, #tpu.memory_space<hbm>>
      tpu.wait_dma2 semaphore(%run_scoped3A : memref<!tpu.dma_semaphore, #tpu.memory_space<semaphore_mem>>) src(%dma_wait3A_110 : memref<40x128xi32, #tpu.memory_space<hbm>>) dst(%arg8 : memref<40x128xi32, #tpu.memory_space<vmem>>)
      tpu.yield
    }) : () -> ()
    "tpu.region"() ({
      %run_scoped3A = tpu.sem_alloc : memref<!tpu.dma_semaphore, #tpu.memory_space<semaphore_mem>>
      %dma_start3A_96 = arith.constant 40 : i32
      %dma_start3A_97 = arith.constant 0 : i32
      %dma_start3A_98 = tpu.memref_slice %arg4[%arg1, %dma_start3A_96, %dma_start3A_97] : memref<16x80x128xi32, #tpu.memory_space<hbm>> -> memref<1x40x128xi32, #tpu.memory_space<hbm>>
      %dma_start3A_99 = tpu.memref_squeeze %dma_start3A_98 : memref<1x40x128xi32, #tpu.memory_space<hbm>> -> memref<40x128xi32, #tpu.memory_space<hbm>>
      %dma_start3A_100 = arith.constant 40 : i32
      %dma_start3A_101 = arith.constant 0 : i32
      %dma_start3A_102 = tpu.memref_slice %arg4[%arg1, %dma_start3A_100, %dma_start3A_101] : memref<16x80x128xi32, #tpu.memory_space<hbm>> -> memref<1x40x128xi32, #tpu.memory_space<hbm>>
      %dma_start3A_103 = tpu.memref_squeeze %dma_start3A_102 : memref<1x40x128xi32, #tpu.memory_space<hbm>> -> memref<40x128xi32, #tpu.memory_space<hbm>>
      tpu.enqueue_dma source(%dma_start3A_103 : memref<40x128xi32, #tpu.memory_space<hbm>>) target(%arg9 : memref<40x128xi32, #tpu.memory_space<vmem>>) target_semaphore(%run_scoped3A : memref<!tpu.dma_semaphore, #tpu.memory_space<semaphore_mem>>)
      %dma_wait3A = arith.constant 40 : i32
      %dma_wait3A_104 = arith.constant 0 : i32
      %dma_wait3A_105 = tpu.memref_slice %arg4[%arg1, %dma_wait3A, %dma_wait3A_104] : memref<16x80x128xi32, #tpu.memory_space<hbm>> -> memref<1x40x128xi32, #tpu.memory_space<hbm>>
      %dma_wait3A_106 = tpu.memref_squeeze %dma_wait3A_105 : memref<1x40x128xi32, #tpu.memory_space<hbm>> -> memref<40x128xi32, #tpu.memory_space<hbm>>
      %dma_wait3A_107 = arith.constant 40 : i32
      %dma_wait3A_108 = arith.constant 0 : i32
      %dma_wait3A_109 = tpu.memref_slice %arg4[%arg1, %dma_wait3A_107, %dma_wait3A_108] : memref<16x80x128xi32, #tpu.memory_space<hbm>> -> memref<1x40x128xi32, #tpu.memory_space<hbm>>
      %dma_wait3A_110 = tpu.memref_squeeze %dma_wait3A_109 : memref<1x40x128xi32, #tpu.memory_space<hbm>> -> memref<40x128xi32, #tpu.memory_space<hbm>>
      tpu.wait_dma2 semaphore(%run_scoped3A : memref<!tpu.dma_semaphore, #tpu.memory_space<semaphore_mem>>) src(%dma_wait3A_110 : memref<40x128xi32, #tpu.memory_space<hbm>>) dst(%arg9 : memref<40x128xi32, #tpu.memory_space<vmem>>)
      tpu.yield
    }) : () -> ()
    %scan3A_21 = arith.constant 0 : i32
    %scan3A_22 = arith.constant 0 : i32
    %scan3A_23 = arith.constant 40 : i32
    %scan3A_24 = arith.addi %scan3A_22, %scan3A_23 : i32
    %scan3A_25 = arith.constant 1 : i32
    scf.for %scan3A_96 = %scan3A_22 to %scan3A_24 step %scan3A_25  : i32 {
      %get3A = arith.index_cast %scan3A_96 : i32 to index
      %get3A_97 = arith.constant 0 : index
      %get3A_98 = tpu.vector_load %arg8[%get3A, %get3A_97] {strides = array<i32>} : memref<40x128xi32, #tpu.memory_space<vmem>>, vector<1x16xi32>,
      %get3A_99 = vector.shape_cast %get3A_98 : vector<1x16xi32> to vector<16xi32>
      %mul3A_100 = arith.constant 4 : i32
      %mul3A_101 = vector.broadcast %mul3A_100 : i32 to vector<16xi32>
      %mul3A_102 = arith.muli %get3A_99, %mul3A_101 : vector<16xi32>
      %add3A_103 = vector.broadcast %add3A_1 : i32 to vector<16xi32>
      %add3A_104 = arith.addi %mul3A_102, %add3A_103 : vector<16xi32>
      %swap3A = arith.index_cast %scan3A_96 : i32 to index
      %swap3A_105 = arith.constant 0 : index
      %swap3A_106 = tpu.vector_load %arg8[%swap3A, %swap3A_105] {strides = array<i32>} : memref<40x128xi32, #tpu.memory_space<vmem>>, vector<1x16xi32>,
      %swap3A_107 = vector.shape_cast %swap3A_106 : vector<1x16xi32> to vector<16xi32>
      %swap3A_108 = vector.shape_cast %add3A_104 : vector<16xi32> to vector<1x16xi32>
      tpu.vector_store %arg8[%swap3A, %swap3A_105], %swap3A_108 {strides = array<i32>} : memref<40x128xi32, #tpu.memory_space<vmem>>, vector<1x16xi32>,
      %get3A_109 = arith.index_cast %scan3A_96 : i32 to index
      %get3A_110 = arith.constant 16 : index
      %get3A_111 = tpu.vector_load %arg8[%get3A_109, %get3A_110] {strides = array<i32>} : memref<40x128xi32, #tpu.memory_space<vmem>>, vector<1x16xi32>,
      %get3A_112 = vector.shape_cast %get3A_111 : vector<1x16xi32> to vector<16xi32>
      %mul3A_113 = arith.constant 4 : i32
      %mul3A_114 = vector.broadcast %mul3A_113 : i32 to vector<16xi32>
      %mul3A_115 = arith.muli %get3A_112, %mul3A_114 : vector<16xi32>
      %add3A_116 = vector.broadcast %add3A_1 : i32 to vector<16xi32>
      %add3A_117 = arith.addi %mul3A_115, %add3A_116 : vector<16xi32>
      %swap3A_118 = arith.index_cast %scan3A_96 : i32 to index
      %swap3A_119 = arith.constant 16 : index
      %swap3A_120 = tpu.vector_load %arg8[%swap3A_118, %swap3A_119] {strides = array<i32>} : memref<40x128xi32, #tpu.memory_space<vmem>>, vector<1x16xi32>,
      %swap3A_121 = vector.shape_cast %swap3A_120 : vector<1x16xi32> to vector<16xi32>
      %swap3A_122 = vector.shape_cast %add3A_117 : vector<16xi32> to vector<1x16xi32>
      tpu.vector_store %arg8[%swap3A_118, %swap3A_119], %swap3A_122 {strides = array<i32>} : memref<40x128xi32, #tpu.memory_space<vmem>>, vector<1x16xi32>,
      %get3A_123 = arith.index_cast %scan3A_96 : i32 to index
      %get3A_124 = arith.constant 32 : index
      %get3A_125 = tpu.vector_load %arg8[%get3A_123, %get3A_124] {strides = array<i32>} : memref<40x128xi32, #tpu.memory_space<vmem>>, vector<1x16xi32>,
      %get3A_126 = vector.shape_cast %get3A_125 : vector<1x16xi32> to vector<16xi32>
      %mul3A_127 = arith.constant 4 : i32
      %mul3A_128 = vector.broadcast %mul3A_127 : i32 to vector<16xi32>
      %mul3A_129 = arith.muli %get3A_126, %mul3A_128 : vector<16xi32>
      %add3A_130 = vector.broadcast %add3A_1 : i32 to vector<16xi32>
      %add3A_131 = arith.addi %mul3A_129, %add3A_130 : vector<16xi32>
      %swap3A_132 = arith.index_cast %scan3A_96 : i32 to index
      %swap3A_133 = arith.constant 32 : index
      %swap3A_134 = tpu.vector_load %arg8[%swap3A_132, %swap3A_133] {strides = array<i32>} : memref<40x128xi32, #tpu.memory_space<vmem>>, vector<1x16xi32>,
      %swap3A_135 = vector.shape_cast %swap3A_134 : vector<1x16xi32> to vector<16xi32>
      %swap3A_136 = vector.shape_cast %add3A_131 : vector<16xi32> to vector<1x16xi32>
      tpu.vector_store %arg8[%swap3A_132, %swap3A_133], %swap3A_136 {strides = array<i32>} : memref<40x128xi32, #tpu.memory_space<vmem>>, vector<1x16xi32>,
      %get3A_137 = arith.index_cast %scan3A_96 : i32 to index
      %get3A_138 = arith.constant 48 : index
      %get3A_139 = tpu.vector_load %arg8[%get3A_137, %get3A_138] {strides = array<i32>} : memref<40x128xi32, #tpu.memory_space<vmem>>, vector<1x16xi32>,
      %get3A_140 = vector.shape_cast %get3A_139 : vector<1x16xi32> to vector<16xi32>
      %mul3A_141 = arith.constant 4 : i32
      %mul3A_142 = vector.broadcast %mul3A_141 : i32 to vector<16xi32>
      %mul3A_143 = arith.muli %get3A_140, %mul3A_142 : vector<16xi32>
      %add3A_144 = vector.broadcast %add3A_1 : i32 to vector<16xi32>
      %add3A_145 = arith.addi %mul3A_143, %add3A_144 : vector<16xi32>
      %swap3A_146 = arith.index_cast %scan3A_96 : i32 to index
      %swap3A_147 = arith.constant 48 : index
      %swap3A_148 = tpu.vector_load %arg8[%swap3A_146, %swap3A_147] {strides = array<i32>} : memref<40x128xi32, #tpu.memory_space<vmem>>, vector<1x16xi32>,
      %swap3A_149 = vector.shape_cast %swap3A_148 : vector<1x16xi32> to vector<16xi32>
      %swap3A_150 = vector.shape_cast %add3A_145 : vector<16xi32> to vector<1x16xi32>
      tpu.vector_store %arg8[%swap3A_146, %swap3A_147], %swap3A_150 {strides = array<i32>} : memref<40x128xi32, #tpu.memory_space<vmem>>, vector<1x16xi32>,
      %get3A_151 = arith.index_cast %scan3A_96 : i32 to index
      %get3A_152 = arith.constant 64 : index
      %get3A_153 = tpu.vector_load %arg8[%get3A_151, %get3A_152] {strides = array<i32>} : memref<40x128xi32, #tpu.memory_space<vmem>>, vector<1x16xi32>,
      %get3A_154 = vector.shape_cast %get3A_153 : vector<1x16xi32> to vector<16xi32>
      %mul3A_155 = arith.constant 4 : i32
      %mul3A_156 = vector.broadcast %mul3A_155 : i32 to vector<16xi32>
      %mul3A_157 = arith.muli %get3A_154, %mul3A_156 : vector<16xi32>
      %add3A_158 = vector.broadcast %add3A_1 : i32 to vector<16xi32>
      %add3A_159 = arith.addi %mul3A_157, %add3A_158 : vector<16xi32>
      %swap3A_160 = arith.index_cast %scan3A_96 : i32 to index
      %swap3A_161 = arith.constant 64 : index
      %swap3A_162 = tpu.vector_load %arg8[%swap3A_160, %swap3A_161] {strides = array<i32>} : memref<40x128xi32, #tpu.memory_space<vmem>>, vector<1x16xi32>,
      %swap3A_163 = vector.shape_cast %swap3A_162 : vector<1x16xi32> to vector<16xi32>
      %swap3A_164 = vector.shape_cast %add3A_159 : vector<16xi32> to vector<1x16xi32>
      tpu.vector_store %arg8[%swap3A_160, %swap3A_161], %swap3A_164 {strides = array<i32>} : memref<40x128xi32, #tpu.memory_space<vmem>>, vector<1x16xi32>,
      %get3A_165 = arith.index_cast %scan3A_96 : i32 to index
      %get3A_166 = arith.constant 80 : index
      %get3A_167 = tpu.vector_load %arg8[%get3A_165, %get3A_166] {strides = array<i32>} : memref<40x128xi32, #tpu.memory_space<vmem>>, vector<1x16xi32>,
      %get3A_168 = vector.shape_cast %get3A_167 : vector<1x16xi32> to vector<16xi32>
      %mul3A_169 = arith.constant 4 : i32
      %mul3A_170 = vector.broadcast %mul3A_169 : i32 to vector<16xi32>
      %mul3A_171 = arith.muli %get3A_168, %mul3A_170 : vector<16xi32>
      %add3A_172 = vector.broadcast %add3A_1 : i32 to vector<16xi32>
      %add3A_173 = arith.addi %mul3A_171, %add3A_172 : vector<16xi32>
      %swap3A_174 = arith.index_cast %scan3A_96 : i32 to index
      %swap3A_175 = arith.constant 80 : index
      %swap3A_176 = tpu.vector_load %arg8[%swap3A_174, %swap3A_175] {strides = array<i32>} : memref<40x128xi32, #tpu.memory_space<vmem>>, vector<1x16xi32>,
      %swap3A_177 = vector.shape_cast %swap3A_176 : vector<1x16xi32> to vector<16xi32>
      %swap3A_178 = vector.shape_cast %add3A_173 : vector<16xi32> to vector<1x16xi32>
      tpu.vector_store %arg8[%swap3A_174, %swap3A_175], %swap3A_178 {strides = array<i32>} : memref<40x128xi32, #tpu.memory_space<vmem>>, vector<1x16xi32>,
      %get3A_179 = arith.index_cast %scan3A_96 : i32 to index
      %get3A_180 = arith.constant 96 : index
      %get3A_181 = tpu.vector_load %arg8[%get3A_179, %get3A_180] {strides = array<i32>} : memref<40x128xi32, #tpu.memory_space<vmem>>, vector<1x16xi32>,
      %get3A_182 = vector.shape_cast %get3A_181 : vector<1x16xi32> to vector<16xi32>
      %mul3A_183 = arith.constant 4 : i32
      %mul3A_184 = vector.broadcast %mul3A_183 : i32 to vector<16xi32>
      %mul3A_185 = arith.muli %get3A_182, %mul3A_184 : vector<16xi32>
      %add3A_186 = vector.broadcast %add3A_1 : i32 to vector<16xi32>
      %add3A_187 = arith.addi %mul3A_185, %add3A_186 : vector<16xi32>
      %swap3A_188 = arith.index_cast %scan3A_96 : i32 to index
      %swap3A_189 = arith.constant 96 : index
      %swap3A_190 = tpu.vector_load %arg8[%swap3A_188, %swap3A_189] {strides = array<i32>} : memref<40x128xi32, #tpu.memory_space<vmem>>, vector<1x16xi32>,
      %swap3A_191 = vector.shape_cast %swap3A_190 : vector<1x16xi32> to vector<16xi32>
      %swap3A_192 = vector.shape_cast %add3A_187 : vector<16xi32> to vector<1x16xi32>
      tpu.vector_store %arg8[%swap3A_188, %swap3A_189], %swap3A_192 {strides = array<i32>} : memref<40x128xi32, #tpu.memory_space<vmem>>, vector<1x16xi32>,
      %get3A_193 = arith.index_cast %scan3A_96 : i32 to index
      %get3A_194 = arith.constant 112 : index
      %get3A_195 = tpu.vector_load %arg8[%get3A_193, %get3A_194] {strides = array<i32>} : memref<40x128xi32, #tpu.memory_space<vmem>>, vector<1x16xi32>,
      %get3A_196 = vector.shape_cast %get3A_195 : vector<1x16xi32> to vector<16xi32>
      %mul3A_197 = arith.constant 4 : i32
      %mul3A_198 = vector.broadcast %mul3A_197 : i32 to vector<16xi32>
      %mul3A_199 = arith.muli %get3A_196, %mul3A_198 : vector<16xi32>
      %add3A_200 = vector.broadcast %add3A_1 : i32 to vector<16xi32>
      %add3A_201 = arith.addi %mul3A_199, %add3A_200 : vector<16xi32>
      %swap3A_202 = arith.index_cast %scan3A_96 : i32 to index
      %swap3A_203 = arith.constant 112 : index
      %swap3A_204 = tpu.vector_load %arg8[%swap3A_202, %swap3A_203] {strides = array<i32>} : memref<40x128xi32, #tpu.memory_space<vmem>>, vector<1x16xi32>,
      %swap3A_205 = vector.shape_cast %swap3A_204 : vector<1x16xi32> to vector<16xi32>
      %swap3A_206 = vector.shape_cast %add3A_201 : vector<16xi32> to vector<1x16xi32>
      tpu.vector_store %arg8[%swap3A_202, %swap3A_203], %swap3A_206 {strides = array<i32>} : memref<40x128xi32, #tpu.memory_space<vmem>>, vector<1x16xi32>,
    }
    %scan3A_26 = arith.constant 40 : i32
    %dma_start3A_27 = arith.constant 0 : i32
    %dma_start3A_28 = arith.constant 0 : i32
    %dma_start3A_29 = tpu.memref_slice %arg8[%dma_start3A_27, %dma_start3A_28] : memref<40x128xi32, #tpu.memory_space<vmem>> -> memref<1x128xi32, #tpu.memory_space<vmem>>
    %dma_start3A_30 = tpu.memref_squeeze %dma_start3A_29 : memref<1x128xi32, #tpu.memory_space<vmem>> -> memref<128xi32, #tpu.memory_space<vmem>>
    %dma_start3A_31 = arith.constant 0 : i32
    %dma_start3A_32 = arith.constant 0 : i32
    %dma_start3A_33 = tpu.memref_slice %arg2[%dma_start3A_31, %dma_start3A_32] : memref<40000x128xf32, #tpu.memory_space<hbm>> -> memref<40000x128xf32, #tpu.memory_space<hbm>>
    tpu.enqueue_indirect_dma source(%dma_start3A_33 : memref<40000x128xf32, #tpu.memory_space<hbm>>) target(%arg10 : memref<128x128xf32, #tpu.memory_space<vmem>>) offsets(%dma_start3A_30 : memref<128xi32, #tpu.memory_space<vmem>>) semaphore(%arg14 : memref<!tpu.dma_semaphore, #tpu.memory_space<semaphore_mem>>)
    %scan3A_34 = arith.constant 0 : i32
    %scan3A_35 = arith.constant 0 : i32
    %scan3A_36 = arith.constant 20 : i32
    %scan3A_37 = arith.addi %scan3A_35, %scan3A_36 : i32
    %scan3A_38 = arith.constant 1 : i32
    scf.for %scan3A_96 = %scan3A_35 to %scan3A_37 step %scan3A_38  : i32 {
      %mul3A_97 = arith.constant 2 : i32
      %mul3A_98 = arith.muli %mul3A_97, %scan3A_96 : i32
      %dma_wait3A = arith.constant 0 : i32
      %dma_wait3A_99 = tpu.memref_slice %arg8[%mul3A_98, %dma_wait3A] : memref<40x128xi32, #tpu.memory_space<vmem>> -> memref<1x128xi32, #tpu.memory_space<vmem>>
      %dma_wait3A_100 = tpu.memref_squeeze %dma_wait3A_99 : memref<1x128xi32, #tpu.memory_space<vmem>> -> memref<128xi32, #tpu.memory_space<vmem>>
      %dma_wait3A_101 = arith.constant 0 : i32
      %dma_wait3A_102 = arith.constant 0 : i32
      %dma_wait3A_103 = tpu.memref_slice %arg2[%dma_wait3A_101, %dma_wait3A_102] : memref<40000x128xf32, #tpu.memory_space<hbm>> -> memref<40000x128xf32, #tpu.memory_space<hbm>>
      tpu.wait_indirect_dma semaphore(%arg14 : memref<!tpu.dma_semaphore, #tpu.memory_space<semaphore_mem>>) src(%dma_wait3A_103 : memref<40000x128xf32, #tpu.memory_space<hbm>>) dst(%arg10 : memref<128x128xf32, #tpu.memory_space<vmem>>)
      %add3A_104 = arith.constant 1 : i32
      %add3A_105 = arith.addi %mul3A_98, %add3A_104 : i32
      %dma_start3A_106 = arith.constant 0 : i32
      %dma_start3A_107 = tpu.memref_slice %arg8[%add3A_105, %dma_start3A_106] : memref<40x128xi32, #tpu.memory_space<vmem>> -> memref<1x128xi32, #tpu.memory_space<vmem>>
      %dma_start3A_108 = tpu.memref_squeeze %dma_start3A_107 : memref<1x128xi32, #tpu.memory_space<vmem>> -> memref<128xi32, #tpu.memory_space<vmem>>
      %dma_start3A_109 = arith.constant 0 : i32
      %dma_start3A_110 = arith.constant 0 : i32
      %dma_start3A_111 = tpu.memref_slice %arg2[%dma_start3A_109, %dma_start3A_110] : memref<40000x128xf32, #tpu.memory_space<hbm>> -> memref<40000x128xf32, #tpu.memory_space<hbm>>
      tpu.enqueue_indirect_dma source(%dma_start3A_111 : memref<40000x128xf32, #tpu.memory_space<hbm>>) target(%arg11 : memref<128x128xf32, #tpu.memory_space<vmem>>) offsets(%dma_start3A_108 : memref<128xi32, #tpu.memory_space<vmem>>) semaphore(%arg15 : memref<!tpu.dma_semaphore, #tpu.memory_space<semaphore_mem>>)
      "tpu.region"() ({
        %run_scoped3A = tpu.sem_alloc : memref<!tpu.dma_semaphore, #tpu.memory_space<semaphore_mem>>
        %dma_start3A_126 = arith.constant 0 : i32
        %dma_start3A_127 = tpu.memref_slice %arg9[%mul3A_98, %dma_start3A_126] : memref<40x128xi32, #tpu.memory_space<vmem>> -> memref<1x128xi32, #tpu.memory_space<vmem>>
        %dma_start3A_128 = tpu.memref_squeeze %dma_start3A_127 : memref<1x128xi32, #tpu.memory_space<vmem>> -> memref<128xi32, #tpu.memory_space<vmem>>
        %dma_start3A_129 = arith.constant 0 : i32
        %dma_start3A_130 = arith.constant 0 : i32
        %dma_start3A_131 = tpu.memref_slice %arg13[%dma_start3A_129, %dma_start3A_130] : memref<10240x128xf32, #tpu.memory_space<vmem_shared>> -> memref<10240x128xf32, #tpu.memory_space<vmem_shared>>
        tpu.enqueue_indirect_dma source(%arg10 : memref<128x128xf32, #tpu.memory_space<vmem>>) target(%dma_start3A_131 : memref<10240x128xf32, #tpu.memory_space<vmem_shared>>) offsets(%dma_start3A_128 : memref<128xi32, #tpu.memory_space<vmem>>) semaphore(%run_scoped3A : memref<!tpu.dma_semaphore, #tpu.memory_space<semaphore_mem>>) {add = true}
        %dma_wait3A_132 = arith.constant 0 : i32
        %dma_wait3A_133 = tpu.memref_slice %arg9[%mul3A_98, %dma_wait3A_132] : memref<40x128xi32, #tpu.memory_space<vmem>> -> memref<1x128xi32, #tpu.memory_space<vmem>>
        %dma_wait3A_134 = tpu.memref_squeeze %dma_wait3A_133 : memref<1x128xi32, #tpu.memory_space<vmem>> -> memref<128xi32, #tpu.memory_space<vmem>>
        %dma_wait3A_135 = arith.constant 0 : i32
        %dma_wait3A_136 = arith.constant 0 : i32
        %dma_wait3A_137 = tpu.memref_slice %arg13[%dma_wait3A_135, %dma_wait3A_136] : memref<10240x128xf32, #tpu.memory_space<vmem_shared>> -> memref<10240x128xf32, #tpu.memory_space<vmem_shared>>
        tpu.wait_indirect_dma semaphore(%run_scoped3A : memref<!tpu.dma_semaphore, #tpu.memory_space<semaphore_mem>>) src(%arg10 : memref<128x128xf32, #tpu.memory_space<vmem>>) dst(%dma_wait3A_137 : memref<10240x128xf32, #tpu.memory_space<vmem_shared>>)
        tpu.yield
      }) : () -> ()
      %add3A_112 = arith.constant 1 : i32
      %add3A_113 = arith.addi %mul3A_98, %add3A_112 : i32
      %dma_wait3A_114 = arith.constant 0 : i32
      %dma_wait3A_115 = tpu.memref_slice %arg8[%add3A_113, %dma_wait3A_114] : memref<40x128xi32, #tpu.memory_space<vmem>> -> memref<1x128xi32, #tpu.memory_space<vmem>>
      %dma_wait3A_116 = tpu.memref_squeeze %dma_wait3A_115 : memref<1x128xi32, #tpu.memory_space<vmem>> -> memref<128xi32, #tpu.memory_space<vmem>>
      %dma_wait3A_117 = arith.constant 0 : i32
      %dma_wait3A_118 = arith.constant 0 : i32
      %dma_wait3A_119 = tpu.memref_slice %arg2[%dma_wait3A_117, %dma_wait3A_118] : memref<40000x128xf32, #tpu.memory_space<hbm>> -> memref<40000x128xf32, #tpu.memory_space<hbm>>
      tpu.wait_indirect_dma semaphore(%arg15 : memref<!tpu.dma_semaphore, #tpu.memory_space<semaphore_mem>>) src(%dma_wait3A_119 : memref<40000x128xf32, #tpu.memory_space<hbm>>) dst(%arg11 : memref<128x128xf32, #tpu.memory_space<vmem>>)
      %add3A_120 = arith.constant 2 : i32
      %add3A_121 = arith.addi %mul3A_98, %add3A_120 : i32
      %lt3A = arith.constant 40 : i32
      %lt3A_122 = arith.cmpi slt, %add3A_121, %lt3A : i32
      %convert_element_type3A = arith.extui %lt3A_122 : i1 to i32
      %cond3A = arith.constant 0 : i32
      %cond3A_123 = arith.cmpi ne, %convert_element_type3A, %cond3A : i32
      scf.if %cond3A_123 {
        %add3A_126 = arith.constant 2 : i32
        %add3A_127 = arith.addi %mul3A_98, %add3A_126 : i32
        %dma_start3A_128 = arith.constant 0 : i32
        %dma_start3A_129 = tpu.memref_slice %arg8[%add3A_127, %dma_start3A_128] : memref<40x128xi32, #tpu.memory_space<vmem>> -> memref<1x128xi32, #tpu.memory_space<vmem>>
        %dma_start3A_130 = tpu.memref_squeeze %dma_start3A_129 : memref<1x128xi32, #tpu.memory_space<vmem>> -> memref<128xi32, #tpu.memory_space<vmem>>
        %dma_start3A_131 = arith.constant 0 : i32
        %dma_start3A_132 = arith.constant 0 : i32
        %dma_start3A_133 = tpu.memref_slice %arg2[%dma_start3A_131, %dma_start3A_132] : memref<40000x128xf32, #tpu.memory_space<hbm>> -> memref<40000x128xf32, #tpu.memory_space<hbm>>
        tpu.enqueue_indirect_dma source(%dma_start3A_133 : memref<40000x128xf32, #tpu.memory_space<hbm>>) target(%arg10 : memref<128x128xf32, #tpu.memory_space<vmem>>) offsets(%dma_start3A_130 : memref<128xi32, #tpu.memory_space<vmem>>) semaphore(%arg14 : memref<!tpu.dma_semaphore, #tpu.memory_space<semaphore_mem>>)
      } else {
      }
      %add3A_124 = arith.constant 1 : i32
      %add3A_125 = arith.addi %mul3A_98, %add3A_124 : i32
      "tpu.region"() ({
        %run_scoped3A = tpu.sem_alloc : memref<!tpu.dma_semaphore, #tpu.memory_space<semaphore_mem>>
        %dma_start3A_126 = arith.constant 0 : i32
        %dma_start3A_127 = tpu.memref_slice %arg9[%add3A_125, %dma_start3A_126] : memref<40x128xi32, #tpu.memory_space<vmem>> -> memref<1x128xi32, #tpu.memory_space<vmem>>
        %dma_start3A_128 = tpu.memref_squeeze %dma_start3A_127 : memref<1x128xi32, #tpu.memory_space<vmem>> -> memref<128xi32, #tpu.memory_space<vmem>>
        %dma_start3A_129 = arith.constant 0 : i32
        %dma_start3A_130 = arith.constant 0 : i32
        %dma_start3A_131 = tpu.memref_slice %arg13[%dma_start3A_129, %dma_start3A_130] : memref<10240x128xf32, #tpu.memory_space<vmem_shared>> -> memref<10240x128xf32, #tpu.memory_space<vmem_shared>>
        tpu.enqueue_indirect_dma source(%arg11 : memref<128x128xf32, #tpu.memory_space<vmem>>) target(%dma_start3A_131 : memref<10240x128xf32, #tpu.memory_space<vmem_shared>>) offsets(%dma_start3A_128 : memref<128xi32, #tpu.memory_space<vmem>>) semaphore(%run_scoped3A : memref<!tpu.dma_semaphore, #tpu.memory_space<semaphore_mem>>) {add = true}
        %dma_wait3A_132 = arith.constant 0 : i32
        %dma_wait3A_133 = tpu.memref_slice %arg9[%add3A_125, %dma_wait3A_132] : memref<40x128xi32, #tpu.memory_space<vmem>> -> memref<1x128xi32, #tpu.memory_space<vmem>>
        %dma_wait3A_134 = tpu.memref_squeeze %dma_wait3A_133 : memref<1x128xi32, #tpu.memory_space<vmem>> -> memref<128xi32, #tpu.memory_space<vmem>>
        %dma_wait3A_135 = arith.constant 0 : i32
        %dma_wait3A_136 = arith.constant 0 : i32
        %dma_wait3A_137 = tpu.memref_slice %arg13[%dma_wait3A_135, %dma_wait3A_136] : memref<10240x128xf32, #tpu.memory_space<vmem_shared>> -> memref<10240x128xf32, #tpu.memory_space<vmem_shared>>
        tpu.wait_indirect_dma semaphore(%run_scoped3A : memref<!tpu.dma_semaphore, #tpu.memory_space<semaphore_mem>>) src(%arg11 : memref<128x128xf32, #tpu.memory_space<vmem>>) dst(%dma_wait3A_137 : memref<10240x128xf32, #tpu.memory_space<vmem_shared>>)
        tpu.yield
      }) : () -> ()
    }
    %scan3A_39 = arith.constant 20 : i32
    %barrier3A_40 = arith.constant 0 : index
    tpu.barrier barrier_id(%barrier3A_40)
    %mul3A_41 = arith.constant 640 : i32
    %mul3A_42 = arith.muli %arg1, %mul3A_41 : i32
    %mul3A_43 = arith.constant 640 : i32
    %mul3A_44 = arith.muli %arg1, %mul3A_43 : i32
    "tpu.region"() ({
      %run_scoped3A = tpu.sem_alloc : memref<!tpu.dma_semaphore, #tpu.memory_space<semaphore_mem>>
      %dma_start3A_96 = arith.constant 0 : i32
      %dma_start3A_97 = tpu.memref_slice %arg7[%add3A_1, %mul3A_44, %dma_start3A_96] : memref<4x10240x128xf32, #tpu.memory_space<hbm>> -> memref<1x640x128xf32, #tpu.memory_space<hbm>>
      %dma_start3A_98 = tpu.memref_squeeze %dma_start3A_97 : memref<1x640x128xf32, #tpu.memory_space<hbm>> -> memref<640x128xf32, #tpu.memory_space<hbm>>
      %dma_start3A_99 = arith.constant 0 : i32
      %dma_start3A_100 = tpu.memref_slice %arg13[%mul3A_42, %dma_start3A_99] : memref<10240x128xf32, #tpu.memory_space<vmem_shared>> -> memref<640x128xf32, #tpu.memory_space<vmem_shared>>
      tpu.enqueue_dma source(%dma_start3A_100 : memref<640x128xf32, #tpu.memory_space<vmem_shared>>) target(%dma_start3A_98 : memref<640x128xf32, #tpu.memory_space<hbm>>) target_semaphore(%run_scoped3A : memref<!tpu.dma_semaphore, #tpu.memory_space<semaphore_mem>>)
      %dma_wait3A = arith.constant 0 : i32
      %dma_wait3A_101 = tpu.memref_slice %arg7[%add3A_1, %mul3A_44, %dma_wait3A] : memref<4x10240x128xf32, #tpu.memory_space<hbm>> -> memref<1x640x128xf32, #tpu.memory_space<hbm>>
      %dma_wait3A_102 = tpu.memref_squeeze %dma_wait3A_101 : memref<1x640x128xf32, #tpu.memory_space<hbm>> -> memref<640x128xf32, #tpu.memory_space<hbm>>
      %dma_wait3A_103 = arith.constant 0 : i32
      %dma_wait3A_104 = tpu.memref_slice %arg13[%mul3A_42, %dma_wait3A_103] : memref<10240x128xf32, #tpu.memory_space<vmem_shared>> -> memref<640x128xf32, #tpu.memory_space<vmem_shared>>
      tpu.wait_dma2 semaphore(%run_scoped3A : memref<!tpu.dma_semaphore, #tpu.memory_space<semaphore_mem>>) src(%dma_wait3A_104 : memref<640x128xf32, #tpu.memory_space<vmem_shared>>) dst(%dma_wait3A_102 : memref<640x128xf32, #tpu.memory_space<hbm>>)
      tpu.yield
    }) : () -> ()
    %barrier3A_45 = arith.constant 0 : index
    tpu.barrier barrier_id(%barrier3A_45)
    %mul3A_46 = arith.constant 2 : i32
    %mul3A_47 = arith.muli %arg0, %mul3A_46 : i32
    %add3A_48 = arith.constant 1 : i32
    %add3A_49 = arith.addi %mul3A_47, %add3A_48 : i32
    %mul3A_50 = arith.constant 640 : i32
    %mul3A_51 = arith.muli %arg1, %mul3A_50 : i32
    "tpu.region"() ({
      %run_scoped3A = tpu.sem_alloc : memref<!tpu.dma_semaphore, #tpu.memory_space<semaphore_mem>>
      %dma_start3A_96 = arith.constant 0 : i32
      %dma_start3A_97 = tpu.memref_slice %arg13[%mul3A_51, %dma_start3A_96] : memref<10240x128xf32, #tpu.memory_space<vmem_shared>> -> memref<640x128xf32, #tpu.memory_space<vmem_shared>>
      tpu.enqueue_dma source(%arg5 : memref<640x128xf32, #tpu.memory_space<hbm>>) target(%dma_start3A_97 : memref<640x128xf32, #tpu.memory_space<vmem_shared>>) target_semaphore(%run_scoped3A : memref<!tpu.dma_semaphore, #tpu.memory_space<semaphore_mem>>)
      %dma_wait3A = arith.constant 0 : i32
      %dma_wait3A_98 = tpu.memref_slice %arg13[%mul3A_51, %dma_wait3A] : memref<10240x128xf32, #tpu.memory_space<vmem_shared>> -> memref<640x128xf32, #tpu.memory_space<vmem_shared>>
      tpu.wait_dma2 semaphore(%run_scoped3A : memref<!tpu.dma_semaphore, #tpu.memory_space<semaphore_mem>>) src(%arg5 : memref<640x128xf32, #tpu.memory_space<hbm>>) dst(%dma_wait3A_98 : memref<640x128xf32, #tpu.memory_space<vmem_shared>>)
      tpu.yield
    }) : () -> ()
    %barrier3A_52 = arith.constant 0 : index
    tpu.barrier barrier_id(%barrier3A_52)
    "tpu.region"() ({
      %run_scoped3A = tpu.sem_alloc : memref<!tpu.dma_semaphore, #tpu.memory_space<semaphore_mem>>
      %dma_start3A_96 = arith.constant 0 : i32
      %dma_start3A_97 = arith.constant 0 : i32
      %dma_start3A_98 = tpu.memref_slice %arg3[%arg1, %dma_start3A_96, %dma_start3A_97] : memref<16x80x128xi32, #tpu.memory_space<hbm>> -> memref<1x40x128xi32, #tpu.memory_space<hbm>>
      %dma_start3A_99 = tpu.memref_squeeze %dma_start3A_98 : memref<1x40x128xi32, #tpu.memory_space<hbm>> -> memref<40x128xi32, #tpu.memory_space<hbm>>
      %dma_start3A_100 = arith.constant 0 : i32
      %dma_start3A_101 = arith.constant 0 : i32
      %dma_start3A_102 = tpu.memref_slice %arg3[%arg1, %dma_start3A_100, %dma_start3A_101] : memref<16x80x128xi32, #tpu.memory_space<hbm>> -> memref<1x40x128xi32, #tpu.memory_space<hbm>>
      %dma_start3A_103 = tpu.memref_squeeze %dma_start3A_102 : memref<1x40x128xi32, #tpu.memory_space<hbm>> -> memref<40x128xi32, #tpu.memory_space<hbm>>
      tpu.enqueue_dma source(%dma_start3A_103 : memref<40x128xi32, #tpu.memory_space<hbm>>) target(%arg8 : memref<40x128xi32, #tpu.memory_space<vmem>>) target_semaphore(%run_scoped3A : memref<!tpu.dma_semaphore, #tpu.memory_space<semaphore_mem>>)
      %dma_wait3A = arith.constant 0 : i32
      %dma_wait3A_104 = arith.constant 0 : i32
      %dma_wait3A_105 = tpu.memref_slice %arg3[%arg1, %dma_wait3A, %dma_wait3A_104] : memref<16x80x128xi32, #tpu.memory_space<hbm>> -> memref<1x40x128xi32, #tpu.memory_space<hbm>>
      %dma_wait3A_106 = tpu.memref_squeeze %dma_wait3A_105 : memref<1x40x128xi32, #tpu.memory_space<hbm>> -> memref<40x128xi32, #tpu.memory_space<hbm>>
      %dma_wait3A_107 = arith.constant 0 : i32
      %dma_wait3A_108 = arith.constant 0 : i32
      %dma_wait3A_109 = tpu.memref_slice %arg3[%arg1, %dma_wait3A_107, %dma_wait3A_108] : memref<16x80x128xi32, #tpu.memory_space<hbm>> -> memref<1x40x128xi32, #tpu.memory_space<hbm>>
      %dma_wait3A_110 = tpu.memref_squeeze %dma_wait3A_109 : memref<1x40x128xi32, #tpu.memory_space<hbm>> -> memref<40x128xi32, #tpu.memory_space<hbm>>
      tpu.wait_dma2 semaphore(%run_scoped3A : memref<!tpu.dma_semaphore, #tpu.memory_space<semaphore_mem>>) src(%dma_wait3A_110 : memref<40x128xi32, #tpu.memory_space<hbm>>) dst(%arg8 : memref<40x128xi32, #tpu.memory_space<vmem>>)
      tpu.yield
    }) : () -> ()
    "tpu.region"() ({
      %run_scoped3A = tpu.sem_alloc : memref<!tpu.dma_semaphore, #tpu.memory_space<semaphore_mem>>
      %dma_start3A_96 = arith.constant 0 : i32
      %dma_start3A_97 = arith.constant 0 : i32
      %dma_start3A_98 = tpu.memref_slice %arg4[%arg1, %dma_start3A_96, %dma_start3A_97] : memref<16x80x128xi32, #tpu.memory_space<hbm>> -> memref<1x40x128xi32, #tpu.memory_space<hbm>>
      %dma_start3A_99 = tpu.memref_squeeze %dma_start3A_98 : memref<1x40x128xi32, #tpu.memory_space<hbm>> -> memref<40x128xi32, #tpu.memory_space<hbm>>
      %dma_start3A_100 = arith.constant 0 : i32
      %dma_start3A_101 = arith.constant 0 : i32
      %dma_start3A_102 = tpu.memref_slice %arg4[%arg1, %dma_start3A_100, %dma_start3A_101] : memref<16x80x128xi32, #tpu.memory_space<hbm>> -> memref<1x40x128xi32, #tpu.memory_space<hbm>>
      %dma_start3A_103 = tpu.memref_squeeze %dma_start3A_102 : memref<1x40x128xi32, #tpu.memory_space<hbm>> -> memref<40x128xi32, #tpu.memory_space<hbm>>
      tpu.enqueue_dma source(%dma_start3A_103 : memref<40x128xi32, #tpu.memory_space<hbm>>) target(%arg9 : memref<40x128xi32, #tpu.memory_space<vmem>>) target_semaphore(%run_scoped3A : memref<!tpu.dma_semaphore, #tpu.memory_space<semaphore_mem>>)
      %dma_wait3A = arith.constant 0 : i32
      %dma_wait3A_104 = arith.constant 0 : i32
      %dma_wait3A_105 = tpu.memref_slice %arg4[%arg1, %dma_wait3A, %dma_wait3A_104] : memref<16x80x128xi32, #tpu.memory_space<hbm>> -> memref<1x40x128xi32, #tpu.memory_space<hbm>>
      %dma_wait3A_106 = tpu.memref_squeeze %dma_wait3A_105 : memref<1x40x128xi32, #tpu.memory_space<hbm>> -> memref<40x128xi32, #tpu.memory_space<hbm>>
      %dma_wait3A_107 = arith.constant 0 : i32
      %dma_wait3A_108 = arith.constant 0 : i32
      %dma_wait3A_109 = tpu.memref_slice %arg4[%arg1, %dma_wait3A_107, %dma_wait3A_108] : memref<16x80x128xi32, #tpu.memory_space<hbm>> -> memref<1x40x128xi32, #tpu.memory_space<hbm>>
      %dma_wait3A_110 = tpu.memref_squeeze %dma_wait3A_109 : memref<1x40x128xi32, #tpu.memory_space<hbm>> -> memref<40x128xi32, #tpu.memory_space<hbm>>
      tpu.wait_dma2 semaphore(%run_scoped3A : memref<!tpu.dma_semaphore, #tpu.memory_space<semaphore_mem>>) src(%dma_wait3A_110 : memref<40x128xi32, #tpu.memory_space<hbm>>) dst(%arg9 : memref<40x128xi32, #tpu.memory_space<vmem>>)
      tpu.yield
    }) : () -> ()
    %scan3A_53 = arith.constant 0 : i32
    %scan3A_54 = arith.constant 0 : i32
    %scan3A_55 = arith.constant 40 : i32
    %scan3A_56 = arith.addi %scan3A_54, %scan3A_55 : i32
    %scan3A_57 = arith.constant 1 : i32
    scf.for %scan3A_96 = %scan3A_54 to %scan3A_56 step %scan3A_57  : i32 {
      %get3A = arith.index_cast %scan3A_96 : i32 to index
      %get3A_97 = arith.constant 0 : index
      %get3A_98 = tpu.vector_load %arg8[%get3A, %get3A_97] {strides = array<i32>} : memref<40x128xi32, #tpu.memory_space<vmem>>, vector<1x16xi32>,
      %get3A_99 = vector.shape_cast %get3A_98 : vector<1x16xi32> to vector<16xi32>
      %mul3A_100 = arith.constant 4 : i32
      %mul3A_101 = vector.broadcast %mul3A_100 : i32 to vector<16xi32>
      %mul3A_102 = arith.muli %get3A_99, %mul3A_101 : vector<16xi32>
      %add3A_103 = vector.broadcast %add3A_49 : i32 to vector<16xi32>
      %add3A_104 = arith.addi %mul3A_102, %add3A_103 : vector<16xi32>
      %swap3A = arith.index_cast %scan3A_96 : i32 to index
      %swap3A_105 = arith.constant 0 : index
      %swap3A_106 = tpu.vector_load %arg8[%swap3A, %swap3A_105] {strides = array<i32>} : memref<40x128xi32, #tpu.memory_space<vmem>>, vector<1x16xi32>,
      %swap3A_107 = vector.shape_cast %swap3A_106 : vector<1x16xi32> to vector<16xi32>
      %swap3A_108 = vector.shape_cast %add3A_104 : vector<16xi32> to vector<1x16xi32>
      tpu.vector_store %arg8[%swap3A, %swap3A_105], %swap3A_108 {strides = array<i32>} : memref<40x128xi32, #tpu.memory_space<vmem>>, vector<1x16xi32>,
      %get3A_109 = arith.index_cast %scan3A_96 : i32 to index
      %get3A_110 = arith.constant 16 : index
      %get3A_111 = tpu.vector_load %arg8[%get3A_109, %get3A_110] {strides = array<i32>} : memref<40x128xi32, #tpu.memory_space<vmem>>, vector<1x16xi32>,
      %get3A_112 = vector.shape_cast %get3A_111 : vector<1x16xi32> to vector<16xi32>
      %mul3A_113 = arith.constant 4 : i32
      %mul3A_114 = vector.broadcast %mul3A_113 : i32 to vector<16xi32>
      %mul3A_115 = arith.muli %get3A_112, %mul3A_114 : vector<16xi32>
      %add3A_116 = vector.broadcast %add3A_49 : i32 to vector<16xi32>
      %add3A_117 = arith.addi %mul3A_115, %add3A_116 : vector<16xi32>
      %swap3A_118 = arith.index_cast %scan3A_96 : i32 to index
      %swap3A_119 = arith.constant 16 : index
      %swap3A_120 = tpu.vector_load %arg8[%swap3A_118, %swap3A_119] {strides = array<i32>} : memref<40x128xi32, #tpu.memory_space<vmem>>, vector<1x16xi32>,
      %swap3A_121 = vector.shape_cast %swap3A_120 : vector<1x16xi32> to vector<16xi32>
      %swap3A_122 = vector.shape_cast %add3A_117 : vector<16xi32> to vector<1x16xi32>
      tpu.vector_store %arg8[%swap3A_118, %swap3A_119], %swap3A_122 {strides = array<i32>} : memref<40x128xi32, #tpu.memory_space<vmem>>, vector<1x16xi32>,
      %get3A_123 = arith.index_cast %scan3A_96 : i32 to index
      %get3A_124 = arith.constant 32 : index
      %get3A_125 = tpu.vector_load %arg8[%get3A_123, %get3A_124] {strides = array<i32>} : memref<40x128xi32, #tpu.memory_space<vmem>>, vector<1x16xi32>,
      %get3A_126 = vector.shape_cast %get3A_125 : vector<1x16xi32> to vector<16xi32>
      %mul3A_127 = arith.constant 4 : i32
      %mul3A_128 = vector.broadcast %mul3A_127 : i32 to vector<16xi32>
      %mul3A_129 = arith.muli %get3A_126, %mul3A_128 : vector<16xi32>
      %add3A_130 = vector.broadcast %add3A_49 : i32 to vector<16xi32>
      %add3A_131 = arith.addi %mul3A_129, %add3A_130 : vector<16xi32>
      %swap3A_132 = arith.index_cast %scan3A_96 : i32 to index
      %swap3A_133 = arith.constant 32 : index
      %swap3A_134 = tpu.vector_load %arg8[%swap3A_132, %swap3A_133] {strides = array<i32>} : memref<40x128xi32, #tpu.memory_space<vmem>>, vector<1x16xi32>,
      %swap3A_135 = vector.shape_cast %swap3A_134 : vector<1x16xi32> to vector<16xi32>
      %swap3A_136 = vector.shape_cast %add3A_131 : vector<16xi32> to vector<1x16xi32>
      tpu.vector_store %arg8[%swap3A_132, %swap3A_133], %swap3A_136 {strides = array<i32>} : memref<40x128xi32, #tpu.memory_space<vmem>>, vector<1x16xi32>,
      %get3A_137 = arith.index_cast %scan3A_96 : i32 to index
      %get3A_138 = arith.constant 48 : index
      %get3A_139 = tpu.vector_load %arg8[%get3A_137, %get3A_138] {strides = array<i32>} : memref<40x128xi32, #tpu.memory_space<vmem>>, vector<1x16xi32>,
      %get3A_140 = vector.shape_cast %get3A_139 : vector<1x16xi32> to vector<16xi32>
      %mul3A_141 = arith.constant 4 : i32
      %mul3A_142 = vector.broadcast %mul3A_141 : i32 to vector<16xi32>
      %mul3A_143 = arith.muli %get3A_140, %mul3A_142 : vector<16xi32>
      %add3A_144 = vector.broadcast %add3A_49 : i32 to vector<16xi32>
      %add3A_145 = arith.addi %mul3A_143, %add3A_144 : vector<16xi32>
      %swap3A_146 = arith.index_cast %scan3A_96 : i32 to index
      %swap3A_147 = arith.constant 48 : index
      %swap3A_148 = tpu.vector_load %arg8[%swap3A_146, %swap3A_147] {strides = array<i32>} : memref<40x128xi32, #tpu.memory_space<vmem>>, vector<1x16xi32>,
      %swap3A_149 = vector.shape_cast %swap3A_148 : vector<1x16xi32> to vector<16xi32>
      %swap3A_150 = vector.shape_cast %add3A_145 : vector<16xi32> to vector<1x16xi32>
      tpu.vector_store %arg8[%swap3A_146, %swap3A_147], %swap3A_150 {strides = array<i32>} : memref<40x128xi32, #tpu.memory_space<vmem>>, vector<1x16xi32>,
      %get3A_151 = arith.index_cast %scan3A_96 : i32 to index
      %get3A_152 = arith.constant 64 : index
      %get3A_153 = tpu.vector_load %arg8[%get3A_151, %get3A_152] {strides = array<i32>} : memref<40x128xi32, #tpu.memory_space<vmem>>, vector<1x16xi32>,
      %get3A_154 = vector.shape_cast %get3A_153 : vector<1x16xi32> to vector<16xi32>
      %mul3A_155 = arith.constant 4 : i32
      %mul3A_156 = vector.broadcast %mul3A_155 : i32 to vector<16xi32>
      %mul3A_157 = arith.muli %get3A_154, %mul3A_156 : vector<16xi32>
      %add3A_158 = vector.broadcast %add3A_49 : i32 to vector<16xi32>
      %add3A_159 = arith.addi %mul3A_157, %add3A_158 : vector<16xi32>
      %swap3A_160 = arith.index_cast %scan3A_96 : i32 to index
      %swap3A_161 = arith.constant 64 : index
      %swap3A_162 = tpu.vector_load %arg8[%swap3A_160, %swap3A_161] {strides = array<i32>} : memref<40x128xi32, #tpu.memory_space<vmem>>, vector<1x16xi32>,
      %swap3A_163 = vector.shape_cast %swap3A_162 : vector<1x16xi32> to vector<16xi32>
      %swap3A_164 = vector.shape_cast %add3A_159 : vector<16xi32> to vector<1x16xi32>
      tpu.vector_store %arg8[%swap3A_160, %swap3A_161], %swap3A_164 {strides = array<i32>} : memref<40x128xi32, #tpu.memory_space<vmem>>, vector<1x16xi32>,
      %get3A_165 = arith.index_cast %scan3A_96 : i32 to index
      %get3A_166 = arith.constant 80 : index
      %get3A_167 = tpu.vector_load %arg8[%get3A_165, %get3A_166] {strides = array<i32>} : memref<40x128xi32, #tpu.memory_space<vmem>>, vector<1x16xi32>,
      %get3A_168 = vector.shape_cast %get3A_167 : vector<1x16xi32> to vector<16xi32>
      %mul3A_169 = arith.constant 4 : i32
      %mul3A_170 = vector.broadcast %mul3A_169 : i32 to vector<16xi32>
      %mul3A_171 = arith.muli %get3A_168, %mul3A_170 : vector<16xi32>
      %add3A_172 = vector.broadcast %add3A_49 : i32 to vector<16xi32>
      %add3A_173 = arith.addi %mul3A_171, %add3A_172 : vector<16xi32>
      %swap3A_174 = arith.index_cast %scan3A_96 : i32 to index
      %swap3A_175 = arith.constant 80 : index
      %swap3A_176 = tpu.vector_load %arg8[%swap3A_174, %swap3A_175] {strides = array<i32>} : memref<40x128xi32, #tpu.memory_space<vmem>>, vector<1x16xi32>,
      %swap3A_177 = vector.shape_cast %swap3A_176 : vector<1x16xi32> to vector<16xi32>
      %swap3A_178 = vector.shape_cast %add3A_173 : vector<16xi32> to vector<1x16xi32>
      tpu.vector_store %arg8[%swap3A_174, %swap3A_175], %swap3A_178 {strides = array<i32>} : memref<40x128xi32, #tpu.memory_space<vmem>>, vector<1x16xi32>,
      %get3A_179 = arith.index_cast %scan3A_96 : i32 to index
      %get3A_180 = arith.constant 96 : index
      %get3A_181 = tpu.vector_load %arg8[%get3A_179, %get3A_180] {strides = array<i32>} : memref<40x128xi32, #tpu.memory_space<vmem>>, vector<1x16xi32>,
      %get3A_182 = vector.shape_cast %get3A_181 : vector<1x16xi32> to vector<16xi32>
      %mul3A_183 = arith.constant 4 : i32
      %mul3A_184 = vector.broadcast %mul3A_183 : i32 to vector<16xi32>
      %mul3A_185 = arith.muli %get3A_182, %mul3A_184 : vector<16xi32>
      %add3A_186 = vector.broadcast %add3A_49 : i32 to vector<16xi32>
      %add3A_187 = arith.addi %mul3A_185, %add3A_186 : vector<16xi32>
      %swap3A_188 = arith.index_cast %scan3A_96 : i32 to index
      %swap3A_189 = arith.constant 96 : index
      %swap3A_190 = tpu.vector_load %arg8[%swap3A_188, %swap3A_189] {strides = array<i32>} : memref<40x128xi32, #tpu.memory_space<vmem>>, vector<1x16xi32>,
      %swap3A_191 = vector.shape_cast %swap3A_190 : vector<1x16xi32> to vector<16xi32>
      %swap3A_192 = vector.shape_cast %add3A_187 : vector<16xi32> to vector<1x16xi32>
      tpu.vector_store %arg8[%swap3A_188, %swap3A_189], %swap3A_192 {strides = array<i32>} : memref<40x128xi32, #tpu.memory_space<vmem>>, vector<1x16xi32>,
      %get3A_193 = arith.index_cast %scan3A_96 : i32 to index
      %get3A_194 = arith.constant 112 : index
      %get3A_195 = tpu.vector_load %arg8[%get3A_193, %get3A_194] {strides = array<i32>} : memref<40x128xi32, #tpu.memory_space<vmem>>, vector<1x16xi32>,
      %get3A_196 = vector.shape_cast %get3A_195 : vector<1x16xi32> to vector<16xi32>
      %mul3A_197 = arith.constant 4 : i32
      %mul3A_198 = vector.broadcast %mul3A_197 : i32 to vector<16xi32>
      %mul3A_199 = arith.muli %get3A_196, %mul3A_198 : vector<16xi32>
      %add3A_200 = vector.broadcast %add3A_49 : i32 to vector<16xi32>
      %add3A_201 = arith.addi %mul3A_199, %add3A_200 : vector<16xi32>
      %swap3A_202 = arith.index_cast %scan3A_96 : i32 to index
      %swap3A_203 = arith.constant 112 : index
      %swap3A_204 = tpu.vector_load %arg8[%swap3A_202, %swap3A_203] {strides = array<i32>} : memref<40x128xi32, #tpu.memory_space<vmem>>, vector<1x16xi32>,
      %swap3A_205 = vector.shape_cast %swap3A_204 : vector<1x16xi32> to vector<16xi32>
      %swap3A_206 = vector.shape_cast %add3A_201 : vector<16xi32> to vector<1x16xi32>
      tpu.vector_store %arg8[%swap3A_202, %swap3A_203], %swap3A_206 {strides = array<i32>} : memref<40x128xi32, #tpu.memory_space<vmem>>, vector<1x16xi32>,
    }
    %scan3A_58 = arith.constant 40 : i32
    %dma_start3A_59 = arith.constant 0 : i32
    %dma_start3A_60 = arith.constant 0 : i32
    %dma_start3A_61 = tpu.memref_slice %arg8[%dma_start3A_59, %dma_start3A_60] : memref<40x128xi32, #tpu.memory_space<vmem>> -> memref<1x128xi32, #tpu.memory_space<vmem>>
    %dma_start3A_62 = tpu.memref_squeeze %dma_start3A_61 : memref<1x128xi32, #tpu.memory_space<vmem>> -> memref<128xi32, #tpu.memory_space<vmem>>
    %dma_start3A_63 = arith.constant 0 : i32
    %dma_start3A_64 = arith.constant 0 : i32
    %dma_start3A_65 = tpu.memref_slice %arg2[%dma_start3A_63, %dma_start3A_64] : memref<40000x128xf32, #tpu.memory_space<hbm>> -> memref<40000x128xf32, #tpu.memory_space<hbm>>
    tpu.enqueue_indirect_dma source(%dma_start3A_65 : memref<40000x128xf32, #tpu.memory_space<hbm>>) target(%arg10 : memref<128x128xf32, #tpu.memory_space<vmem>>) offsets(%dma_start3A_62 : memref<128xi32, #tpu.memory_space<vmem>>) semaphore(%arg14 : memref<!tpu.dma_semaphore, #tpu.memory_space<semaphore_mem>>)
    %scan3A_66 = arith.constant 0 : i32
    %scan3A_67 = arith.constant 0 : i32
    %scan3A_68 = arith.constant 20 : i32
    %scan3A_69 = arith.addi %scan3A_67, %scan3A_68 : i32
    %scan3A_70 = arith.constant 1 : i32
    scf.for %scan3A_96 = %scan3A_67 to %scan3A_69 step %scan3A_70  : i32 {
      %mul3A_97 = arith.constant 2 : i32
      %mul3A_98 = arith.muli %mul3A_97, %scan3A_96 : i32
      %dma_wait3A = arith.constant 0 : i32
      %dma_wait3A_99 = tpu.memref_slice %arg8[%mul3A_98, %dma_wait3A] : memref<40x128xi32, #tpu.memory_space<vmem>> -> memref<1x128xi32, #tpu.memory_space<vmem>>
      %dma_wait3A_100 = tpu.memref_squeeze %dma_wait3A_99 : memref<1x128xi32, #tpu.memory_space<vmem>> -> memref<128xi32, #tpu.memory_space<vmem>>
      %dma_wait3A_101 = arith.constant 0 : i32
      %dma_wait3A_102 = arith.constant 0 : i32
      %dma_wait3A_103 = tpu.memref_slice %arg2[%dma_wait3A_101, %dma_wait3A_102] : memref<40000x128xf32, #tpu.memory_space<hbm>> -> memref<40000x128xf32, #tpu.memory_space<hbm>>
      tpu.wait_indirect_dma semaphore(%arg14 : memref<!tpu.dma_semaphore, #tpu.memory_space<semaphore_mem>>) src(%dma_wait3A_103 : memref<40000x128xf32, #tpu.memory_space<hbm>>) dst(%arg10 : memref<128x128xf32, #tpu.memory_space<vmem>>)
      %add3A_104 = arith.constant 1 : i32
      %add3A_105 = arith.addi %mul3A_98, %add3A_104 : i32
      %dma_start3A_106 = arith.constant 0 : i32
      %dma_start3A_107 = tpu.memref_slice %arg8[%add3A_105, %dma_start3A_106] : memref<40x128xi32, #tpu.memory_space<vmem>> -> memref<1x128xi32, #tpu.memory_space<vmem>>
      %dma_start3A_108 = tpu.memref_squeeze %dma_start3A_107 : memref<1x128xi32, #tpu.memory_space<vmem>> -> memref<128xi32, #tpu.memory_space<vmem>>
      %dma_start3A_109 = arith.constant 0 : i32
      %dma_start3A_110 = arith.constant 0 : i32
      %dma_start3A_111 = tpu.memref_slice %arg2[%dma_start3A_109, %dma_start3A_110] : memref<40000x128xf32, #tpu.memory_space<hbm>> -> memref<40000x128xf32, #tpu.memory_space<hbm>>
      tpu.enqueue_indirect_dma source(%dma_start3A_111 : memref<40000x128xf32, #tpu.memory_space<hbm>>) target(%arg11 : memref<128x128xf32, #tpu.memory_space<vmem>>) offsets(%dma_start3A_108 : memref<128xi32, #tpu.memory_space<vmem>>) semaphore(%arg15 : memref<!tpu.dma_semaphore, #tpu.memory_space<semaphore_mem>>)
      "tpu.region"() ({
        %run_scoped3A = tpu.sem_alloc : memref<!tpu.dma_semaphore, #tpu.memory_space<semaphore_mem>>
        %dma_start3A_126 = arith.constant 0 : i32
        %dma_start3A_127 = tpu.memref_slice %arg9[%mul3A_98, %dma_start3A_126] : memref<40x128xi32, #tpu.memory_space<vmem>> -> memref<1x128xi32, #tpu.memory_space<vmem>>
        %dma_start3A_128 = tpu.memref_squeeze %dma_start3A_127 : memref<1x128xi32, #tpu.memory_space<vmem>> -> memref<128xi32, #tpu.memory_space<vmem>>
        %dma_start3A_129 = arith.constant 0 : i32
        %dma_start3A_130 = arith.constant 0 : i32
        %dma_start3A_131 = tpu.memref_slice %arg13[%dma_start3A_129, %dma_start3A_130] : memref<10240x128xf32, #tpu.memory_space<vmem_shared>> -> memref<10240x128xf32, #tpu.memory_space<vmem_shared>>
        tpu.enqueue_indirect_dma source(%arg10 : memref<128x128xf32, #tpu.memory_space<vmem>>) target(%dma_start3A_131 : memref<10240x128xf32, #tpu.memory_space<vmem_shared>>) offsets(%dma_start3A_128 : memref<128xi32, #tpu.memory_space<vmem>>) semaphore(%run_scoped3A : memref<!tpu.dma_semaphore, #tpu.memory_space<semaphore_mem>>) {add = true}
        %dma_wait3A_132 = arith.constant 0 : i32
        %dma_wait3A_133 = tpu.memref_slice %arg9[%mul3A_98, %dma_wait3A_132] : memref<40x128xi32, #tpu.memory_space<vmem>> -> memref<1x128xi32, #tpu.memory_space<vmem>>
        %dma_wait3A_134 = tpu.memref_squeeze %dma_wait3A_133 : memref<1x128xi32, #tpu.memory_space<vmem>> -> memref<128xi32, #tpu.memory_space<vmem>>
        %dma_wait3A_135 = arith.constant 0 : i32
        %dma_wait3A_136 = arith.constant 0 : i32
        %dma_wait3A_137 = tpu.memref_slice %arg13[%dma_wait3A_135, %dma_wait3A_136] : memref<10240x128xf32, #tpu.memory_space<vmem_shared>> -> memref<10240x128xf32, #tpu.memory_space<vmem_shared>>
        tpu.wait_indirect_dma semaphore(%run_scoped3A : memref<!tpu.dma_semaphore, #tpu.memory_space<semaphore_mem>>) src(%arg10 : memref<128x128xf32, #tpu.memory_space<vmem>>) dst(%dma_wait3A_137 : memref<10240x128xf32, #tpu.memory_space<vmem_shared>>)
        tpu.yield
      }) : () -> ()
      %add3A_112 = arith.constant 1 : i32
      %add3A_113 = arith.addi %mul3A_98, %add3A_112 : i32
      %dma_wait3A_114 = arith.constant 0 : i32
      %dma_wait3A_115 = tpu.memref_slice %arg8[%add3A_113, %dma_wait3A_114] : memref<40x128xi32, #tpu.memory_space<vmem>> -> memref<1x128xi32, #tpu.memory_space<vmem>>
      %dma_wait3A_116 = tpu.memref_squeeze %dma_wait3A_115 : memref<1x128xi32, #tpu.memory_space<vmem>> -> memref<128xi32, #tpu.memory_space<vmem>>
      %dma_wait3A_117 = arith.constant 0 : i32
      %dma_wait3A_118 = arith.constant 0 : i32
      %dma_wait3A_119 = tpu.memref_slice %arg2[%dma_wait3A_117, %dma_wait3A_118] : memref<40000x128xf32, #tpu.memory_space<hbm>> -> memref<40000x128xf32, #tpu.memory_space<hbm>>
      tpu.wait_indirect_dma semaphore(%arg15 : memref<!tpu.dma_semaphore, #tpu.memory_space<semaphore_mem>>) src(%dma_wait3A_119 : memref<40000x128xf32, #tpu.memory_space<hbm>>) dst(%arg11 : memref<128x128xf32, #tpu.memory_space<vmem>>)
      %add3A_120 = arith.constant 2 : i32
      %add3A_121 = arith.addi %mul3A_98, %add3A_120 : i32
      %lt3A = arith.constant 40 : i32
      %lt3A_122 = arith.cmpi slt, %add3A_121, %lt3A : i32
      %convert_element_type3A = arith.extui %lt3A_122 : i1 to i32
      %cond3A = arith.constant 0 : i32
      %cond3A_123 = arith.cmpi ne, %convert_element_type3A, %cond3A : i32
      scf.if %cond3A_123 {
        %add3A_126 = arith.constant 2 : i32
        %add3A_127 = arith.addi %mul3A_98, %add3A_126 : i32
        %dma_start3A_128 = arith.constant 0 : i32
        %dma_start3A_129 = tpu.memref_slice %arg8[%add3A_127, %dma_start3A_128] : memref<40x128xi32, #tpu.memory_space<vmem>> -> memref<1x128xi32, #tpu.memory_space<vmem>>
        %dma_start3A_130 = tpu.memref_squeeze %dma_start3A_129 : memref<1x128xi32, #tpu.memory_space<vmem>> -> memref<128xi32, #tpu.memory_space<vmem>>
        %dma_start3A_131 = arith.constant 0 : i32
        %dma_start3A_132 = arith.constant 0 : i32
        %dma_start3A_133 = tpu.memref_slice %arg2[%dma_start3A_131, %dma_start3A_132] : memref<40000x128xf32, #tpu.memory_space<hbm>> -> memref<40000x128xf32, #tpu.memory_space<hbm>>
        tpu.enqueue_indirect_dma source(%dma_start3A_133 : memref<40000x128xf32, #tpu.memory_space<hbm>>) target(%arg10 : memref<128x128xf32, #tpu.memory_space<vmem>>) offsets(%dma_start3A_130 : memref<128xi32, #tpu.memory_space<vmem>>) semaphore(%arg14 : memref<!tpu.dma_semaphore, #tpu.memory_space<semaphore_mem>>)
      } else {
      }
      %add3A_124 = arith.constant 1 : i32
      %add3A_125 = arith.addi %mul3A_98, %add3A_124 : i32
      "tpu.region"() ({
        %run_scoped3A = tpu.sem_alloc : memref<!tpu.dma_semaphore, #tpu.memory_space<semaphore_mem>>
        %dma_start3A_126 = arith.constant 0 : i32
        %dma_start3A_127 = tpu.memref_slice %arg9[%add3A_125, %dma_start3A_126] : memref<40x128xi32, #tpu.memory_space<vmem>> -> memref<1x128xi32, #tpu.memory_space<vmem>>
        %dma_start3A_128 = tpu.memref_squeeze %dma_start3A_127 : memref<1x128xi32, #tpu.memory_space<vmem>> -> memref<128xi32, #tpu.memory_space<vmem>>
        %dma_start3A_129 = arith.constant 0 : i32
        %dma_start3A_130 = arith.constant 0 : i32
        %dma_start3A_131 = tpu.memref_slice %arg13[%dma_start3A_129, %dma_start3A_130] : memref<10240x128xf32, #tpu.memory_space<vmem_shared>> -> memref<10240x128xf32, #tpu.memory_space<vmem_shared>>
        tpu.enqueue_indirect_dma source(%arg11 : memref<128x128xf32, #tpu.memory_space<vmem>>) target(%dma_start3A_131 : memref<10240x128xf32, #tpu.memory_space<vmem_shared>>) offsets(%dma_start3A_128 : memref<128xi32, #tpu.memory_space<vmem>>) semaphore(%run_scoped3A : memref<!tpu.dma_semaphore, #tpu.memory_space<semaphore_mem>>) {add = true}
        %dma_wait3A_132 = arith.constant 0 : i32
        %dma_wait3A_133 = tpu.memref_slice %arg9[%add3A_125, %dma_wait3A_132] : memref<40x128xi32, #tpu.memory_space<vmem>> -> memref<1x128xi32, #tpu.memory_space<vmem>>
        %dma_wait3A_134 = tpu.memref_squeeze %dma_wait3A_133 : memref<1x128xi32, #tpu.memory_space<vmem>> -> memref<128xi32, #tpu.memory_space<vmem>>
        %dma_wait3A_135 = arith.constant 0 : i32
        %dma_wait3A_136 = arith.constant 0 : i32
        %dma_wait3A_137 = tpu.memref_slice %arg13[%dma_wait3A_135, %dma_wait3A_136] : memref<10240x128xf32, #tpu.memory_space<vmem_shared>> -> memref<10240x128xf32, #tpu.memory_space<vmem_shared>>
        tpu.wait_indirect_dma semaphore(%run_scoped3A : memref<!tpu.dma_semaphore, #tpu.memory_space<semaphore_mem>>) src(%arg11 : memref<128x128xf32, #tpu.memory_space<vmem>>) dst(%dma_wait3A_137 : memref<10240x128xf32, #tpu.memory_space<vmem_shared>>)
        tpu.yield
      }) : () -> ()
    }
    %scan3A_71 = arith.constant 20 : i32
    "tpu.region"() ({
      %run_scoped3A = tpu.sem_alloc : memref<!tpu.dma_semaphore, #tpu.memory_space<semaphore_mem>>
      %dma_start3A_96 = arith.constant 40 : i32
      %dma_start3A_97 = arith.constant 0 : i32
      %dma_start3A_98 = tpu.memref_slice %arg3[%arg1, %dma_start3A_96, %dma_start3A_97] : memref<16x80x128xi32, #tpu.memory_space<hbm>> -> memref<1x40x128xi32, #tpu.memory_space<hbm>>
      %dma_start3A_99 = tpu.memref_squeeze %dma_start3A_98 : memref<1x40x128xi32, #tpu.memory_space<hbm>> -> memref<40x128xi32, #tpu.memory_space<hbm>>
      %dma_start3A_100 = arith.constant 40 : i32
      %dma_start3A_101 = arith.constant 0 : i32
      %dma_start3A_102 = tpu.memref_slice %arg3[%arg1, %dma_start3A_100, %dma_start3A_101] : memref<16x80x128xi32, #tpu.memory_space<hbm>> -> memref<1x40x128xi32, #tpu.memory_space<hbm>>
      %dma_start3A_103 = tpu.memref_squeeze %dma_start3A_102 : memref<1x40x128xi32, #tpu.memory_space<hbm>> -> memref<40x128xi32, #tpu.memory_space<hbm>>
      tpu.enqueue_dma source(%dma_start3A_103 : memref<40x128xi32, #tpu.memory_space<hbm>>) target(%arg8 : memref<40x128xi32, #tpu.memory_space<vmem>>) target_semaphore(%run_scoped3A : memref<!tpu.dma_semaphore, #tpu.memory_space<semaphore_mem>>)
      %dma_wait3A = arith.constant 40 : i32
      %dma_wait3A_104 = arith.constant 0 : i32
      %dma_wait3A_105 = tpu.memref_slice %arg3[%arg1, %dma_wait3A, %dma_wait3A_104] : memref<16x80x128xi32, #tpu.memory_space<hbm>> -> memref<1x40x128xi32, #tpu.memory_space<hbm>>
      %dma_wait3A_106 = tpu.memref_squeeze %dma_wait3A_105 : memref<1x40x128xi32, #tpu.memory_space<hbm>> -> memref<40x128xi32, #tpu.memory_space<hbm>>
      %dma_wait3A_107 = arith.constant 40 : i32
      %dma_wait3A_108 = arith.constant 0 : i32
      %dma_wait3A_109 = tpu.memref_slice %arg3[%arg1, %dma_wait3A_107, %dma_wait3A_108] : memref<16x80x128xi32, #tpu.memory_space<hbm>> -> memref<1x40x128xi32, #tpu.memory_space<hbm>>
      %dma_wait3A_110 = tpu.memref_squeeze %dma_wait3A_109 : memref<1x40x128xi32, #tpu.memory_space<hbm>> -> memref<40x128xi32, #tpu.memory_space<hbm>>
      tpu.wait_dma2 semaphore(%run_scoped3A : memref<!tpu.dma_semaphore, #tpu.memory_space<semaphore_mem>>) src(%dma_wait3A_110 : memref<40x128xi32, #tpu.memory_space<hbm>>) dst(%arg8 : memref<40x128xi32, #tpu.memory_space<vmem>>)
      tpu.yield
    }) : () -> ()
    "tpu.region"() ({
      %run_scoped3A = tpu.sem_alloc : memref<!tpu.dma_semaphore, #tpu.memory_space<semaphore_mem>>
      %dma_start3A_96 = arith.constant 40 : i32
      %dma_start3A_97 = arith.constant 0 : i32
      %dma_start3A_98 = tpu.memref_slice %arg4[%arg1, %dma_start3A_96, %dma_start3A_97] : memref<16x80x128xi32, #tpu.memory_space<hbm>> -> memref<1x40x128xi32, #tpu.memory_space<hbm>>
      %dma_start3A_99 = tpu.memref_squeeze %dma_start3A_98 : memref<1x40x128xi32, #tpu.memory_space<hbm>> -> memref<40x128xi32, #tpu.memory_space<hbm>>
      %dma_start3A_100 = arith.constant 40 : i32
      %dma_start3A_101 = arith.constant 0 : i32
      %dma_start3A_102 = tpu.memref_slice %arg4[%arg1, %dma_start3A_100, %dma_start3A_101] : memref<16x80x128xi32, #tpu.memory_space<hbm>> -> memref<1x40x128xi32, #tpu.memory_space<hbm>>
      %dma_start3A_103 = tpu.memref_squeeze %dma_start3A_102 : memref<1x40x128xi32, #tpu.memory_space<hbm>> -> memref<40x128xi32, #tpu.memory_space<hbm>>
      tpu.enqueue_dma source(%dma_start3A_103 : memref<40x128xi32, #tpu.memory_space<hbm>>) target(%arg9 : memref<40x128xi32, #tpu.memory_space<vmem>>) target_semaphore(%run_scoped3A : memref<!tpu.dma_semaphore, #tpu.memory_space<semaphore_mem>>)
      %dma_wait3A = arith.constant 40 : i32
      %dma_wait3A_104 = arith.constant 0 : i32
      %dma_wait3A_105 = tpu.memref_slice %arg4[%arg1, %dma_wait3A, %dma_wait3A_104] : memref<16x80x128xi32, #tpu.memory_space<hbm>> -> memref<1x40x128xi32, #tpu.memory_space<hbm>>
      %dma_wait3A_106 = tpu.memref_squeeze %dma_wait3A_105 : memref<1x40x128xi32, #tpu.memory_space<hbm>> -> memref<40x128xi32, #tpu.memory_space<hbm>>
      %dma_wait3A_107 = arith.constant 40 : i32
      %dma_wait3A_108 = arith.constant 0 : i32
      %dma_wait3A_109 = tpu.memref_slice %arg4[%arg1, %dma_wait3A_107, %dma_wait3A_108] : memref<16x80x128xi32, #tpu.memory_space<hbm>> -> memref<1x40x128xi32, #tpu.memory_space<hbm>>
      %dma_wait3A_110 = tpu.memref_squeeze %dma_wait3A_109 : memref<1x40x128xi32, #tpu.memory_space<hbm>> -> memref<40x128xi32, #tpu.memory_space<hbm>>
      tpu.wait_dma2 semaphore(%run_scoped3A : memref<!tpu.dma_semaphore, #tpu.memory_space<semaphore_mem>>) src(%dma_wait3A_110 : memref<40x128xi32, #tpu.memory_space<hbm>>) dst(%arg9 : memref<40x128xi32, #tpu.memory_space<vmem>>)
      tpu.yield
    }) : () -> ()
    %scan3A_72 = arith.constant 0 : i32
    %scan3A_73 = arith.constant 0 : i32
    %scan3A_74 = arith.constant 40 : i32
    %scan3A_75 = arith.addi %scan3A_73, %scan3A_74 : i32
    %scan3A_76 = arith.constant 1 : i32
    scf.for %scan3A_96 = %scan3A_73 to %scan3A_75 step %scan3A_76  : i32 {
      %get3A = arith.index_cast %scan3A_96 : i32 to index
      %get3A_97 = arith.constant 0 : index
      %get3A_98 = tpu.vector_load %arg8[%get3A, %get3A_97] {strides = array<i32>} : memref<40x128xi32, #tpu.memory_space<vmem>>, vector<1x16xi32>,
      %get3A_99 = vector.shape_cast %get3A_98 : vector<1x16xi32> to vector<16xi32>
      %mul3A_100 = arith.constant 4 : i32
      %mul3A_101 = vector.broadcast %mul3A_100 : i32 to vector<16xi32>
      %mul3A_102 = arith.muli %get3A_99, %mul3A_101 : vector<16xi32>
      %add3A_103 = vector.broadcast %add3A_49 : i32 to vector<16xi32>
      %add3A_104 = arith.addi %mul3A_102, %add3A_103 : vector<16xi32>
      %swap3A = arith.index_cast %scan3A_96 : i32 to index
      %swap3A_105 = arith.constant 0 : index
      %swap3A_106 = tpu.vector_load %arg8[%swap3A, %swap3A_105] {strides = array<i32>} : memref<40x128xi32, #tpu.memory_space<vmem>>, vector<1x16xi32>,
      %swap3A_107 = vector.shape_cast %swap3A_106 : vector<1x16xi32> to vector<16xi32>
      %swap3A_108 = vector.shape_cast %add3A_104 : vector<16xi32> to vector<1x16xi32>
      tpu.vector_store %arg8[%swap3A, %swap3A_105], %swap3A_108 {strides = array<i32>} : memref<40x128xi32, #tpu.memory_space<vmem>>, vector<1x16xi32>,
      %get3A_109 = arith.index_cast %scan3A_96 : i32 to index
      %get3A_110 = arith.constant 16 : index
      %get3A_111 = tpu.vector_load %arg8[%get3A_109, %get3A_110] {strides = array<i32>} : memref<40x128xi32, #tpu.memory_space<vmem>>, vector<1x16xi32>,
      %get3A_112 = vector.shape_cast %get3A_111 : vector<1x16xi32> to vector<16xi32>
      %mul3A_113 = arith.constant 4 : i32
      %mul3A_114 = vector.broadcast %mul3A_113 : i32 to vector<16xi32>
      %mul3A_115 = arith.muli %get3A_112, %mul3A_114 : vector<16xi32>
      %add3A_116 = vector.broadcast %add3A_49 : i32 to vector<16xi32>
      %add3A_117 = arith.addi %mul3A_115, %add3A_116 : vector<16xi32>
      %swap3A_118 = arith.index_cast %scan3A_96 : i32 to index
      %swap3A_119 = arith.constant 16 : index
      %swap3A_120 = tpu.vector_load %arg8[%swap3A_118, %swap3A_119] {strides = array<i32>} : memref<40x128xi32, #tpu.memory_space<vmem>>, vector<1x16xi32>,
      %swap3A_121 = vector.shape_cast %swap3A_120 : vector<1x16xi32> to vector<16xi32>
      %swap3A_122 = vector.shape_cast %add3A_117 : vector<16xi32> to vector<1x16xi32>
      tpu.vector_store %arg8[%swap3A_118, %swap3A_119], %swap3A_122 {strides = array<i32>} : memref<40x128xi32, #tpu.memory_space<vmem>>, vector<1x16xi32>,
      %get3A_123 = arith.index_cast %scan3A_96 : i32 to index
      %get3A_124 = arith.constant 32 : index
      %get3A_125 = tpu.vector_load %arg8[%get3A_123, %get3A_124] {strides = array<i32>} : memref<40x128xi32, #tpu.memory_space<vmem>>, vector<1x16xi32>,
      %get3A_126 = vector.shape_cast %get3A_125 : vector<1x16xi32> to vector<16xi32>
      %mul3A_127 = arith.constant 4 : i32
      %mul3A_128 = vector.broadcast %mul3A_127 : i32 to vector<16xi32>
      %mul3A_129 = arith.muli %get3A_126, %mul3A_128 : vector<16xi32>
      %add3A_130 = vector.broadcast %add3A_49 : i32 to vector<16xi32>
      %add3A_131 = arith.addi %mul3A_129, %add3A_130 : vector<16xi32>
      %swap3A_132 = arith.index_cast %scan3A_96 : i32 to index
      %swap3A_133 = arith.constant 32 : index
      %swap3A_134 = tpu.vector_load %arg8[%swap3A_132, %swap3A_133] {strides = array<i32>} : memref<40x128xi32, #tpu.memory_space<vmem>>, vector<1x16xi32>,
      %swap3A_135 = vector.shape_cast %swap3A_134 : vector<1x16xi32> to vector<16xi32>
      %swap3A_136 = vector.shape_cast %add3A_131 : vector<16xi32> to vector<1x16xi32>
      tpu.vector_store %arg8[%swap3A_132, %swap3A_133], %swap3A_136 {strides = array<i32>} : memref<40x128xi32, #tpu.memory_space<vmem>>, vector<1x16xi32>,
      %get3A_137 = arith.index_cast %scan3A_96 : i32 to index
      %get3A_138 = arith.constant 48 : index
      %get3A_139 = tpu.vector_load %arg8[%get3A_137, %get3A_138] {strides = array<i32>} : memref<40x128xi32, #tpu.memory_space<vmem>>, vector<1x16xi32>,
      %get3A_140 = vector.shape_cast %get3A_139 : vector<1x16xi32> to vector<16xi32>
      %mul3A_141 = arith.constant 4 : i32
      %mul3A_142 = vector.broadcast %mul3A_141 : i32 to vector<16xi32>
      %mul3A_143 = arith.muli %get3A_140, %mul3A_142 : vector<16xi32>
      %add3A_144 = vector.broadcast %add3A_49 : i32 to vector<16xi32>
      %add3A_145 = arith.addi %mul3A_143, %add3A_144 : vector<16xi32>
      %swap3A_146 = arith.index_cast %scan3A_96 : i32 to index
      %swap3A_147 = arith.constant 48 : index
      %swap3A_148 = tpu.vector_load %arg8[%swap3A_146, %swap3A_147] {strides = array<i32>} : memref<40x128xi32, #tpu.memory_space<vmem>>, vector<1x16xi32>,
      %swap3A_149 = vector.shape_cast %swap3A_148 : vector<1x16xi32> to vector<16xi32>
      %swap3A_150 = vector.shape_cast %add3A_145 : vector<16xi32> to vector<1x16xi32>
      tpu.vector_store %arg8[%swap3A_146, %swap3A_147], %swap3A_150 {strides = array<i32>} : memref<40x128xi32, #tpu.memory_space<vmem>>, vector<1x16xi32>,
      %get3A_151 = arith.index_cast %scan3A_96 : i32 to index
      %get3A_152 = arith.constant 64 : index
      %get3A_153 = tpu.vector_load %arg8[%get3A_151, %get3A_152] {strides = array<i32>} : memref<40x128xi32, #tpu.memory_space<vmem>>, vector<1x16xi32>,
      %get3A_154 = vector.shape_cast %get3A_153 : vector<1x16xi32> to vector<16xi32>
      %mul3A_155 = arith.constant 4 : i32
      %mul3A_156 = vector.broadcast %mul3A_155 : i32 to vector<16xi32>
      %mul3A_157 = arith.muli %get3A_154, %mul3A_156 : vector<16xi32>
      %add3A_158 = vector.broadcast %add3A_49 : i32 to vector<16xi32>
      %add3A_159 = arith.addi %mul3A_157, %add3A_158 : vector<16xi32>
      %swap3A_160 = arith.index_cast %scan3A_96 : i32 to index
      %swap3A_161 = arith.constant 64 : index
      %swap3A_162 = tpu.vector_load %arg8[%swap3A_160, %swap3A_161] {strides = array<i32>} : memref<40x128xi32, #tpu.memory_space<vmem>>, vector<1x16xi32>,
      %swap3A_163 = vector.shape_cast %swap3A_162 : vector<1x16xi32> to vector<16xi32>
      %swap3A_164 = vector.shape_cast %add3A_159 : vector<16xi32> to vector<1x16xi32>
      tpu.vector_store %arg8[%swap3A_160, %swap3A_161], %swap3A_164 {strides = array<i32>} : memref<40x128xi32, #tpu.memory_space<vmem>>, vector<1x16xi32>,
      %get3A_165 = arith.index_cast %scan3A_96 : i32 to index
      %get3A_166 = arith.constant 80 : index
      %get3A_167 = tpu.vector_load %arg8[%get3A_165, %get3A_166] {strides = array<i32>} : memref<40x128xi32, #tpu.memory_space<vmem>>, vector<1x16xi32>,
      %get3A_168 = vector.shape_cast %get3A_167 : vector<1x16xi32> to vector<16xi32>
      %mul3A_169 = arith.constant 4 : i32
      %mul3A_170 = vector.broadcast %mul3A_169 : i32 to vector<16xi32>
      %mul3A_171 = arith.muli %get3A_168, %mul3A_170 : vector<16xi32>
      %add3A_172 = vector.broadcast %add3A_49 : i32 to vector<16xi32>
      %add3A_173 = arith.addi %mul3A_171, %add3A_172 : vector<16xi32>
      %swap3A_174 = arith.index_cast %scan3A_96 : i32 to index
      %swap3A_175 = arith.constant 80 : index
      %swap3A_176 = tpu.vector_load %arg8[%swap3A_174, %swap3A_175] {strides = array<i32>} : memref<40x128xi32, #tpu.memory_space<vmem>>, vector<1x16xi32>,
      %swap3A_177 = vector.shape_cast %swap3A_176 : vector<1x16xi32> to vector<16xi32>
      %swap3A_178 = vector.shape_cast %add3A_173 : vector<16xi32> to vector<1x16xi32>
      tpu.vector_store %arg8[%swap3A_174, %swap3A_175], %swap3A_178 {strides = array<i32>} : memref<40x128xi32, #tpu.memory_space<vmem>>, vector<1x16xi32>,
      %get3A_179 = arith.index_cast %scan3A_96 : i32 to index
      %get3A_180 = arith.constant 96 : index
      %get3A_181 = tpu.vector_load %arg8[%get3A_179, %get3A_180] {strides = array<i32>} : memref<40x128xi32, #tpu.memory_space<vmem>>, vector<1x16xi32>,
      %get3A_182 = vector.shape_cast %get3A_181 : vector<1x16xi32> to vector<16xi32>
      %mul3A_183 = arith.constant 4 : i32
      %mul3A_184 = vector.broadcast %mul3A_183 : i32 to vector<16xi32>
      %mul3A_185 = arith.muli %get3A_182, %mul3A_184 : vector<16xi32>
      %add3A_186 = vector.broadcast %add3A_49 : i32 to vector<16xi32>
      %add3A_187 = arith.addi %mul3A_185, %add3A_186 : vector<16xi32>
      %swap3A_188 = arith.index_cast %scan3A_96 : i32 to index
      %swap3A_189 = arith.constant 96 : index
      %swap3A_190 = tpu.vector_load %arg8[%swap3A_188, %swap3A_189] {strides = array<i32>} : memref<40x128xi32, #tpu.memory_space<vmem>>, vector<1x16xi32>,
      %swap3A_191 = vector.shape_cast %swap3A_190 : vector<1x16xi32> to vector<16xi32>
      %swap3A_192 = vector.shape_cast %add3A_187 : vector<16xi32> to vector<1x16xi32>
      tpu.vector_store %arg8[%swap3A_188, %swap3A_189], %swap3A_192 {strides = array<i32>} : memref<40x128xi32, #tpu.memory_space<vmem>>, vector<1x16xi32>,
      %get3A_193 = arith.index_cast %scan3A_96 : i32 to index
      %get3A_194 = arith.constant 112 : index
      %get3A_195 = tpu.vector_load %arg8[%get3A_193, %get3A_194] {strides = array<i32>} : memref<40x128xi32, #tpu.memory_space<vmem>>, vector<1x16xi32>,
      %get3A_196 = vector.shape_cast %get3A_195 : vector<1x16xi32> to vector<16xi32>
      %mul3A_197 = arith.constant 4 : i32
      %mul3A_198 = vector.broadcast %mul3A_197 : i32 to vector<16xi32>
      %mul3A_199 = arith.muli %get3A_196, %mul3A_198 : vector<16xi32>
      %add3A_200 = vector.broadcast %add3A_49 : i32 to vector<16xi32>
      %add3A_201 = arith.addi %mul3A_199, %add3A_200 : vector<16xi32>
      %swap3A_202 = arith.index_cast %scan3A_96 : i32 to index
      %swap3A_203 = arith.constant 112 : index
      %swap3A_204 = tpu.vector_load %arg8[%swap3A_202, %swap3A_203] {strides = array<i32>} : memref<40x128xi32, #tpu.memory_space<vmem>>, vector<1x16xi32>,
      %swap3A_205 = vector.shape_cast %swap3A_204 : vector<1x16xi32> to vector<16xi32>
      %swap3A_206 = vector.shape_cast %add3A_201 : vector<16xi32> to vector<1x16xi32>
      tpu.vector_store %arg8[%swap3A_202, %swap3A_203], %swap3A_206 {strides = array<i32>} : memref<40x128xi32, #tpu.memory_space<vmem>>, vector<1x16xi32>,
    }
    %scan3A_77 = arith.constant 40 : i32
    %dma_start3A_78 = arith.constant 0 : i32
    %dma_start3A_79 = arith.constant 0 : i32
    %dma_start3A_80 = tpu.memref_slice %arg8[%dma_start3A_78, %dma_start3A_79] : memref<40x128xi32, #tpu.memory_space<vmem>> -> memref<1x128xi32, #tpu.memory_space<vmem>>
    %dma_start3A_81 = tpu.memref_squeeze %dma_start3A_80 : memref<1x128xi32, #tpu.memory_space<vmem>> -> memref<128xi32, #tpu.memory_space<vmem>>
    %dma_start3A_82 = arith.constant 0 : i32
    %dma_start3A_83 = arith.constant 0 : i32
    %dma_start3A_84 = tpu.memref_slice %arg2[%dma_start3A_82, %dma_start3A_83] : memref<40000x128xf32, #tpu.memory_space<hbm>> -> memref<40000x128xf32, #tpu.memory_space<hbm>>
    tpu.enqueue_indirect_dma source(%dma_start3A_84 : memref<40000x128xf32, #tpu.memory_space<hbm>>) target(%arg10 : memref<128x128xf32, #tpu.memory_space<vmem>>) offsets(%dma_start3A_81 : memref<128xi32, #tpu.memory_space<vmem>>) semaphore(%arg14 : memref<!tpu.dma_semaphore, #tpu.memory_space<semaphore_mem>>)
    %scan3A_85 = arith.constant 0 : i32
    %scan3A_86 = arith.constant 0 : i32
    %scan3A_87 = arith.constant 20 : i32
    %scan3A_88 = arith.addi %scan3A_86, %scan3A_87 : i32
    %scan3A_89 = arith.constant 1 : i32
    scf.for %scan3A_96 = %scan3A_86 to %scan3A_88 step %scan3A_89  : i32 {
      %mul3A_97 = arith.constant 2 : i32
      %mul3A_98 = arith.muli %mul3A_97, %scan3A_96 : i32
      %dma_wait3A = arith.constant 0 : i32
      %dma_wait3A_99 = tpu.memref_slice %arg8[%mul3A_98, %dma_wait3A] : memref<40x128xi32, #tpu.memory_space<vmem>> -> memref<1x128xi32, #tpu.memory_space<vmem>>
      %dma_wait3A_100 = tpu.memref_squeeze %dma_wait3A_99 : memref<1x128xi32, #tpu.memory_space<vmem>> -> memref<128xi32, #tpu.memory_space<vmem>>
      %dma_wait3A_101 = arith.constant 0 : i32
      %dma_wait3A_102 = arith.constant 0 : i32
      %dma_wait3A_103 = tpu.memref_slice %arg2[%dma_wait3A_101, %dma_wait3A_102] : memref<40000x128xf32, #tpu.memory_space<hbm>> -> memref<40000x128xf32, #tpu.memory_space<hbm>>
      tpu.wait_indirect_dma semaphore(%arg14 : memref<!tpu.dma_semaphore, #tpu.memory_space<semaphore_mem>>) src(%dma_wait3A_103 : memref<40000x128xf32, #tpu.memory_space<hbm>>) dst(%arg10 : memref<128x128xf32, #tpu.memory_space<vmem>>)
      %add3A_104 = arith.constant 1 : i32
      %add3A_105 = arith.addi %mul3A_98, %add3A_104 : i32
      %dma_start3A_106 = arith.constant 0 : i32
      %dma_start3A_107 = tpu.memref_slice %arg8[%add3A_105, %dma_start3A_106] : memref<40x128xi32, #tpu.memory_space<vmem>> -> memref<1x128xi32, #tpu.memory_space<vmem>>
      %dma_start3A_108 = tpu.memref_squeeze %dma_start3A_107 : memref<1x128xi32, #tpu.memory_space<vmem>> -> memref<128xi32, #tpu.memory_space<vmem>>
      %dma_start3A_109 = arith.constant 0 : i32
      %dma_start3A_110 = arith.constant 0 : i32
      %dma_start3A_111 = tpu.memref_slice %arg2[%dma_start3A_109, %dma_start3A_110] : memref<40000x128xf32, #tpu.memory_space<hbm>> -> memref<40000x128xf32, #tpu.memory_space<hbm>>
      tpu.enqueue_indirect_dma source(%dma_start3A_111 : memref<40000x128xf32, #tpu.memory_space<hbm>>) target(%arg11 : memref<128x128xf32, #tpu.memory_space<vmem>>) offsets(%dma_start3A_108 : memref<128xi32, #tpu.memory_space<vmem>>) semaphore(%arg15 : memref<!tpu.dma_semaphore, #tpu.memory_space<semaphore_mem>>)
      "tpu.region"() ({
        %run_scoped3A = tpu.sem_alloc : memref<!tpu.dma_semaphore, #tpu.memory_space<semaphore_mem>>
        %dma_start3A_126 = arith.constant 0 : i32
        %dma_start3A_127 = tpu.memref_slice %arg9[%mul3A_98, %dma_start3A_126] : memref<40x128xi32, #tpu.memory_space<vmem>> -> memref<1x128xi32, #tpu.memory_space<vmem>>
        %dma_start3A_128 = tpu.memref_squeeze %dma_start3A_127 : memref<1x128xi32, #tpu.memory_space<vmem>> -> memref<128xi32, #tpu.memory_space<vmem>>
        %dma_start3A_129 = arith.constant 0 : i32
        %dma_start3A_130 = arith.constant 0 : i32
        %dma_start3A_131 = tpu.memref_slice %arg13[%dma_start3A_129, %dma_start3A_130] : memref<10240x128xf32, #tpu.memory_space<vmem_shared>> -> memref<10240x128xf32, #tpu.memory_space<vmem_shared>>
        tpu.enqueue_indirect_dma source(%arg10 : memref<128x128xf32, #tpu.memory_space<vmem>>) target(%dma_start3A_131 : memref<10240x128xf32, #tpu.memory_space<vmem_shared>>) offsets(%dma_start3A_128 : memref<128xi32, #tpu.memory_space<vmem>>) semaphore(%run_scoped3A : memref<!tpu.dma_semaphore, #tpu.memory_space<semaphore_mem>>) {add = true}
        %dma_wait3A_132 = arith.constant 0 : i32
        %dma_wait3A_133 = tpu.memref_slice %arg9[%mul3A_98, %dma_wait3A_132] : memref<40x128xi32, #tpu.memory_space<vmem>> -> memref<1x128xi32, #tpu.memory_space<vmem>>
        %dma_wait3A_134 = tpu.memref_squeeze %dma_wait3A_133 : memref<1x128xi32, #tpu.memory_space<vmem>> -> memref<128xi32, #tpu.memory_space<vmem>>
        %dma_wait3A_135 = arith.constant 0 : i32
        %dma_wait3A_136 = arith.constant 0 : i32
        %dma_wait3A_137 = tpu.memref_slice %arg13[%dma_wait3A_135, %dma_wait3A_136] : memref<10240x128xf32, #tpu.memory_space<vmem_shared>> -> memref<10240x128xf32, #tpu.memory_space<vmem_shared>>
        tpu.wait_indirect_dma semaphore(%run_scoped3A : memref<!tpu.dma_semaphore, #tpu.memory_space<semaphore_mem>>) src(%arg10 : memref<128x128xf32, #tpu.memory_space<vmem>>) dst(%dma_wait3A_137 : memref<10240x128xf32, #tpu.memory_space<vmem_shared>>)
        tpu.yield
      }) : () -> ()
      %add3A_112 = arith.constant 1 : i32
      %add3A_113 = arith.addi %mul3A_98, %add3A_112 : i32
      %dma_wait3A_114 = arith.constant 0 : i32
      %dma_wait3A_115 = tpu.memref_slice %arg8[%add3A_113, %dma_wait3A_114] : memref<40x128xi32, #tpu.memory_space<vmem>> -> memref<1x128xi32, #tpu.memory_space<vmem>>
      %dma_wait3A_116 = tpu.memref_squeeze %dma_wait3A_115 : memref<1x128xi32, #tpu.memory_space<vmem>> -> memref<128xi32, #tpu.memory_space<vmem>>
      %dma_wait3A_117 = arith.constant 0 : i32
      %dma_wait3A_118 = arith.constant 0 : i32
      %dma_wait3A_119 = tpu.memref_slice %arg2[%dma_wait3A_117, %dma_wait3A_118] : memref<40000x128xf32, #tpu.memory_space<hbm>> -> memref<40000x128xf32, #tpu.memory_space<hbm>>
      tpu.wait_indirect_dma semaphore(%arg15 : memref<!tpu.dma_semaphore, #tpu.memory_space<semaphore_mem>>) src(%dma_wait3A_119 : memref<40000x128xf32, #tpu.memory_space<hbm>>) dst(%arg11 : memref<128x128xf32, #tpu.memory_space<vmem>>)
      %add3A_120 = arith.constant 2 : i32
      %add3A_121 = arith.addi %mul3A_98, %add3A_120 : i32
      %lt3A = arith.constant 40 : i32
      %lt3A_122 = arith.cmpi slt, %add3A_121, %lt3A : i32
      %convert_element_type3A = arith.extui %lt3A_122 : i1 to i32
      %cond3A = arith.constant 0 : i32
      %cond3A_123 = arith.cmpi ne, %convert_element_type3A, %cond3A : i32
      scf.if %cond3A_123 {
        %add3A_126 = arith.constant 2 : i32
        %add3A_127 = arith.addi %mul3A_98, %add3A_126 : i32
        %dma_start3A_128 = arith.constant 0 : i32
        %dma_start3A_129 = tpu.memref_slice %arg8[%add3A_127, %dma_start3A_128] : memref<40x128xi32, #tpu.memory_space<vmem>> -> memref<1x128xi32, #tpu.memory_space<vmem>>
        %dma_start3A_130 = tpu.memref_squeeze %dma_start3A_129 : memref<1x128xi32, #tpu.memory_space<vmem>> -> memref<128xi32, #tpu.memory_space<vmem>>
        %dma_start3A_131 = arith.constant 0 : i32
        %dma_start3A_132 = arith.constant 0 : i32
        %dma_start3A_133 = tpu.memref_slice %arg2[%dma_start3A_131, %dma_start3A_132] : memref<40000x128xf32, #tpu.memory_space<hbm>> -> memref<40000x128xf32, #tpu.memory_space<hbm>>
        tpu.enqueue_indirect_dma source(%dma_start3A_133 : memref<40000x128xf32, #tpu.memory_space<hbm>>) target(%arg10 : memref<128x128xf32, #tpu.memory_space<vmem>>) offsets(%dma_start3A_130 : memref<128xi32, #tpu.memory_space<vmem>>) semaphore(%arg14 : memref<!tpu.dma_semaphore, #tpu.memory_space<semaphore_mem>>)
      } else {
      }
      %add3A_124 = arith.constant 1 : i32
      %add3A_125 = arith.addi %mul3A_98, %add3A_124 : i32
      "tpu.region"() ({
        %run_scoped3A = tpu.sem_alloc : memref<!tpu.dma_semaphore, #tpu.memory_space<semaphore_mem>>
        %dma_start3A_126 = arith.constant 0 : i32
        %dma_start3A_127 = tpu.memref_slice %arg9[%add3A_125, %dma_start3A_126] : memref<40x128xi32, #tpu.memory_space<vmem>> -> memref<1x128xi32, #tpu.memory_space<vmem>>
        %dma_start3A_128 = tpu.memref_squeeze %dma_start3A_127 : memref<1x128xi32, #tpu.memory_space<vmem>> -> memref<128xi32, #tpu.memory_space<vmem>>
        %dma_start3A_129 = arith.constant 0 : i32
        %dma_start3A_130 = arith.constant 0 : i32
        %dma_start3A_131 = tpu.memref_slice %arg13[%dma_start3A_129, %dma_start3A_130] : memref<10240x128xf32, #tpu.memory_space<vmem_shared>> -> memref<10240x128xf32, #tpu.memory_space<vmem_shared>>
        tpu.enqueue_indirect_dma source(%arg11 : memref<128x128xf32, #tpu.memory_space<vmem>>) target(%dma_start3A_131 : memref<10240x128xf32, #tpu.memory_space<vmem_shared>>) offsets(%dma_start3A_128 : memref<128xi32, #tpu.memory_space<vmem>>) semaphore(%run_scoped3A : memref<!tpu.dma_semaphore, #tpu.memory_space<semaphore_mem>>) {add = true}
        %dma_wait3A_132 = arith.constant 0 : i32
        %dma_wait3A_133 = tpu.memref_slice %arg9[%add3A_125, %dma_wait3A_132] : memref<40x128xi32, #tpu.memory_space<vmem>> -> memref<1x128xi32, #tpu.memory_space<vmem>>
        %dma_wait3A_134 = tpu.memref_squeeze %dma_wait3A_133 : memref<1x128xi32, #tpu.memory_space<vmem>> -> memref<128xi32, #tpu.memory_space<vmem>>
        %dma_wait3A_135 = arith.constant 0 : i32
        %dma_wait3A_136 = arith.constant 0 : i32
        %dma_wait3A_137 = tpu.memref_slice %arg13[%dma_wait3A_135, %dma_wait3A_136] : memref<10240x128xf32, #tpu.memory_space<vmem_shared>> -> memref<10240x128xf32, #tpu.memory_space<vmem_shared>>
        tpu.wait_indirect_dma semaphore(%run_scoped3A : memref<!tpu.dma_semaphore, #tpu.memory_space<semaphore_mem>>) src(%arg11 : memref<128x128xf32, #tpu.memory_space<vmem>>) dst(%dma_wait3A_137 : memref<10240x128xf32, #tpu.memory_space<vmem_shared>>)
        tpu.yield
      }) : () -> ()
    }
    %scan3A_90 = arith.constant 20 : i32
    %barrier3A_91 = arith.constant 0 : index
    tpu.barrier barrier_id(%barrier3A_91)
    %mul3A_92 = arith.constant 640 : i32
    %mul3A_93 = arith.muli %arg1, %mul3A_92 : i32
    %mul3A_94 = arith.constant 640 : i32
    %mul3A_95 = arith.muli %arg1, %mul3A_94 : i32
    "tpu.region"() ({
      %run_scoped3A = tpu.sem_alloc : memref<!tpu.dma_semaphore, #tpu.memory_space<semaphore_mem>>
      %dma_start3A_96 = arith.constant 0 : i32
      %dma_start3A_97 = tpu.memref_slice %arg7[%add3A_49, %mul3A_95, %dma_start3A_96] : memref<4x10240x128xf32, #tpu.memory_space<hbm>> -> memref<1x640x128xf32, #tpu.memory_space<hbm>>
      %dma_start3A_98 = tpu.memref_squeeze %dma_start3A_97 : memref<1x640x128xf32, #tpu.memory_space<hbm>> -> memref<640x128xf32, #tpu.memory_space<hbm>>
      %dma_start3A_99 = arith.constant 0 : i32
      %dma_start3A_100 = tpu.memref_slice %arg13[%mul3A_93, %dma_start3A_99] : memref<10240x128xf32, #tpu.memory_space<vmem_shared>> -> memref<640x128xf32, #tpu.memory_space<vmem_shared>>
      tpu.enqueue_dma source(%dma_start3A_100 : memref<640x128xf32, #tpu.memory_space<vmem_shared>>) target(%dma_start3A_98 : memref<640x128xf32, #tpu.memory_space<hbm>>) target_semaphore(%run_scoped3A : memref<!tpu.dma_semaphore, #tpu.memory_space<semaphore_mem>>)
      %dma_wait3A = arith.constant 0 : i32
      %dma_wait3A_101 = tpu.memref_slice %arg7[%add3A_49, %mul3A_95, %dma_wait3A] : memref<4x10240x128xf32, #tpu.memory_space<hbm>> -> memref<1x640x128xf32, #tpu.memory_space<hbm>>
      %dma_wait3A_102 = tpu.memref_squeeze %dma_wait3A_101 : memref<1x640x128xf32, #tpu.memory_space<hbm>> -> memref<640x128xf32, #tpu.memory_space<hbm>>
      %dma_wait3A_103 = arith.constant 0 : i32
      %dma_wait3A_104 = tpu.memref_slice %arg13[%mul3A_93, %dma_wait3A_103] : memref<10240x128xf32, #tpu.memory_space<vmem_shared>> -> memref<640x128xf32, #tpu.memory_space<vmem_shared>>
      tpu.wait_dma2 semaphore(%run_scoped3A : memref<!tpu.dma_semaphore, #tpu.memory_space<semaphore_mem>>) src(%dma_wait3A_104 : memref<640x128xf32, #tpu.memory_space<vmem_shared>>) dst(%dma_wait3A_102 : memref<640x128xf32, #tpu.memory_space<hbm>>)
      tpu.yield
    }) : () -> ()
    return
  }
}

module attributes {stable_mosaic.version = 14 : i64} {
  func.func @body(%arg0: i32, %arg1: memref<1000x256xf32, #tpu.memory_space<vmem>>, %arg2: memref<2x1000x128xf32, #tpu.memory_space<vmem>>, %arg3: memref<1000x1xf32, #tpu.memory_space<vmem>>, %arg4: memref<2x128x512xf32, #tpu.memory_space<vmem>>, %arg5: memref<256x512xf32, #tpu.memory_space<vmem>>, %arg6: memref<1x512xf32, #tpu.memory_space<vmem>>, %arg7: memref<1000x512xf32, #tpu.memory_space<vmem>>) attributes {dimension_semantics = [#tpu.dimension_semantics<parallel>], iteration_bounds = array<i64: 10>, scalar_prefetch = 0 : i64, scratch_operands = 0 : i64, tpu.core_type = #tpu.core_type<tc>, window_params = [{transform_indices = @transform_0, window_bounds = array<i64: 1000, 256>}, {transform_indices = @transform_1, window_bounds = array<i64: 2, 1000, 128>}, {transform_indices = @transform_2, window_bounds = array<i64: 1000, 1>}, {pipeline_mode = #tpu.pipeline_mode<synchronous>, transform_indices = @transform_3, window_bounds = array<i64: 2, 128, 512>}, {pipeline_mode = #tpu.pipeline_mode<synchronous>, transform_indices = @transform_4, window_bounds = array<i64: 256, 512>}, {pipeline_mode = #tpu.pipeline_mode<synchronous>, transform_indices = @transform_5, window_bounds = array<i64: 1, 512>}, {transform_indices = @transform_6, window_bounds = array<i64: 1000, 512>}]} {
    %get3A = arith.constant 0 : index
    %get3A_0 = arith.constant 0 : index
    %get3A_1 = vector.load %arg3[%get3A, %get3A_0] : memref<1000x1xf32, #tpu.memory_space<vmem>>, vector<1000x1xf32>
    %max3A = arith.constant 1.000000e+00 : f32
    %max3A_2 = vector.broadcast %max3A : f32 to vector<1000x1xf32>
    %max3A_3 = arith.maximumf %get3A_1, %max3A_2 : vector<1000x1xf32>
    %div3A = arith.constant 1.000000e+00 : f32
    %div3A_4 = vector.broadcast %div3A : f32 to vector<1000x1xf32>
    %div3A_5 = arith.divf %div3A_4, %max3A_3 : vector<1000x1xf32>
    %get3A_6 = arith.constant 0 : index
    %get3A_7 = arith.constant 0 : index
    %get3A_8 = arith.constant 0 : index
    %get3A_9 = vector.load %arg2[%get3A_6, %get3A_7, %get3A_8] : memref<2x1000x128xf32, #tpu.memory_space<vmem>>, vector<1x1000x128xf32>
    %get3A_10 = vector.shape_cast %get3A_9 : vector<1x1000x128xf32> to vector<1000x128xf32>
    %get3A_11 = arith.constant 0 : index
    %get3A_12 = arith.constant 0 : index
    %get3A_13 = arith.constant 0 : index
    %get3A_14 = vector.load %arg4[%get3A_11, %get3A_12, %get3A_13] : memref<2x128x512xf32, #tpu.memory_space<vmem>>, vector<1x128x512xf32>
    %get3A_15 = vector.shape_cast %get3A_14 : vector<1x128x512xf32> to vector<128x512xf32>
    %dot_general3A = arith.constant dense<0.000000e+00> : vector<1000x512xf32>
    %dot_general3A_16 = tpu.matmul %get3A_10, %get3A_15, %dot_general3A {dimension_numbers = #tpu.dot_dimension_numbers<[1], [0], [0], [1], [0, 0, 1, 1], [], []>, transpose_lhs_hint = false} : vector<1000x128xf32>, vector<128x512xf32>, vector<1000x512xf32> -> vector<1000x512xf32>
    %get3A_17 = arith.constant 1 : index
    %get3A_18 = arith.constant 0 : index
    %get3A_19 = arith.constant 0 : index
    %get3A_20 = vector.load %arg2[%get3A_17, %get3A_18, %get3A_19] : memref<2x1000x128xf32, #tpu.memory_space<vmem>>, vector<1x1000x128xf32>
    %get3A_21 = vector.shape_cast %get3A_20 : vector<1x1000x128xf32> to vector<1000x128xf32>
    %get3A_22 = arith.constant 1 : index
    %get3A_23 = arith.constant 0 : index
    %get3A_24 = arith.constant 0 : index
    %get3A_25 = vector.load %arg4[%get3A_22, %get3A_23, %get3A_24] : memref<2x128x512xf32, #tpu.memory_space<vmem>>, vector<1x128x512xf32>
    %get3A_26 = vector.shape_cast %get3A_25 : vector<1x128x512xf32> to vector<128x512xf32>
    %dot_general3A_27 = arith.constant dense<0.000000e+00> : vector<1000x512xf32>
    %dot_general3A_28 = tpu.matmul %get3A_21, %get3A_26, %dot_general3A_27 {dimension_numbers = #tpu.dot_dimension_numbers<[1], [0], [0], [1], [0, 0, 1, 1], [], []>, transpose_lhs_hint = false} : vector<1000x128xf32>, vector<128x512xf32>, vector<1000x512xf32> -> vector<1000x512xf32>
    %add3A = arith.addf %dot_general3A_16, %dot_general3A_28 : vector<1000x512xf32>
    %mul3A = vector.broadcast %div3A_5 : vector<1000x1xf32> to vector<1000x512xf32>
    %mul3A_29 = arith.mulf %add3A, %mul3A : vector<1000x512xf32>
    %get3A_30 = arith.constant 0 : index
    %get3A_31 = arith.constant 0 : index
    %get3A_32 = vector.load %arg1[%get3A_30, %get3A_31] : memref<1000x256xf32, #tpu.memory_space<vmem>>, vector<1000x256xf32>
    %get3A_33 = arith.constant 0 : index
    %get3A_34 = arith.constant 0 : index
    %get3A_35 = vector.load %arg5[%get3A_33, %get3A_34] : memref<256x512xf32, #tpu.memory_space<vmem>>, vector<256x512xf32>
    %dot_general3A_36 = arith.constant dense<0.000000e+00> : vector<1000x512xf32>
    %dot_general3A_37 = tpu.matmul %get3A_32, %get3A_35, %dot_general3A_36 {dimension_numbers = #tpu.dot_dimension_numbers<[1], [0], [0], [1], [0, 0, 1, 1], [], []>, transpose_lhs_hint = false} : vector<1000x256xf32>, vector<256x512xf32>, vector<1000x512xf32> -> vector<1000x512xf32>
    %add3A_38 = arith.addf %mul3A_29, %dot_general3A_37 : vector<1000x512xf32>
    %get3A_39 = arith.constant 0 : index
    %get3A_40 = arith.constant 0 : index
    %get3A_41 = vector.load %arg6[%get3A_39, %get3A_40] : memref<1x512xf32, #tpu.memory_space<vmem>>, vector<1x512xf32>
    %add3A_42 = vector.broadcast %get3A_41 : vector<1x512xf32> to vector<1000x512xf32>
    %add3A_43 = arith.addf %add3A_38, %add3A_42 : vector<1000x512xf32>
    %max3A_44 = arith.constant 0.000000e+00 : f32
    %max3A_45 = vector.broadcast %max3A_44 : f32 to vector<1000x512xf32>
    %max3A_46 = arith.maximumf %add3A_43, %max3A_45 : vector<1000x512xf32>
    %swap3A = arith.constant 0 : index
    %swap3A_47 = arith.constant 0 : index
    %swap3A_48 = vector.load %arg7[%swap3A, %swap3A_47] : memref<1000x512xf32, #tpu.memory_space<vmem>>, vector<1000x512xf32>
    tpu.vector_store %arg7[%swap3A, %swap3A_47], %max3A_46 {strides = array<i32>} : memref<1000x512xf32, #tpu.memory_space<vmem>>, vector<1000x512xf32>,
    return
  }
  func.func @transform_0(%arg0: i32) -> (i32, i32) {
    %c0_i32 = arith.constant 0 : i32
    %c0_i32_0 = arith.constant 0 : i32
    return %arg0, %c0_i32 : i32, i32
  }
  func.func @transform_1(%arg0: i32) -> (i32, i32, i32) {
    %c0_i32 = arith.constant 0 : i32
    %c0_i32_0 = arith.constant 0 : i32
    %c0_i32_1 = arith.constant 0 : i32
    return %c0_i32, %arg0, %c0_i32_0 : i32, i32, i32
  }
  func.func @transform_2(%arg0: i32) -> (i32, i32) {
    %c0_i32 = arith.constant 0 : i32
    %c0_i32_0 = arith.constant 0 : i32
    return %arg0, %c0_i32 : i32, i32
  }
  func.func @transform_3(%arg0: i32) -> (i32, i32, i32) {
    %c0_i32 = arith.constant 0 : i32
    %c0_i32_0 = arith.constant 0 : i32
    %c0_i32_1 = arith.constant 0 : i32
    %c0_i32_2 = arith.constant 0 : i32
    return %c0_i32, %c0_i32_0, %c0_i32_1 : i32, i32, i32
  }
  func.func @transform_4(%arg0: i32) -> (i32, i32) {
    %c0_i32 = arith.constant 0 : i32
    %c0_i32_0 = arith.constant 0 : i32
    %c0_i32_1 = arith.constant 0 : i32
    return %c0_i32, %c0_i32_0 : i32, i32
  }
  func.func @transform_5(%arg0: i32) -> (i32, i32) {
    %c0_i32 = arith.constant 0 : i32
    %c0_i32_0 = arith.constant 0 : i32
    %c0_i32_1 = arith.constant 0 : i32
    return %c0_i32, %c0_i32_0 : i32, i32
  }
  func.func @transform_6(%arg0: i32) -> (i32, i32) {
    %c0_i32 = arith.constant 0 : i32
    %c0_i32_0 = arith.constant 0 : i32
    return %arg0, %c0_i32 : i32, i32
  }
}

module attributes {stable_mosaic.version = 14 : i64} {
  func.func @body(%arg0: i32, %arg1: memref<1000x512xf32, #tpu.memory_space<vmem>>, %arg2: memref<4x1000x128xf32, #tpu.memory_space<vmem>>, %arg3: memref<1000x1xf32, #tpu.memory_space<vmem>>, %arg4: memref<4x128x512xf32, #tpu.memory_space<vmem>>, %arg5: memref<512x512xf32, #tpu.memory_space<vmem>>, %arg6: memref<1x512xf32, #tpu.memory_space<vmem>>, %arg7: memref<512x1xf32, #tpu.memory_space<vmem>>, %arg8: memref<1000x1xf32, #tpu.memory_space<vmem>>) attributes {dimension_semantics = [#tpu.dimension_semantics<parallel>], iteration_bounds = array<i64: 10>, scalar_prefetch = 0 : i64, scratch_operands = 0 : i64, tpu.core_type = #tpu.core_type<tc>, window_params = [{transform_indices = @transform_0, window_bounds = array<i64: 1000, 512>}, {transform_indices = @transform_1, window_bounds = array<i64: 4, 1000, 128>}, {transform_indices = @transform_2, window_bounds = array<i64: 1000, 1>}, {pipeline_mode = #tpu.pipeline_mode<synchronous>, transform_indices = @transform_3, window_bounds = array<i64: 4, 128, 512>}, {pipeline_mode = #tpu.pipeline_mode<synchronous>, transform_indices = @transform_4, window_bounds = array<i64: 512, 512>}, {pipeline_mode = #tpu.pipeline_mode<synchronous>, transform_indices = @transform_5, window_bounds = array<i64: 1, 512>}, {pipeline_mode = #tpu.pipeline_mode<synchronous>, transform_indices = @transform_6, window_bounds = array<i64: 512, 1>}, {transform_indices = @transform_7, window_bounds = array<i64: 1000, 1>}]} {
    %get3A = arith.constant 0 : index
    %get3A_0 = arith.constant 0 : index
    %get3A_1 = vector.load %arg3[%get3A, %get3A_0] : memref<1000x1xf32, #tpu.memory_space<vmem>>, vector<1000x1xf32>
    %max3A = arith.constant 1.000000e+00 : f32
    %max3A_2 = vector.broadcast %max3A : f32 to vector<1000x1xf32>
    %max3A_3 = arith.maximumf %get3A_1, %max3A_2 : vector<1000x1xf32>
    %div3A = arith.constant 1.000000e+00 : f32
    %div3A_4 = vector.broadcast %div3A : f32 to vector<1000x1xf32>
    %div3A_5 = arith.divf %div3A_4, %max3A_3 : vector<1000x1xf32>
    %get3A_6 = arith.constant 0 : index
    %get3A_7 = arith.constant 0 : index
    %get3A_8 = arith.constant 0 : index
    %get3A_9 = vector.load %arg2[%get3A_6, %get3A_7, %get3A_8] : memref<4x1000x128xf32, #tpu.memory_space<vmem>>, vector<1x1000x128xf32>
    %get3A_10 = vector.shape_cast %get3A_9 : vector<1x1000x128xf32> to vector<1000x128xf32>
    %get3A_11 = arith.constant 0 : index
    %get3A_12 = arith.constant 0 : index
    %get3A_13 = arith.constant 0 : index
    %get3A_14 = vector.load %arg4[%get3A_11, %get3A_12, %get3A_13] : memref<4x128x512xf32, #tpu.memory_space<vmem>>, vector<1x128x512xf32>
    %get3A_15 = vector.shape_cast %get3A_14 : vector<1x128x512xf32> to vector<128x512xf32>
    %dot_general3A = arith.constant dense<0.000000e+00> : vector<1000x512xf32>
    %dot_general3A_16 = tpu.matmul %get3A_10, %get3A_15, %dot_general3A {dimension_numbers = #tpu.dot_dimension_numbers<[1], [0], [0], [1], [0, 0, 1, 1], [], []>, transpose_lhs_hint = false} : vector<1000x128xf32>, vector<128x512xf32>, vector<1000x512xf32> -> vector<1000x512xf32>
    %get3A_17 = arith.constant 1 : index
    %get3A_18 = arith.constant 0 : index
    %get3A_19 = arith.constant 0 : index
    %get3A_20 = vector.load %arg2[%get3A_17, %get3A_18, %get3A_19] : memref<4x1000x128xf32, #tpu.memory_space<vmem>>, vector<1x1000x128xf32>
    %get3A_21 = vector.shape_cast %get3A_20 : vector<1x1000x128xf32> to vector<1000x128xf32>
    %get3A_22 = arith.constant 1 : index
    %get3A_23 = arith.constant 0 : index
    %get3A_24 = arith.constant 0 : index
    %get3A_25 = vector.load %arg4[%get3A_22, %get3A_23, %get3A_24] : memref<4x128x512xf32, #tpu.memory_space<vmem>>, vector<1x128x512xf32>
    %get3A_26 = vector.shape_cast %get3A_25 : vector<1x128x512xf32> to vector<128x512xf32>
    %dot_general3A_27 = arith.constant dense<0.000000e+00> : vector<1000x512xf32>
    %dot_general3A_28 = tpu.matmul %get3A_21, %get3A_26, %dot_general3A_27 {dimension_numbers = #tpu.dot_dimension_numbers<[1], [0], [0], [1], [0, 0, 1, 1], [], []>, transpose_lhs_hint = false} : vector<1000x128xf32>, vector<128x512xf32>, vector<1000x512xf32> -> vector<1000x512xf32>
    %add3A = arith.addf %dot_general3A_16, %dot_general3A_28 : vector<1000x512xf32>
    %get3A_29 = arith.constant 2 : index
    %get3A_30 = arith.constant 0 : index
    %get3A_31 = arith.constant 0 : index
    %get3A_32 = vector.load %arg2[%get3A_29, %get3A_30, %get3A_31] : memref<4x1000x128xf32, #tpu.memory_space<vmem>>, vector<1x1000x128xf32>
    %get3A_33 = vector.shape_cast %get3A_32 : vector<1x1000x128xf32> to vector<1000x128xf32>
    %get3A_34 = arith.constant 2 : index
    %get3A_35 = arith.constant 0 : index
    %get3A_36 = arith.constant 0 : index
    %get3A_37 = vector.load %arg4[%get3A_34, %get3A_35, %get3A_36] : memref<4x128x512xf32, #tpu.memory_space<vmem>>, vector<1x128x512xf32>
    %get3A_38 = vector.shape_cast %get3A_37 : vector<1x128x512xf32> to vector<128x512xf32>
    %dot_general3A_39 = arith.constant dense<0.000000e+00> : vector<1000x512xf32>
    %dot_general3A_40 = tpu.matmul %get3A_33, %get3A_38, %dot_general3A_39 {dimension_numbers = #tpu.dot_dimension_numbers<[1], [0], [0], [1], [0, 0, 1, 1], [], []>, transpose_lhs_hint = false} : vector<1000x128xf32>, vector<128x512xf32>, vector<1000x512xf32> -> vector<1000x512xf32>
    %add3A_41 = arith.addf %add3A, %dot_general3A_40 : vector<1000x512xf32>
    %get3A_42 = arith.constant 3 : index
    %get3A_43 = arith.constant 0 : index
    %get3A_44 = arith.constant 0 : index
    %get3A_45 = vector.load %arg2[%get3A_42, %get3A_43, %get3A_44] : memref<4x1000x128xf32, #tpu.memory_space<vmem>>, vector<1x1000x128xf32>
    %get3A_46 = vector.shape_cast %get3A_45 : vector<1x1000x128xf32> to vector<1000x128xf32>
    %get3A_47 = arith.constant 3 : index
    %get3A_48 = arith.constant 0 : index
    %get3A_49 = arith.constant 0 : index
    %get3A_50 = vector.load %arg4[%get3A_47, %get3A_48, %get3A_49] : memref<4x128x512xf32, #tpu.memory_space<vmem>>, vector<1x128x512xf32>
    %get3A_51 = vector.shape_cast %get3A_50 : vector<1x128x512xf32> to vector<128x512xf32>
    %dot_general3A_52 = arith.constant dense<0.000000e+00> : vector<1000x512xf32>
    %dot_general3A_53 = tpu.matmul %get3A_46, %get3A_51, %dot_general3A_52 {dimension_numbers = #tpu.dot_dimension_numbers<[1], [0], [0], [1], [0, 0, 1, 1], [], []>, transpose_lhs_hint = false} : vector<1000x128xf32>, vector<128x512xf32>, vector<1000x512xf32> -> vector<1000x512xf32>
    %add3A_54 = arith.addf %add3A_41, %dot_general3A_53 : vector<1000x512xf32>
    %mul3A = vector.broadcast %div3A_5 : vector<1000x1xf32> to vector<1000x512xf32>
    %mul3A_55 = arith.mulf %add3A_54, %mul3A : vector<1000x512xf32>
    %get3A_56 = arith.constant 0 : index
    %get3A_57 = arith.constant 0 : index
    %get3A_58 = vector.load %arg1[%get3A_56, %get3A_57] : memref<1000x512xf32, #tpu.memory_space<vmem>>, vector<1000x512xf32>
    %get3A_59 = arith.constant 0 : index
    %get3A_60 = arith.constant 0 : index
    %get3A_61 = vector.load %arg5[%get3A_59, %get3A_60] : memref<512x512xf32, #tpu.memory_space<vmem>>, vector<512x512xf32>
    %dot_general3A_62 = arith.constant dense<0.000000e+00> : vector<1000x512xf32>
    %dot_general3A_63 = tpu.matmul %get3A_58, %get3A_61, %dot_general3A_62 {dimension_numbers = #tpu.dot_dimension_numbers<[1], [0], [0], [1], [0, 0, 1, 1], [], []>, transpose_lhs_hint = false} : vector<1000x512xf32>, vector<512x512xf32>, vector<1000x512xf32> -> vector<1000x512xf32>
    %add3A_64 = arith.addf %mul3A_55, %dot_general3A_63 : vector<1000x512xf32>
    %get3A_65 = arith.constant 0 : index
    %get3A_66 = arith.constant 0 : index
    %get3A_67 = vector.load %arg6[%get3A_65, %get3A_66] : memref<1x512xf32, #tpu.memory_space<vmem>>, vector<1x512xf32>
    %add3A_68 = vector.broadcast %get3A_67 : vector<1x512xf32> to vector<1000x512xf32>
    %add3A_69 = arith.addf %add3A_64, %add3A_68 : vector<1000x512xf32>
    %get3A_70 = arith.constant 0 : index
    %get3A_71 = arith.constant 0 : index
    %get3A_72 = vector.load %arg7[%get3A_70, %get3A_71] : memref<512x1xf32, #tpu.memory_space<vmem>>, vector<512x1xf32>
    %dot_general3A_73 = arith.constant dense<0.000000e+00> : vector<1000x1xf32>
    %dot_general3A_74 = tpu.matmul %add3A_69, %get3A_72, %dot_general3A_73 {dimension_numbers = #tpu.dot_dimension_numbers<[1], [0], [0], [1], [0, 0, 1, 1], [], []>, transpose_lhs_hint = false} : vector<1000x512xf32>, vector<512x1xf32>, vector<1000x1xf32> -> vector<1000x1xf32>
    %swap3A = arith.constant 0 : index
    %swap3A_75 = arith.constant 0 : index
    %swap3A_76 = vector.load %arg8[%swap3A, %swap3A_75] : memref<1000x1xf32, #tpu.memory_space<vmem>>, vector<1000x1xf32>
    tpu.vector_store %arg8[%swap3A, %swap3A_75], %dot_general3A_74 {strides = array<i32>} : memref<1000x1xf32, #tpu.memory_space<vmem>>, vector<1000x1xf32>,
    return
  }
  func.func @transform_0(%arg0: i32) -> (i32, i32) {
    %c0_i32 = arith.constant 0 : i32
    %c0_i32_0 = arith.constant 0 : i32
    return %arg0, %c0_i32 : i32, i32
  }
  func.func @transform_1(%arg0: i32) -> (i32, i32, i32) {
    %c0_i32 = arith.constant 0 : i32
    %c0_i32_0 = arith.constant 0 : i32
    %c0_i32_1 = arith.constant 0 : i32
    return %c0_i32, %arg0, %c0_i32_0 : i32, i32, i32
  }
  func.func @transform_2(%arg0: i32) -> (i32, i32) {
    %c0_i32 = arith.constant 0 : i32
    %c0_i32_0 = arith.constant 0 : i32
    return %arg0, %c0_i32 : i32, i32
  }
  func.func @transform_3(%arg0: i32) -> (i32, i32, i32) {
    %c0_i32 = arith.constant 0 : i32
    %c0_i32_0 = arith.constant 0 : i32
    %c0_i32_1 = arith.constant 0 : i32
    %c0_i32_2 = arith.constant 0 : i32
    return %c0_i32, %c0_i32_0, %c0_i32_1 : i32, i32, i32
  }
  func.func @transform_4(%arg0: i32) -> (i32, i32) {
    %c0_i32 = arith.constant 0 : i32
    %c0_i32_0 = arith.constant 0 : i32
    %c0_i32_1 = arith.constant 0 : i32
    return %c0_i32, %c0_i32_0 : i32, i32
  }
  func.func @transform_5(%arg0: i32) -> (i32, i32) {
    %c0_i32 = arith.constant 0 : i32
    %c0_i32_0 = arith.constant 0 : i32
    %c0_i32_1 = arith.constant 0 : i32
    return %c0_i32, %c0_i32_0 : i32, i32
  }
  func.func @transform_6(%arg0: i32) -> (i32, i32) {
    %c0_i32 = arith.constant 0 : i32
    %c0_i32_0 = arith.constant 0 : i32
    %c0_i32_1 = arith.constant 0 : i32
    return %c0_i32, %c0_i32_0 : i32, i32
  }
  func.func @transform_7(%arg0: i32) -> (i32, i32) {
    %c0_i32 = arith.constant 0 : i32
    %c0_i32_0 = arith.constant 0 : i32
    return %arg0, %c0_i32 : i32, i32
  }
}

module attributes {stable_mosaic.version = 14 : i64} {
  func.func @body(%arg0: i32, %arg1: memref<10000x1xf32, #tpu.memory_space<vmem>>, %arg2: memref<10000x1xi32, #tpu.memory_space<vmem>>, %arg3: memref<1x1xf32, #tpu.memory_space<vmem>>, %arg4: memref<8x1xf32, #tpu.memory_space<vmem>>) attributes {dimension_semantics = [#tpu.dimension_semantics<arbitrary>], iteration_bounds = array<i64: 1>, scalar_prefetch = 0 : i64, scratch_operands = 0 : i64, tpu.core_type = #tpu.core_type<tc>, window_params = [{pipeline_mode = #tpu.pipeline_mode<synchronous>, transform_indices = @transform_0, window_bounds = array<i64: 10000, 1>}, {pipeline_mode = #tpu.pipeline_mode<synchronous>, transform_indices = @transform_1, window_bounds = array<i64: 10000, 1>}, {pipeline_mode = #tpu.pipeline_mode<synchronous>, transform_indices = @transform_2, window_bounds = array<i64: 1, 1>}, {pipeline_mode = #tpu.pipeline_mode<synchronous>, transform_indices = @transform_3, window_bounds = array<i64: 8, 1>}]} {
    %get3A = arith.constant 0 : index
    %get3A_0 = arith.constant 0 : index
    %get3A_1 = vector.load %arg1[%get3A, %get3A_0] : memref<10000x1xf32, #tpu.memory_space<vmem>>, vector<10000x1xf32>
    %get3A_2 = arith.constant 0 : index
    %get3A_3 = arith.constant 0 : index
    %get3A_4 = vector.load %arg2[%get3A_2, %get3A_3] : memref<10000x1xi32, #tpu.memory_space<vmem>>, vector<10000x1xi32>
    %iota3A = tpu.iota {dimensions = array<i32: 1>} : vector<1x8xi32>
    %eq3A = vector.broadcast %get3A_4 : vector<10000x1xi32> to vector<10000x8xi32>
    %eq3A_5 = vector.broadcast %iota3A : vector<1x8xi32> to vector<10000x8xi32>
    %eq3A_6 = arith.cmpi eq, %eq3A, %eq3A_5 : vector<10000x8xi32>
    %convert_element_type3A = arith.extui %eq3A_6 : vector<10000x8xi1> to vector<10000x8xi32>
    %convert_element_type3A_7 = arith.sitofp %convert_element_type3A : vector<10000x8xi32> to vector<10000x8xf32>
    %dot_general3A = arith.constant dense<0.000000e+00> : vector<8x1xf32>
    %dot_general3A_8 = tpu.matmul %convert_element_type3A_7, %get3A_1, %dot_general3A {dimension_numbers = #tpu.dot_dimension_numbers<[0], [0], [1], [1], [0, 1, 1, 1], [], []>, transpose_lhs_hint = false} : vector<10000x8xf32>, vector<10000x1xf32>, vector<8x1xf32> -> vector<8x1xf32>
    %reduce_sum3A = arith.constant dense<0.000000e+00> : vector<8xf32>
    %reduce_sum3A_9 = vector.multi_reduction <add>, %convert_element_type3A_7, %reduce_sum3A [0] : vector<10000x8xf32> to vector<8xf32>
    %broadcast_in_dim3A = vector.shape_cast %reduce_sum3A_9 : vector<8xf32> to vector<1x8xf32>
    %transpose3A = tpu.transpose %broadcast_in_dim3A, [1, 0] : vector<1x8xf32> -> vector<8x1xf32>
    %max3A = arith.constant 1.000000e+00 : f32
    %max3A_10 = vector.broadcast %max3A : f32 to vector<8x1xf32>
    %max3A_11 = arith.maximumf %transpose3A, %max3A_10 : vector<8x1xf32>
    %div3A = arith.divf %dot_general3A_8, %max3A_11 : vector<8x1xf32>
    %get3A_12 = arith.constant 0 : index
    %get3A_13 = arith.constant 0 : index
    %get3A_14 = vector.load %arg3[%get3A_12, %get3A_13] : memref<1x1xf32, #tpu.memory_space<vmem>>, vector<1x1xf32>
    %add3A = vector.broadcast %get3A_14 : vector<1x1xf32> to vector<8x1xf32>
    %add3A_15 = arith.addf %div3A, %add3A : vector<8x1xf32>
    %swap3A = arith.constant 0 : index
    %swap3A_16 = arith.constant 0 : index
    %swap3A_17 = vector.load %arg4[%swap3A, %swap3A_16] : memref<8x1xf32, #tpu.memory_space<vmem>>, vector<8x1xf32>
    tpu.vector_store %arg4[%swap3A, %swap3A_16], %add3A_15 {strides = array<i32>} : memref<8x1xf32, #tpu.memory_space<vmem>>, vector<8x1xf32>,
    return
  }
  func.func @transform_0(%arg0: i32) -> (i32, i32) {
    %c0_i32 = arith.constant 0 : i32
    %c0_i32_0 = arith.constant 0 : i32
    %c0_i32_1 = arith.constant 0 : i32
    return %c0_i32, %c0_i32_0 : i32, i32
  }
  func.func @transform_1(%arg0: i32) -> (i32, i32) {
    %c0_i32 = arith.constant 0 : i32
    %c0_i32_0 = arith.constant 0 : i32
    %c0_i32_1 = arith.constant 0 : i32
    return %c0_i32, %c0_i32_0 : i32, i32
  }
  func.func @transform_2(%arg0: i32) -> (i32, i32) {
    %c0_i32 = arith.constant 0 : i32
    %c0_i32_0 = arith.constant 0 : i32
    %c0_i32_1 = arith.constant 0 : i32
    return %c0_i32, %c0_i32_0 : i32, i32
  }
  func.func @transform_3(%arg0: i32) -> (i32, i32) {
    %c0_i32 = arith.constant 0 : i32
    %c0_i32_0 = arith.constant 0 : i32
    %c0_i32_1 = arith.constant 0 : i32
    return %c0_i32, %c0_i32_0 : i32, i32
  }
}

</mosaic_0001>

<sc_bundles>
// kernel: kernel.10.cloned.1.call-start
scs
__scs_entry_jumppad:
0x0: {  	(pc) =	sbr.rel $0x88, $3  }
0x1: {  	(tag) =	ssettag $0x0;
	lr =	simm.s32 $0x1  }
0x2: {  	[smem:$0x3F92] =	sst lr;
	_ =	strace $0xD0000000  }
0x3: {  	_ = 	snop  }
0x4: {  	_ = 	snop  }
0x5: {  	_ = 	snop  }
0x6: {  	_ = 	snop  }
0x7: {  	_ = 	snop  }
__scs_overlays_trampoline_lowered:
0x8: {  	[smem:$0x3FA1] =	sst s0  }
0x9: {  	[smem:$0x3FA2] =	sst s1  }
0xa: {  	[smem:$0x3FA3] =	sst s2  }
0xb: {  	[smem:$0x3FA4] =	sst s3  }
0xc: {  	[smem:$0x3FA5] =	sst s4  }
0xd: {  	[smem:$0x3FA6] =	sst s5  }
0xe: {  	[smem:$0x3FA7] =	sst s6  }
0xf: {  	[smem:$0x3FA8] =	sst s7  }
0x10: {  	[smem:$0x3FA9] =	sst s8  }
0x11: {  	[smem:$0x3FAA] =	sst s9;
	s0 =	simm.s32 @!p0 $0x0  }
0x12: {  	s1 =	sld [smem:$0x3F90];
	s0 =	simm.s32 @p0 $0x1  }
0x13: {  	[smem:$0x3FAB] =	sst s0;
	s0 =	simm.s32 @!p1 $0x0  }
0x14: {  	s2 =	sld [smem:$0x3F8F];
	s0 =	simm.s32 @p1 $0x1  }
0x15: {  	[smem:$0x3FAC] =	sst s0;
	s0 =	simm.s32 @!p2 $0x0  }
0x16: {  	s3 =	sld [smem:$0x3FDB];
	s0 =	simm.s32 @p2 $0x1  }
0x17: {  	s4 =	simm.s32 $0x1BF5;
	[smem:$0x3FAE] =	sst s0  }
0x18: {  	s0 =	sld [smem:$0x3F91];
	_ =	swait.ge [sflag:s4], $0x0  }
0x19: {  	s7 =	sld [smem:$0x3F92]  }
0x1a: {  	s8 =	sadd.s32 $0xFFFFE003, lr  }
0x1b: {  	s9 =	sadd.s32 $0xFFFFFEF7, lr;
	s5 =	simm.s32 $0xFFFFFFFF;
	p2 =	slt.u32 s8, $0xFFFFF086  }
0x1c: {  	p1 =	slt.u32 s9, $0xF7A;
	s5 =	simm.s32 @!p2 $0x0  }
0x1d: {  	s5 =	simm.s32 @p1 $0x1;
	p0 =	seq.s32 s7, s2  }
0x1e: {  	s7 =	smul.u32 @!p0 $0xF7A, s2;
	p2 =	seq.s32 @!p0 s5, $0x0  }
0x1f: {  	s9 =	smul.u32 $0xF7A, s1;
	s8 =	simm.s32 @!p0 $0x1BF5;
	p2 =	por !p2, p0  }
0x20: {  	[sflag:s8] =	ssyncset.s32 @!p0 $0xFFFFF086;
	s6 =	sadd.s32 @!p0 s3, s7;
	s7 =	simm.s32 @!p0 $0x108  }
0x21: {  	s3 =	sadd.s32 s3, s9;
	s6 =	sadd.s32 @!p0 $0x88, s6;
	s7 =	simm.s32 @p2 $0x1082  }
0x22: {  	[simem:s7], [sflag:s8] =	dma.local @!p0 [hbm:s6], $0xF7A  }
0x23: {  	s9 =	sor.u32 $0xD0000000, s2;
	s6 =	simm.s32 $0x108;
	_ =	swait.ge @!p0 [sflag:s8], $0x0  }
0x24: {  	s3 =	sadd.s32 $0x88, s3;
	s6 =	simm.s32 @!p1 $0x1082;
	[sflag:s4] =	ssyncset.s32 $0xFFFFF086  }
0x25: {  	[simem:s6], [sflag:s4] =	dma.local [hbm:s3], $0xF7A  }
0x26: {  	[smem:$0x3F92] =	sst s1;
	(tag) =	ssettag s2;
	_ =	strace s9  }
0x27: {  	s1 =	sld [smem:$0x3FA2]  }
0x28: {  	s2 =	sld [smem:$0x3FA3]  }
0x29: {  	s4 =	sld [smem:$0x3FA5]  }
0x2a: {  	p0 =	seq.s32 s5, $0x0;
	s5 =	sld [smem:$0x3FA6]  }
0x2b: {  	s6 =	sld [smem:$0x3FA7]  }
0x2c: {  	s7 =	sld [smem:$0x3FA8]  }
0x2d: {  	s3 =	simm.s32 $0x108;
	s8 =	sld [smem:$0x3FA9]  }
0x2e: {  	s3 =	simm.s32 @!p0 $0x1082;
	s9 =	sld [smem:$0x3FAA]  }
0x2f: {  	lr =	sadd.s32 s0, s3;
	s0 =	sld [smem:$0x3FA1]  }
0x30: {  	s3 =	sld [smem:$0x3FA4]  }
0x31: {  	[smem:$0x3FAD] =	sst s10  }
0x32: {  	s10 =	sld [smem:$0x3FAB];
	_ =	sdelay $0x3  }
0x33: {  	p0 =	seq.s32 s10, $0x1;
	s10 =	sld [smem:$0x3FAD];
	_ =	sdelay $0x3  }
0x34: {  	[smem:$0x3FAD] =	sst s10  }
0x35: {  	s10 =	sld [smem:$0x3FAC];
	_ =	sdelay $0x3  }
0x36: {  	p1 =	seq.s32 s10, $0x1;
	s10 =	sld [smem:$0x3FAD];
	_ =	sdelay $0x3  }
0x37: {  	[smem:$0x3FAD] =	sst s10  }
0x38: {  	s10 =	sld [smem:$0x3FAE]  }
0x39: {  	_ = 	snop;
	(pc) =	sbr.ind lr, $3  }
0x3a: {  	_ = 	snop  }
0x3b: {  	_ = 	snop  }
0x3c: {  	p2 =	seq.s32 s10, $0x1;
	s10 =	sld [smem:$0x3FAD]  }
0x3d: {  	_ =	shalt  }
0x3e: {  	_ =	shalt  }
0x3f: {  	_ =	shalt  }
0x40: {  	_ =	shalt  }
0x41: {  	_ =	shalt  }
0x42: {  	_ =	shalt  }
0x43: {  	_ =	shalt  }
0x44: {  	_ =	shalt  }
0x45: {  	_ =	shalt  }
0x46: {  	_ =	shalt  }
0x47: {  	_ =	shalt  }
0x48: {  	_ =	shalt  }
0x49: {  	_ =	shalt  }
0x4a: {  	_ =	shalt  }
0x4b: {  	_ =	shalt  }
0x4c: {  	_ =	shalt  }
0x4d: {  	_ =	shalt  }
0x4e: {  	_ =	shalt  }
0x4f: {  	_ =	shalt  }
0x50: {  	_ =	shalt  }
0x51: {  	_ =	shalt  }
0x52: {  	_ =	shalt  }
0x53: {  	_ =	shalt  }
0x54: {  	_ =	shalt  }
0x55: {  	_ =	shalt  }
0x56: {  	_ =	shalt  }
0x57: {  	_ =	shalt  }
0x58: {  	_ =	shalt  }
0x59: {  	_ =	shalt  }
0x5a: {  	_ =	shalt  }
0x5b: {  	_ =	shalt  }
0x5c: {  	_ =	shalt  }
0x5d: {  	_ =	shalt  }
0x5e: {  	_ =	shalt  }
0x5f: {  	_ =	shalt  }
0x60: {  	_ =	shalt  }
0x61: {  	_ =	shalt  }
0x62: {  	_ =	shalt  }
0x63: {  	_ =	shalt  }
0x64: {  	_ =	shalt  }
0x65: {  	_ =	shalt  }
0x66: {  	_ =	shalt  }
0x67: {  	_ =	shalt  }
0x68: {  	_ =	shalt  }
0x69: {  	_ =	shalt  }
0x6a: {  	_ =	shalt  }
0x6b: {  	_ =	shalt  }
0x6c: {  	_ =	shalt  }
0x6d: {  	_ =	shalt  }
0x6e: {  	_ =	shalt  }
0x6f: {  	_ =	shalt  }
0x70: {  	_ =	shalt  }
0x71: {  	_ =	shalt  }
0x72: {  	_ =	shalt  }
0x73: {  	_ =	shalt  }
0x74: {  	_ =	shalt  }
0x75: {  	_ =	shalt  }
0x76: {  	_ =	shalt  }
0x77: {  	_ =	shalt  }
0x78: {  	_ =	shalt  }
0x79: {  	_ =	shalt  }
0x7a: {  	_ =	shalt  }
0x7b: {  	_ =	shalt  }
0x7c: {  	_ =	shalt  }
0x7d: {  	_ =	shalt  }
0x7e: {  	_ =	shalt  }
0x7f: {  	_ =	shalt  }
0x80: {  	_ =	shalt  }
0x81: {  	_ =	shalt  }
0x82: {  	_ =	shalt  }
0x83: {  	_ =	shalt  }
0x84: {  	_ =	shalt  }
0x85: {  	_ =	shalt  }
0x86: {  	_ =	shalt  }
0x87: {  	_ =	shalt  }
.Lfunc_end0:
.L_simem_size_0:
called_computation.1_lowered:
.L_overlay_start_0:
0x88: {  	s2 =	sld [smem:$0x3FD9]  }
0x89: {  	s3 =	sld [smem:$0x3FFE];
	_ =	sdelay $0x1  }
0x8a: {  	s1 =	srdreg.scid  }
0x8b: {  	s0 =	sand.u32 $0x1, s1  }
0x8c: {  	s16 =	sshll.u32 s0, $0xA;
	s2 =	sadd.s32 s3, s2  }
0x8d: {  	s2 =	sadd.s32 s2, s16  }
0x8e: {  	[smem:$0x3FB9] =	sst s2  }
0x8f: {  	_ = 	snop  }
0x90: {  	(tm) =	ssettm $0x1  }
0x91: {  	s17 =	sld [smem:$0x3FFB];
	_ =	sdelay $0x3  }
0x92: {  	_ =	strace s17  }
0x93: {  	s2 =	sld [smem:$0x3FFC];
	_ =	sdelay $0x3  }
0x94: {  	_ =	strace s2  }
0x95: {  	s2 =	sld [smem:$0x3FFD];
	_ =	sdelay $0x3  }
0x96: {  	_ =	strace s2  }
0x97: {  	_ =	strace $0x8FFFFFFF  }
0x98: {  	s18 =	sld [smem:$0x3FDB];
	_ =	sdelay $0x1  }
0x99: {  	s19 =	simm.s32 $_scs_section_size  }
0x9a: {  	s4 =	simm.s32 $_size__tile_overlayer_lowered;
	s5 =	simm.s32 $_tile_overlayer_lowered  }
0x9b: {  	s22 =	simm.s32 $0x1BFF;
	s21 =	sshll.u32 s5, $0x1;
	s2 =	sadd.s32 s19, s18  }
0x9c: {  	s6 =	simm.s32 $0x0;
	s20 =	sshll.u32 s4, $0x1;
	s4 =	sadd.s32 s21, s2  }
0x9d: {  	[timem:s6], [sflag:s22] =	dma.local [hbm:s4], s20  }
0x9e: {  	_ =	swait.ge [sflag:s22], s20  }
0x9f: {  	s3 =	ssub.s32 $0x0, s20;
	[sflag:s22] =	ssyncset.done $0x0  }
0xa0: {  	[sflag:s22] =	ssyncadd.s32 s3;
	_ =	sdelay $0x1  }
0xa1: {  	s23 =	simm.s32 $0x1B8B  }
0xa2: {  	_ =	swait.ge [sflag:s23], $0x1  }
0xa3: {  	[sflag:s23] =	ssyncset.done $0x0  }
0xa4: {  	s25 =	simm.s32 $0x1B8E;
	s24 =	sld [smem:$0x3FFE];
	[sflag:s23] =	ssyncadd.s32 $0xFFFFFFFF  }
0xa5: {  	s26 =	simm.s32 $execute0_lowered;
	[smem:$0x3FD2] =	sst s25  }
0xa6: {  	s4 =	sshll.u32 s26, $0x1;
	_ =	strace $0x80000049;
	[dreg:$0x1] =	wrdreg $0xFFFFFFFF  }
0xa7: {  	s28 =	simm.s32 $_size_execute0_lowered;
	s2 =	sadd.s32 s2, s4;
	[dreg:$0x0] =	wrdreg $0x0  }
0xa8: {  	s4 =	sshll.u32 s28, $0x1;
	[dreg:$0x2] =	wrdreg s2  }
0xa9: {  	[dreg:$0x3] =	wrdreg s4  }
0xaa: {  	[dreg:$0x4] =	wrdreg $0xC0  }
0xab: {  	_ =	task [dreg:s6], $0x5FFFF  }
0xac: {  	[dreg:$0x1] =	wrdreg $0xFFFFFFFF  }
0xad: {  	[dreg:$0x0] =	wrdreg $0x60  }
0xae: {  	[dreg:$0x2] =	wrdreg s24  }
0xaf: {  	[dreg:$0x3] =	wrdreg $0xA8000  }
0xb0: {  	[dreg:$0x4] =	wrdreg $0x9  }
0xb1: {  	_ =	task.clear_ibuf [dreg:s6], $0x5FFFF;
	_ =	strace $0x90000049  }
0xb2: {  	s29 =	simm.s32 $0x9;
	_ =	strace $0x8000004B  }
0xb3: {  	_ =	swait.ge [sflag:s29], $0x1  }
0xb4: {  	[sflag:s29] =	ssyncadd.s32 $0xFFFFFFFF  }
0xb5: {  	_ =	strace $0x9000004B  }
0xb6: {  	_ =	sfence  }
0xb7: {  	s30 =	sld [smem:$0x0];
	_ =	sdelay $0x2  }
0xb8: {  	s31 =	sshll.u32 s1, $0xD;
	s1 =	sshrl.u32 s1, $0x2  }
0xb9: {  	s3 =	sand.u32 $0x4000, s31;
	s1 =	sadd.s32 s1, s30  }
0xba: {  	s0 =	sor.u32 s3, s0;
	s1 =	sshll.u32 s1, $0x11  }
0xbb: {  	s0 =	sor.u32 s1, s0  }
0xbc: {  	s0 =	sadd.s32 $0x8F2B, s0  }
0xbd: {  	[sflag:s0] =	ssyncadd.remote.s32 $0x1  }
0xbe: {  	_ =	sfence.sel $0xFFFF  }
0xbf: {  	[dreg:$0x0] =	wrdreg $0xFFFFFFFF;
	(pc) =	sbr.abs _section_cstart, $3  }
0xc0: {  	[dreg:$0x1] =	wrdreg $0xFFFFFFFF  }
0xc1: {  	_ =	task.clear_ibuf [dreg:s6], $0x2FFFF;
	_ =	strace $0x9FFFFFFF  }
0xc2: {  	(tm) =	ssettm $0x7FFFFFFF  }
0xc3: {  	_ =	shalt  }
tec
execute0_lowered:
.L_overlay_start_1:
0x0: {  	(tag) =	ssettag $0x1  }
0x1: {  	s6 =	rddreg [dreg:$0x0]  }
0x2: {  	s1 =	rddreg [dreg:$0x1]  }
0x3: {  	s0 =	rddreg [dreg:$0x2];
	s2 =	simm.s32 $0x0;
	s5 =	srdreg.scid  }
0x4: {  	s3 =	stileid.u32;
	s18 =	simm.s32 $0x2800;
	s19 =	simm.s32 $0x1  }
0x5: {  	s20 =	simm.s32 $0x6800;
	s21 =	simm.s32 $0x2;
	s22 =	simm.s32 $0x1380  }
0x6: {  	[smem:$0x7FF] =	sst s2;
	s4 =	sadd.s32 $0x149E00, s6;
	s9 =	sadd.s32 $0x55A00, s6  }
0x7: {  	s7 =	sand.u32 $0x1, s5;
	s10 =	sadd.s32 $0x50A00, s6;
	s11 =	smul.u32 $0x50000, s3  }
0x8: {  	s5 =	sadd.s32 $0x5AA00, s6;
	s12 =	sadd.s32 $0x1E6200, s6;
	s28 =	smul.u32 $0x2800, s3  }
0x9: {  	s29 =	smul.u32 $0x14000, s3;
	s30 =	sshll.u32 s3, $0x6;
	_ =	strace $0x8000004A  }
0xa: {  	s8 =	ssub.s32 $0x2, s7;
	s23 =	sshll.u32 s7, $0x1;
	s15 =	smul.u32 $0x280000, s7  }
0xb: {  	s24 =	sshllo.u32 s7, $0x1;
	s6 =	sor.u32 $0x1C03, s30;
	s25 =	sshrl.u32 s8, $0x1  }
0xc: {  	s26 =	sshrl.u32 s11, $0x2;
	s16 =	sshrl.u32 s28, $0x3;
	s17 =	smul.u32 $0x140000, s24  }
0xd: {  	v0 =	vmov s23;
	v1 =	vmov s24;
	s23 =	simm.s32 $0x2700;
	s24 =	simm.s32 $0x2780;
	s13 =	ssub.s32 s8, s25  }
0xe: {  	s14 =	sadd.s32 s26, s1;
	s7 =	sadd.s32 s9, s16;
	s8 =	sadd.s32 s10, s16  }
0xf: {  	s16 =	sadd.s32 $0x280, s16;
	s15 =	sadd.s32 s29, s15;
	s25 =	simm.s32 $0x0  }
0x10: {  	s9 =	sadd.s32 s9, s16;
	s11 =	sadd.s32 s29, s17;
	s10 =	sadd.s32 s10, s16  }
0x11: {  	s15 =	sshrl.u32 s15, $0x3;
	s13 =	smax.u32 s13, $0x1;
	s14 =	sshrl.u32 s14, $0x3  }
0x12: {  	s16 =	simm.s32 $0x1400;
	s17 =	simm.s32 $0x80;
	s31 =	sshrl.u32 s11, $0x3  }
0x13: {  	s11 =	sadd.s32 s12, s15;
	s15 =	simm.s32 $0x3;
	s12 =	sadd.s32 s12, s31  }
.LBB2_1:
0x14: {  	[spmem:s14], [sflag:s6] =	dma.local [hbm:s5], $0x2800  }
0x15: {  	_ =	swait.ge [sflag:s15], $0x2800  }
0x16: {  	[sflag:s15] =	ssyncset.done $0x0  }
0x17: {  	[sflag:s15] =	ssyncadd.s32 $0xFFFFD800  }
0x18: {  	[bflag:$0x0] =	sbarrier.arrive $0xFFFF  }
0x19: {  	[tilespmem:s2], [sflag:$0x3] =	stream.linear.gather [hbm4b:s7+s2], $0x1400, $0x38;
	[tilespmem:$0x1E800] =	vst v63  }
0x1a: {  	_ =	swait.ge [sflag:s15], $0x1400  }
0x1b: {  	[sflag:s15] =	ssyncset.done $0x0  }
0x1c: {  	[sflag:s15] =	ssyncadd.s32 $0xFFFFEC00  }
0x1d: {  	[tilespmem:s16], [sflag:$0x3] =	stream.linear.gather [hbm4b:s8+s2], $0x1400, $0x38;
	[tilespmem:$0x1E800] =	vst v63  }
0x1e: {  	_ =	swait.ge [sflag:s15], $0x1400  }
0x1f: {  	[sflag:s15] =	ssyncset.done $0x0  }
0x20: {  	s26 =	simm.s32 $0x0;
	[sflag:s15] =	ssyncadd.s32 $0xFFFFEC00  }
0x21: {  	v3 =	vld [tilespmem:s26+$0x0]  }
0x22: {  	v4 =	vld [tilespmem:s26+$0x10]  }
0x23: {  	v6 =	vld [tilespmem:s26+$0x20]  }
0x24: {  	v5 =	vld [tilespmem:s26+$0x30]  }
0x25: {  	v2 =	vld [tilespmem:s26+$0x40]  }
0x26: {  	v7 =	vshll.u32 v3, $0x2;
	v3 =	vld [tilespmem:s26+$0x50]  }
0x27: {  	s28 =	simm.s32 $0x200;
	v8 =	vshll.u32 v4, $0x2;
	v4 =	vld [tilespmem:s26+$0x60];
	v7 =	vor.u32 v0, v7  }
.LBB2_2:
0x28: {  	s29 =	sshra.s32 s28, $0x2;
	p0 =	sne.s32 s28, $0x4E00;
	[tilespmem:s26+$0x0] =	vst v7;
	v7 =	vor.u32 v0, v8;
	v6 =	vshll.u32 v6, $0x2;
	v8 =	vld [tilespmem:s26+$0x70]  }
0x29: {  	v9 =	vld [tilespmem:s29+$0x0];
	[tilespmem:s26+$0x10] =	vst v7;
	v6 =	vor.u32 v0, v6;
	v5 =	vshll.u32 v5, $0x2  }
0x2a: {  	v10 =	vld [tilespmem:s29+$0x10];
	[tilespmem:s26+$0x20] =	vst v6;
	v5 =	vor.u32 v0, v5;
	v2 =	vshll.u32 v2, $0x2  }
.Ltmp0:
0x2b: {  	v6 =	vld [tilespmem:s29+$0x20];
	[tilespmem:s26+$0x30] =	vst v5;
	v2 =	vor.u32 v0, v2;
	v3 =	vshll.u32 v3, $0x2;
	(pc) =	sbr.rel @p0 .LBB2_2-.Ltmp0, $4  }
0x2c: {  	v5 =	vld [tilespmem:s29+$0x30];
	[tilespmem:s26+$0x40] =	vst v2;
	v3 =	vor.u32 v0, v3;
	v4 =	vshll.u32 v4, $0x2  }
0x2d: {  	v2 =	vld [tilespmem:s29+$0x40];
	[tilespmem:s26+$0x50] =	vst v3;
	v4 =	vor.u32 v0, v4;
	v7 =	vshll.u32 v8, $0x2  }
0x2e: {  	v8 =	vshll.u32 v9, $0x2;
	v3 =	vld [tilespmem:s29+$0x50];
	[tilespmem:s26+$0x60] =	vst v4;
	v9 =	vor.u32 v0, v7  }
0x2f: {  	s28 =	sadd.s32 $0x200, s28;
	v7 =	vor.u32 v0, v8;
	v8 =	vshll.u32 v10, $0x2;
	v4 =	vld [tilespmem:s29+$0x60];
	[tilespmem:s26+$0x70] =	vst v9;
	s26 =	smov.u32 s29  }
0x30: {  	[tilespmem:s26+$0x0] =	vst v7;
	v62 =	vor.u32 v0, v8;
	v6 =	vshll.u32 v6, $0x2;
	v63 =	vld [tilespmem:s26+$0x70]  }
0x31: {  	[tilespmem:s26+$0x10] =	vst v62;
	v6 =	vor.u32 v0, v6;
	v5 =	vshll.u32 v5, $0x2  }
0x32: {  	[tilespmem:s26+$0x20] =	vst v6;
	v5 =	vor.u32 v0, v5;
	v2 =	vshll.u32 v2, $0x2  }
0x33: {  	[tilespmem:s26+$0x30] =	vst v5;
	v2 =	vor.u32 v0, v2;
	v3 =	vshll.u32 v3, $0x2  }
0x34: {  	[tilespmem:s26+$0x40] =	vst v2;
	v2 =	vor.u32 v0, v3;
	v3 =	vshll.u32 v4, $0x2  }
0x35: {  	[tilespmem:s26+$0x50] =	vst v2;
	v2 =	vor.u32 v0, v3;
	v3 =	vshll.u32 v63, $0x2  }
0x36: {  	[tilespmem:s26+$0x60] =	vst v2;
	v2 =	vor.u32 v0, v3  }
0x37: {  	s31 =	simm.s32 $0x0;
	[tilespmem:s26+$0x70] =	vst v2  }
0x38: {  	[tilespmem:s18], [sflag:$0x1] =	stream.indirect.gather [hbm4b:s4+s17], $0x80, s31, s17, $0xb8;
	[tilespmem:$0x1E800] =	vst v63  }
0x39: {  	_ =	swait.ge [sflag:s19], $0x4000  }
0x3a: {  	[sflag:s19] =	ssyncset.done $0x0  }
0x3b: {  	s28 =	simm.s32 $0x80;
	[sflag:s19] =	ssyncadd.s32 $0xFFFFC000  }
0x3c: {  	[tilespmem:s20], [sflag:$0x2] =	stream.indirect.gather [hbm4b:s4+s17], $0x80, s28, s17, $0xb8;
	[tilespmem:$0x1E800] =	vst v63  }
0x3d: {  	s29 =	simm.s32 $0x1400  }
0x3e: {  	[spmem:s1] =	stream.indirect.scatter.add.f32 [tilespmem:s18], [sflag:$0x3], $0x80, s29, s17, $0xb8;
	[tilespmem:$0x1E800] =	vst v63  }
0x3f: {  	_ =	swait.ge [sflag:s15], $0x4000  }
0x40: {  	[sflag:s15] =	ssyncset.done $0x0  }
0x41: {  	[sflag:s15] =	ssyncadd.s32 $0xFFFFC000  }
0x42: {  	_ =	swait.ge [sflag:s21], $0x4000  }
0x43: {  	[sflag:s21] =	ssyncset.done $0x0  }
0x44: {  	s30 =	simm.s32 $0x100;
	[sflag:s21] =	ssyncadd.s32 $0xFFFFC000  }
0x45: {  	[tilespmem:s18], [sflag:$0x1] =	stream.indirect.gather [hbm4b:s4+s17], $0x80, s30, s17, $0xb8;
	[tilespmem:$0x1E800] =	vst v63  }
0x46: {  	s31 =	simm.s32 $0x1480  }
0x47: {  	[spmem:s1] =	stream.indirect.scatter.add.f32 [tilespmem:s20], [sflag:$0x3], $0x80, s31, s17, $0xb8;
	[tilespmem:$0x1E800] =	vst v63  }
0x48: {  	_ =	swait.ge [sflag:s15], $0x4000  }
0x49: {  	s26 =	simm.s32 $0x400;
	[sflag:s15] =	ssyncset.done $0x0  }
.LBB2_4:
0x4a: {  	p0 =	sne.s32 s26, $0x4800  }
0x4b: {  	[sflag:s15] =	ssyncadd.s32 $0xFFFFC000;
	s28 =	smov.u32 s26;
	s26 =	sadd.s32 $0x400, s26  }
0x4c: {  	_ = 	snop  }
0x4d: {  	_ =	swait.ge [sflag:s19], $0x4000  }
0x4e: {  	s28 =	sshra.s32 s28, $0x2;
	[sflag:s19] =	ssyncset.done $0x0  }
0x4f: {  	s29 =	sadd.s32 $0x80, s28;
	[sflag:s19] =	ssyncadd.s32 $0xFFFFC000  }
0x50: {  	[tilespmem:s20], [sflag:$0x2] =	stream.indirect.gather [hbm4b:s4+s17], $0x80, s29, s17, $0xb8;
	[tilespmem:$0x1E800] =	vst v63  }
0x51: {  	s29 =	sadd.s32 $0x1400, s28  }
0x52: {  	[spmem:s1] =	stream.indirect.scatter.add.f32 [tilespmem:s18], [sflag:$0x3], $0x80, s29, s17, $0xb8;
	[tilespmem:$0x1E800] =	vst v63  }
0x53: {  	_ =	swait.ge [sflag:s15], $0x4000  }
0x54: {  	[sflag:s15] =	ssyncset.done $0x0  }
0x55: {  	[sflag:s15] =	ssyncadd.s32 $0xFFFFC000  }
0x56: {  	_ =	swait.ge [sflag:s21], $0x4000  }
0x57: {  	[sflag:s21] =	ssyncset.done $0x0  }
0x58: {  	s29 =	sadd.s32 $0x100, s28;
	[sflag:s21] =	ssyncadd.s32 $0xFFFFC000  }
0x59: {  	[tilespmem:s18], [sflag:$0x1] =	stream.indirect.gather [hbm4b:s4+s17], $0x80, s29, s17, $0xb8;
	[tilespmem:$0x1E800] =	vst v63  }
.Ltmp1:
0x5a: {  	_ = 	snop;
	(pc) =	sbr.rel @p0 .LBB2_4-.Ltmp1, $4  }
0x5b: {  	s28 =	sadd.s32 $0x1480, s28  }
0x5c: {  	[spmem:s1] =	stream.indirect.scatter.add.f32 [tilespmem:s20], [sflag:$0x3], $0x80, s28, s17, $0xb8;
	[tilespmem:$0x1E800] =	vst v63  }
0x5d: {  	_ =	swait.ge [sflag:s15], $0x4000  }
0x5e: {  	[sflag:s15] =	ssyncset.done $0x0  }
0x5f: {  	[sflag:s15] =	ssyncadd.s32 $0xFFFFC000  }
0x60: {  	_ =	swait.ge [sflag:s19], $0x4000  }
0x61: {  	[sflag:s19] =	ssyncset.done $0x0  }
0x62: {  	[sflag:s19] =	ssyncadd.s32 $0xFFFFC000  }
0x63: {  	[tilespmem:s20], [sflag:$0x2] =	stream.indirect.gather [hbm4b:s4+s17], $0x80, s22, s17, $0xb8;
	[tilespmem:$0x1E800] =	vst v63  }
0x64: {  	_ = 	snop  }
0x65: {  	[spmem:s1] =	stream.indirect.scatter.add.f32 [tilespmem:s18], [sflag:$0x3], $0x80, s23, s17, $0xb8;
	[tilespmem:$0x1E800] =	vst v63  }
0x66: {  	_ =	swait.ge [sflag:s15], $0x4000  }
0x67: {  	[sflag:s15] =	ssyncset.done $0x0  }
0x68: {  	[sflag:s15] =	ssyncadd.s32 $0xFFFFC000  }
0x69: {  	_ =	swait.ge [sflag:s21], $0x4000  }
0x6a: {  	[sflag:s21] =	ssyncset.done $0x0  }
0x6b: {  	[sflag:s21] =	ssyncadd.s32 $0xFFFFC000  }
0x6c: {  	[spmem:s1] =	stream.indirect.scatter.add.f32 [tilespmem:s20], [sflag:$0x3], $0x80, s24, s17, $0xb8;
	[tilespmem:$0x1E800] =	vst v63  }
0x6d: {  	_ =	swait.ge [sflag:s15], $0x4000  }
0x6e: {  	[sflag:s15] =	ssyncset.done $0x0  }
0x6f: {  	s26 =	simm.s32 $0x0;
	[sflag:s15] =	ssyncadd.s32 $0xFFFFC000  }
0x70: {  	[tilespmem:s26], [sflag:$0x3] =	stream.linear.gather [hbm4b:s9+s26], $0x1400, $0x38;
	[tilespmem:$0x1E800] =	vst v63  }
0x71: {  	_ =	swait.ge [sflag:s15], $0x1400  }
0x72: {  	[sflag:s15] =	ssyncset.done $0x0  }
0x73: {  	[sflag:s15] =	ssyncadd.s32 $0xFFFFEC00  }
0x74: {  	[tilespmem:s16], [sflag:$0x3] =	stream.linear.gather [hbm4b:s10+s26], $0x1400, $0x38;
	[tilespmem:$0x1E800] =	vst v63  }
0x75: {  	_ =	swait.ge [sflag:s15], $0x1400  }
0x76: {  	[sflag:s15] =	ssyncset.done $0x0  }
0x77: {  	s26 =	simm.s32 $0x0;
	[sflag:s15] =	ssyncadd.s32 $0xFFFFEC00  }
0x78: {  	v3 =	vld [tilespmem:s26+$0x0]  }
0x79: {  	v4 =	vld [tilespmem:s26+$0x10]  }
0x7a: {  	v6 =	vld [tilespmem:s26+$0x20]  }
0x7b: {  	v5 =	vld [tilespmem:s26+$0x30]  }
0x7c: {  	v2 =	vld [tilespmem:s26+$0x40]  }
0x7d: {  	v7 =	vshll.u32 v3, $0x2;
	v3 =	vld [tilespmem:s26+$0x50]  }
0x7e: {  	s28 =	simm.s32 $0x200;
	v8 =	vshll.u32 v4, $0x2;
	v4 =	vld [tilespmem:s26+$0x60];
	v7 =	vor.u32 v0, v7  }
.LBB2_6:
0x7f: {  	s29 =	sshra.s32 s28, $0x2;
	p0 =	sne.s32 s28, $0x4E00;
	[tilespmem:s26+$0x0] =	vst v7;
	v7 =	vor.u32 v0, v8;
	v6 =	vshll.u32 v6, $0x2;
	v8 =	vld [tilespmem:s26+$0x70]  }
0x80: {  	v9 =	vld [tilespmem:s29+$0x0];
	[tilespmem:s26+$0x10] =	vst v7;
	v6 =	vor.u32 v0, v6;
	v5 =	vshll.u32 v5, $0x2  }
0x81: {  	v10 =	vld [tilespmem:s29+$0x10];
	[tilespmem:s26+$0x20] =	vst v6;
	v5 =	vor.u32 v0, v5;
	v2 =	vshll.u32 v2, $0x2  }
.Ltmp2:
0x82: {  	v6 =	vld [tilespmem:s29+$0x20];
	[tilespmem:s26+$0x30] =	vst v5;
	v2 =	vor.u32 v0, v2;
	v3 =	vshll.u32 v3, $0x2;
	(pc) =	sbr.rel @p0 .LBB2_6-.Ltmp2, $4  }
0x83: {  	v5 =	vld [tilespmem:s29+$0x30];
	[tilespmem:s26+$0x40] =	vst v2;
	v3 =	vor.u32 v0, v3;
	v4 =	vshll.u32 v4, $0x2  }
0x84: {  	v2 =	vld [tilespmem:s29+$0x40];
	[tilespmem:s26+$0x50] =	vst v3;
	v4 =	vor.u32 v0, v4;
	v7 =	vshll.u32 v8, $0x2  }
0x85: {  	v8 =	vshll.u32 v9, $0x2;
	v3 =	vld [tilespmem:s29+$0x50];
	[tilespmem:s26+$0x60] =	vst v4;
	v9 =	vor.u32 v0, v7  }
0x86: {  	s28 =	sadd.s32 $0x200, s28;
	v7 =	vor.u32 v0, v8;
	v8 =	vshll.u32 v10, $0x2;
	v4 =	vld [tilespmem:s29+$0x60];
	[tilespmem:s26+$0x70] =	vst v9;
	s26 =	smov.u32 s29  }
0x87: {  	[tilespmem:s26+$0x0] =	vst v7;
	v62 =	vor.u32 v0, v8;
	v6 =	vshll.u32 v6, $0x2;
	v63 =	vld [tilespmem:s26+$0x70]  }
0x88: {  	[tilespmem:s26+$0x10] =	vst v62;
	v6 =	vor.u32 v0, v6;
	v5 =	vshll.u32 v5, $0x2  }
0x89: {  	[tilespmem:s26+$0x20] =	vst v6;
	v5 =	vor.u32 v0, v5;
	v2 =	vshll.u32 v2, $0x2  }
0x8a: {  	[tilespmem:s26+$0x30] =	vst v5;
	v2 =	vor.u32 v0, v2;
	v3 =	vshll.u32 v3, $0x2  }
0x8b: {  	[tilespmem:s26+$0x40] =	vst v2;
	v2 =	vor.u32 v0, v3;
	v3 =	vshll.u32 v4, $0x2  }
0x8c: {  	[tilespmem:s26+$0x50] =	vst v2;
	v2 =	vor.u32 v0, v3;
	v3 =	vshll.u32 v63, $0x2  }
0x8d: {  	[tilespmem:s26+$0x60] =	vst v2;
	v2 =	vor.u32 v0, v3  }
0x8e: {  	s31 =	simm.s32 $0x0;
	[tilespmem:s26+$0x70] =	vst v2  }
0x8f: {  	[tilespmem:s18], [sflag:$0x1] =	stream.indirect.gather [hbm4b:s4+s17], $0x80, s31, s17, $0xb8;
	[tilespmem:$0x1E800] =	vst v63  }
0x90: {  	_ =	swait.ge [sflag:s19], $0x4000  }
0x91: {  	[sflag:s19] =	ssyncset.done $0x0  }
0x92: {  	s28 =	simm.s32 $0x80;
	[sflag:s19] =	ssyncadd.s32 $0xFFFFC000  }
0x93: {  	[tilespmem:s20], [sflag:$0x2] =	stream.indirect.gather [hbm4b:s4+s17], $0x80, s28, s17, $0xb8;
	[tilespmem:$0x1E800] =	vst v63  }
0x94: {  	s29 =	simm.s32 $0x1400  }
0x95: {  	[spmem:s1] =	stream.indirect.scatter.add.f32 [tilespmem:s18], [sflag:$0x3], $0x80, s29, s17, $0xb8;
	[tilespmem:$0x1E800] =	vst v63  }
0x96: {  	_ =	swait.ge [sflag:s15], $0x4000  }
0x97: {  	[sflag:s15] =	ssyncset.done $0x0  }
0x98: {  	[sflag:s15] =	ssyncadd.s32 $0xFFFFC000  }
0x99: {  	_ =	swait.ge [sflag:s21], $0x4000  }
0x9a: {  	[sflag:s21] =	ssyncset.done $0x0  }
0x9b: {  	s30 =	simm.s32 $0x100;
	[sflag:s21] =	ssyncadd.s32 $0xFFFFC000  }
0x9c: {  	[tilespmem:s18], [sflag:$0x1] =	stream.indirect.gather [hbm4b:s4+s17], $0x80, s30, s17, $0xb8;
	[tilespmem:$0x1E800] =	vst v63  }
0x9d: {  	s31 =	simm.s32 $0x1480  }
0x9e: {  	[spmem:s1] =	stream.indirect.scatter.add.f32 [tilespmem:s20], [sflag:$0x3], $0x80, s31, s17, $0xb8;
	[tilespmem:$0x1E800] =	vst v63  }
0x9f: {  	_ =	swait.ge [sflag:s15], $0x4000  }
0xa0: {  	s26 =	simm.s32 $0x400;
	[sflag:s15] =	ssyncset.done $0x0  }
.LBB2_8:
0xa1: {  	p0 =	sne.s32 s26, $0x4800  }
0xa2: {  	[sflag:s15] =	ssyncadd.s32 $0xFFFFC000;
	s28 =	smov.u32 s26;
	s26 =	sadd.s32 $0x400, s26  }
0xa3: {  	_ = 	snop  }
0xa4: {  	_ =	swait.ge [sflag:s19], $0x4000  }
0xa5: {  	s28 =	sshra.s32 s28, $0x2;
	[sflag:s19] =	ssyncset.done $0x0  }
0xa6: {  	s29 =	sadd.s32 $0x80, s28;
	[sflag:s19] =	ssyncadd.s32 $0xFFFFC000  }
0xa7: {  	[tilespmem:s20], [sflag:$0x2] =	stream.indirect.gather [hbm4b:s4+s17], $0x80, s29, s17, $0xb8;
	[tilespmem:$0x1E800] =	vst v63  }
0xa8: {  	s29 =	sadd.s32 $0x1400, s28  }
0xa9: {  	[spmem:s1] =	stream.indirect.scatter.add.f32 [tilespmem:s18], [sflag:$0x3], $0x80, s29, s17, $0xb8;
	[tilespmem:$0x1E800] =	vst v63  }
0xaa: {  	_ =	swait.ge [sflag:s15], $0x4000  }
0xab: {  	[sflag:s15] =	ssyncset.done $0x0  }
0xac: {  	[sflag:s15] =	ssyncadd.s32 $0xFFFFC000  }
0xad: {  	_ =	swait.ge [sflag:s21], $0x4000  }
0xae: {  	[sflag:s21] =	ssyncset.done $0x0  }
0xaf: {  	s29 =	sadd.s32 $0x100, s28;
	[sflag:s21] =	ssyncadd.s32 $0xFFFFC000  }
0xb0: {  	[tilespmem:s18], [sflag:$0x1] =	stream.indirect.gather [hbm4b:s4+s17], $0x80, s29, s17, $0xb8;
	[tilespmem:$0x1E800] =	vst v63  }
.Ltmp3:
0xb1: {  	_ = 	snop;
	(pc) =	sbr.rel @p0 .LBB2_8-.Ltmp3, $4  }
0xb2: {  	s28 =	sadd.s32 $0x1480, s28  }
0xb3: {  	[spmem:s1] =	stream.indirect.scatter.add.f32 [tilespmem:s20], [sflag:$0x3], $0x80, s28, s17, $0xb8;
	[tilespmem:$0x1E800] =	vst v63  }
0xb4: {  	_ =	swait.ge [sflag:s15], $0x4000  }
0xb5: {  	[sflag:s15] =	ssyncset.done $0x0  }
0xb6: {  	[sflag:s15] =	ssyncadd.s32 $0xFFFFC000  }
0xb7: {  	_ =	swait.ge [sflag:s19], $0x4000  }
0xb8: {  	[sflag:s19] =	ssyncset.done $0x0  }
0xb9: {  	[sflag:s19] =	ssyncadd.s32 $0xFFFFC000  }
0xba: {  	[tilespmem:s20], [sflag:$0x2] =	stream.indirect.gather [hbm4b:s4+s17], $0x80, s22, s17, $0xb8;
	[tilespmem:$0x1E800] =	vst v63  }
0xbb: {  	_ = 	snop  }
0xbc: {  	[spmem:s1] =	stream.indirect.scatter.add.f32 [tilespmem:s18], [sflag:$0x3], $0x80, s23, s17, $0xb8;
	[tilespmem:$0x1E800] =	vst v63  }
0xbd: {  	_ =	swait.ge [sflag:s15], $0x4000  }
0xbe: {  	[sflag:s15] =	ssyncset.done $0x0  }
0xbf: {  	[sflag:s15] =	ssyncadd.s32 $0xFFFFC000  }
0xc0: {  	_ =	swait.ge [sflag:s21], $0x4000  }
0xc1: {  	[sflag:s21] =	ssyncset.done $0x0  }
0xc2: {  	[sflag:s21] =	ssyncadd.s32 $0xFFFFC000  }
0xc3: {  	[spmem:s1] =	stream.indirect.scatter.add.f32 [tilespmem:s20], [sflag:$0x3], $0x80, s24, s17, $0xb8;
	[tilespmem:$0x1E800] =	vst v63  }
0xc4: {  	_ =	swait.ge [sflag:s15], $0x4000  }
0xc5: {  	[sflag:s15] =	ssyncset.done $0x0  }
0xc6: {  	[sflag:s15] =	ssyncadd.s32 $0xFFFFC000  }
0xc7: {  	[bflag:$0x0] =	sbarrier.arrive $0xFFFF  }
0xc8: {  	[hbm:s11], [sflag:s6] =	dma.local [spmem:s14], $0x2800  }
0xc9: {  	_ =	swait.ge [sflag:s15], $0x2800  }
0xca: {  	[sflag:s15] =	ssyncset.done $0x0  }
0xcb: {  	[sflag:s15] =	ssyncadd.s32 $0xFFFFD800  }
0xcc: {  	[bflag:$0x0] =	sbarrier.arrive $0xFFFF  }
0xcd: {  	[spmem:s14], [sflag:s6] =	dma.local [hbm:s5], $0x2800  }
0xce: {  	_ =	swait.ge [sflag:s15], $0x2800  }
0xcf: {  	[sflag:s15] =	ssyncset.done $0x0  }
0xd0: {  	[sflag:s15] =	ssyncadd.s32 $0xFFFFD800  }
0xd1: {  	s26 =	simm.s32 $0x0;
	[bflag:$0x0] =	sbarrier.arrive $0xFFFF  }
0xd2: {  	[tilespmem:s26], [sflag:$0x3] =	stream.linear.gather [hbm4b:s7+s26], $0x1400, $0x38;
	[tilespmem:$0x1E800] =	vst v63  }
0xd3: {  	_ =	swait.ge [sflag:s15], $0x1400  }
0xd4: {  	[sflag:s15] =	ssyncset.done $0x0  }
0xd5: {  	[sflag:s15] =	ssyncadd.s32 $0xFFFFEC00  }
0xd6: {  	[tilespmem:s16], [sflag:$0x3] =	stream.linear.gather [hbm4b:s8+s26], $0x1400, $0x38;
	[tilespmem:$0x1E800] =	vst v63  }
0xd7: {  	_ =	swait.ge [sflag:s15], $0x1400  }
0xd8: {  	[sflag:s15] =	ssyncset.done $0x0  }
0xd9: {  	s26 =	simm.s32 $0x0;
	[sflag:s15] =	ssyncadd.s32 $0xFFFFEC00  }
0xda: {  	v3 =	vld [tilespmem:s26+$0x0]  }
0xdb: {  	v4 =	vld [tilespmem:s26+$0x10]  }
0xdc: {  	v6 =	vld [tilespmem:s26+$0x20]  }
0xdd: {  	v5 =	vld [tilespmem:s26+$0x30]  }
0xde: {  	v2 =	vld [tilespmem:s26+$0x40]  }
0xdf: {  	v7 =	vshll.u32 v3, $0x2;
	v3 =	vld [tilespmem:s26+$0x50]  }
0xe0: {  	s28 =	simm.s32 $0x200;
	v8 =	vshll.u32 v4, $0x2;
	v4 =	vld [tilespmem:s26+$0x60];
	v7 =	vor.u32 v1, v7  }
.LBB2_10:
0xe1: {  	s29 =	sshra.s32 s28, $0x2;
	p0 =	sne.s32 s28, $0x4E00;
	[tilespmem:s26+$0x0] =	vst v7;
	v7 =	vor.u32 v1, v8;
	v6 =	vshll.u32 v6, $0x2;
	v8 =	vld [tilespmem:s26+$0x70]  }
0xe2: {  	v9 =	vld [tilespmem:s29+$0x0];
	[tilespmem:s26+$0x10] =	vst v7;
	v6 =	vor.u32 v1, v6;
	v5 =	vshll.u32 v5, $0x2  }
0xe3: {  	v10 =	vld [tilespmem:s29+$0x10];
	[tilespmem:s26+$0x20] =	vst v6;
	v5 =	vor.u32 v1, v5;
	v2 =	vshll.u32 v2, $0x2  }
.Ltmp4:
0xe4: {  	v6 =	vld [tilespmem:s29+$0x20];
	[tilespmem:s26+$0x30] =	vst v5;
	v2 =	vor.u32 v1, v2;
	v3 =	vshll.u32 v3, $0x2;
	(pc) =	sbr.rel @p0 .LBB2_10-.Ltmp4, $4  }
0xe5: {  	v5 =	vld [tilespmem:s29+$0x30];
	[tilespmem:s26+$0x40] =	vst v2;
	v3 =	vor.u32 v1, v3;
	v4 =	vshll.u32 v4, $0x2  }
0xe6: {  	v2 =	vld [tilespmem:s29+$0x40];
	[tilespmem:s26+$0x50] =	vst v3;
	v4 =	vor.u32 v1, v4;
	v7 =	vshll.u32 v8, $0x2  }
0xe7: {  	v8 =	vshll.u32 v9, $0x2;
	v3 =	vld [tilespmem:s29+$0x50];
	[tilespmem:s26+$0x60] =	vst v4;
	v9 =	vor.u32 v1, v7  }
0xe8: {  	s28 =	sadd.s32 $0x200, s28;
	v7 =	vor.u32 v1, v8;
	v8 =	vshll.u32 v10, $0x2;
	v4 =	vld [tilespmem:s29+$0x60];
	[tilespmem:s26+$0x70] =	vst v9;
	s26 =	smov.u32 s29  }
0xe9: {  	[tilespmem:s26+$0x0] =	vst v7;
	v62 =	vor.u32 v1, v8;
	v6 =	vshll.u32 v6, $0x2;
	v63 =	vld [tilespmem:s26+$0x70]  }
0xea: {  	[tilespmem:s26+$0x10] =	vst v62;
	v6 =	vor.u32 v1, v6;
	v5 =	vshll.u32 v5, $0x2  }
0xeb: {  	[tilespmem:s26+$0x20] =	vst v6;
	v5 =	vor.u32 v1, v5;
	v2 =	vshll.u32 v2, $0x2  }
0xec: {  	[tilespmem:s26+$0x30] =	vst v5;
	v2 =	vor.u32 v1, v2;
	v3 =	vshll.u32 v3, $0x2  }
0xed: {  	[tilespmem:s26+$0x40] =	vst v2;
	v2 =	vor.u32 v1, v3;
	v3 =	vshll.u32 v4, $0x2  }
0xee: {  	[tilespmem:s26+$0x50] =	vst v2;
	v2 =	vor.u32 v1, v3;
	v3 =	vshll.u32 v63, $0x2  }
0xef: {  	[tilespmem:s26+$0x60] =	vst v2;
	v2 =	vor.u32 v1, v3  }
0xf0: {  	s31 =	simm.s32 $0x0;
	[tilespmem:s26+$0x70] =	vst v2  }
0xf1: {  	[tilespmem:s18], [sflag:$0x1] =	stream.indirect.gather [hbm4b:s4+s17], $0x80, s31, s17, $0xb8;
	[tilespmem:$0x1E800] =	vst v63  }
0xf2: {  	_ =	swait.ge [sflag:s19], $0x4000  }
0xf3: {  	[sflag:s19] =	ssyncset.done $0x0  }
0xf4: {  	s28 =	simm.s32 $0x80;
	[sflag:s19] =	ssyncadd.s32 $0xFFFFC000  }
0xf5: {  	[tilespmem:s20], [sflag:$0x2] =	stream.indirect.gather [hbm4b:s4+s17], $0x80, s28, s17, $0xb8;
	[tilespmem:$0x1E800] =	vst v63  }
0xf6: {  	s29 =	simm.s32 $0x1400  }
0xf7: {  	[spmem:s1] =	stream.indirect.scatter.add.f32 [tilespmem:s18], [sflag:$0x3], $0x80, s29, s17, $0xb8;
	[tilespmem:$0x1E800] =	vst v63  }
0xf8: {  	_ =	swait.ge [sflag:s15], $0x4000  }
0xf9: {  	[sflag:s15] =	ssyncset.done $0x0  }
0xfa: {  	[sflag:s15] =	ssyncadd.s32 $0xFFFFC000  }
0xfb: {  	_ =	swait.ge [sflag:s21], $0x4000  }
0xfc: {  	[sflag:s21] =	ssyncset.done $0x0  }
0xfd: {  	s30 =	simm.s32 $0x100;
	[sflag:s21] =	ssyncadd.s32 $0xFFFFC000  }
0xfe: {  	[tilespmem:s18], [sflag:$0x1] =	stream.indirect.gather [hbm4b:s4+s17], $0x80, s30, s17, $0xb8;
	[tilespmem:$0x1E800] =	vst v63  }
0xff: {  	s31 =	simm.s32 $0x1480  }
0x100: {  	[spmem:s1] =	stream.indirect.scatter.add.f32 [tilespmem:s20], [sflag:$0x3], $0x80, s31, s17, $0xb8;
	[tilespmem:$0x1E800] =	vst v63  }
0x101: {  	_ =	swait.ge [sflag:s15], $0x4000  }
0x102: {  	s26 =	simm.s32 $0x400;
	[sflag:s15] =	ssyncset.done $0x0  }
.LBB2_12:
0x103: {  	p0 =	sne.s32 s26, $0x4800  }
0x104: {  	[sflag:s15] =	ssyncadd.s32 $0xFFFFC000;
	s28 =	smov.u32 s26;
	s26 =	sadd.s32 $0x400, s26  }
0x105: {  	_ = 	snop  }
0x106: {  	_ =	swait.ge [sflag:s19], $0x4000  }
0x107: {  	s28 =	sshra.s32 s28, $0x2;
	[sflag:s19] =	ssyncset.done $0x0  }
0x108: {  	s29 =	sadd.s32 $0x80, s28;
	[sflag:s19] =	ssyncadd.s32 $0xFFFFC000  }
0x109: {  	[tilespmem:s20], [sflag:$0x2] =	stream.indirect.gather [hbm4b:s4+s17], $0x80, s29, s17, $0xb8;
	[tilespmem:$0x1E800] =	vst v63  }
0x10a: {  	s29 =	sadd.s32 $0x1400, s28  }
0x10b: {  	[spmem:s1] =	stream.indirect.scatter.add.f32 [tilespmem:s18], [sflag:$0x3], $0x80, s29, s17, $0xb8;
	[tilespmem:$0x1E800] =	vst v63  }
0x10c: {  	_ =	swait.ge [sflag:s15], $0x4000  }
0x10d: {  	[sflag:s15] =	ssyncset.done $0x0  }
0x10e: {  	[sflag:s15] =	ssyncadd.s32 $0xFFFFC000  }
0x10f: {  	_ =	swait.ge [sflag:s21], $0x4000  }
0x110: {  	[sflag:s21] =	ssyncset.done $0x0  }
0x111: {  	s29 =	sadd.s32 $0x100, s28;
	[sflag:s21] =	ssyncadd.s32 $0xFFFFC000  }
0x112: {  	[tilespmem:s18], [sflag:$0x1] =	stream.indirect.gather [hbm4b:s4+s17], $0x80, s29, s17, $0xb8;
	[tilespmem:$0x1E800] =	vst v63  }
.Ltmp5:
0x113: {  	_ = 	snop;
	(pc) =	sbr.rel @p0 .LBB2_12-.Ltmp5, $4  }
0x114: {  	s28 =	sadd.s32 $0x1480, s28  }
0x115: {  	[spmem:s1] =	stream.indirect.scatter.add.f32 [tilespmem:s20], [sflag:$0x3], $0x80, s28, s17, $0xb8;
	[tilespmem:$0x1E800] =	vst v63  }
0x116: {  	_ =	swait.ge [sflag:s15], $0x4000  }
0x117: {  	[sflag:s15] =	ssyncset.done $0x0  }
0x118: {  	[sflag:s15] =	ssyncadd.s32 $0xFFFFC000  }
0x119: {  	_ =	swait.ge [sflag:s19], $0x4000  }
0x11a: {  	[sflag:s19] =	ssyncset.done $0x0  }
0x11b: {  	[sflag:s19] =	ssyncadd.s32 $0xFFFFC000  }
0x11c: {  	[tilespmem:s20], [sflag:$0x2] =	stream.indirect.gather [hbm4b:s4+s17], $0x80, s22, s17, $0xb8;
	[tilespmem:$0x1E800] =	vst v63  }
0x11d: {  	_ = 	snop  }
0x11e: {  	[spmem:s1] =	stream.indirect.scatter.add.f32 [tilespmem:s18], [sflag:$0x3], $0x80, s23, s17, $0xb8;
	[tilespmem:$0x1E800] =	vst v63  }
0x11f: {  	_ =	swait.ge [sflag:s15], $0x4000  }
0x120: {  	[sflag:s15] =	ssyncset.done $0x0  }
0x121: {  	[sflag:s15] =	ssyncadd.s32 $0xFFFFC000  }
0x122: {  	_ =	swait.ge [sflag:s21], $0x4000  }
0x123: {  	[sflag:s21] =	ssyncset.done $0x0  }
0x124: {  	[sflag:s21] =	ssyncadd.s32 $0xFFFFC000  }
0x125: {  	[spmem:s1] =	stream.indirect.scatter.add.f32 [tilespmem:s20], [sflag:$0x3], $0x80, s24, s17, $0xb8;
	[tilespmem:$0x1E800] =	vst v63  }
0x126: {  	_ =	swait.ge [sflag:s15], $0x4000  }
0x127: {  	[sflag:s15] =	ssyncset.done $0x0  }
0x128: {  	s26 =	simm.s32 $0x0;
	[sflag:s15] =	ssyncadd.s32 $0xFFFFC000  }
0x129: {  	[tilespmem:s26], [sflag:$0x3] =	stream.linear.gather [hbm4b:s9+s26], $0x1400, $0x38;
	[tilespmem:$0x1E800] =	vst v63  }
0x12a: {  	_ =	swait.ge [sflag:s15], $0x1400  }
0x12b: {  	[sflag:s15] =	ssyncset.done $0x0  }
0x12c: {  	[sflag:s15] =	ssyncadd.s32 $0xFFFFEC00  }
0x12d: {  	[tilespmem:s16], [sflag:$0x3] =	stream.linear.gather [hbm4b:s10+s26], $0x1400, $0x38;
	[tilespmem:$0x1E800] =	vst v63  }
0x12e: {  	_ =	swait.ge [sflag:s15], $0x1400  }
0x12f: {  	[sflag:s15] =	ssyncset.done $0x0  }
0x130: {  	s26 =	simm.s32 $0x0;
	[sflag:s15] =	ssyncadd.s32 $0xFFFFEC00  }
0x131: {  	v3 =	vld [tilespmem:s26+$0x0]  }
0x132: {  	v4 =	vld [tilespmem:s26+$0x10]  }
0x133: {  	v6 =	vld [tilespmem:s26+$0x20]  }
0x134: {  	v5 =	vld [tilespmem:s26+$0x30]  }
0x135: {  	v2 =	vld [tilespmem:s26+$0x40]  }
0x136: {  	v7 =	vshll.u32 v3, $0x2;
	v3 =	vld [tilespmem:s26+$0x50]  }
0x137: {  	s28 =	simm.s32 $0x200;
	v8 =	vshll.u32 v4, $0x2;
	v4 =	vld [tilespmem:s26+$0x60];
	v7 =	vor.u32 v1, v7  }
.LBB2_14:
0x138: {  	s29 =	sshra.s32 s28, $0x2;
	p0 =	sne.s32 s28, $0x4E00;
	[tilespmem:s26+$0x0] =	vst v7;
	v7 =	vor.u32 v1, v8;
	v6 =	vshll.u32 v6, $0x2;
	v8 =	vld [tilespmem:s26+$0x70]  }
0x139: {  	v9 =	vld [tilespmem:s29+$0x0];
	[tilespmem:s26+$0x10] =	vst v7;
	v6 =	vor.u32 v1, v6;
	v5 =	vshll.u32 v5, $0x2  }
0x13a: {  	v10 =	vld [tilespmem:s29+$0x10];
	[tilespmem:s26+$0x20] =	vst v6;
	v5 =	vor.u32 v1, v5;
	v2 =	vshll.u32 v2, $0x2  }
.Ltmp6:
0x13b: {  	v6 =	vld [tilespmem:s29+$0x20];
	[tilespmem:s26+$0x30] =	vst v5;
	v2 =	vor.u32 v1, v2;
	v3 =	vshll.u32 v3, $0x2;
	(pc) =	sbr.rel @p0 .LBB2_14-.Ltmp6, $4  }
0x13c: {  	v5 =	vld [tilespmem:s29+$0x30];
	[tilespmem:s26+$0x40] =	vst v2;
	v3 =	vor.u32 v1, v3;
	v4 =	vshll.u32 v4, $0x2  }
0x13d: {  	v2 =	vld [tilespmem:s29+$0x40];
	[tilespmem:s26+$0x50] =	vst v3;
	v4 =	vor.u32 v1, v4;
	v7 =	vshll.u32 v8, $0x2  }
0x13e: {  	v8 =	vshll.u32 v9, $0x2;
	v3 =	vld [tilespmem:s29+$0x50];
	[tilespmem:s26+$0x60] =	vst v4;
	v9 =	vor.u32 v1, v7  }
0x13f: {  	s28 =	sadd.s32 $0x200, s28;
	v7 =	vor.u32 v1, v8;
	v8 =	vshll.u32 v10, $0x2;
	v4 =	vld [tilespmem:s29+$0x60];
	[tilespmem:s26+$0x70] =	vst v9;
	s26 =	smov.u32 s29  }
0x140: {  	[tilespmem:s26+$0x0] =	vst v7;
	v62 =	vor.u32 v1, v8;
	v6 =	vshll.u32 v6, $0x2;
	v63 =	vld [tilespmem:s26+$0x70]  }
0x141: {  	[tilespmem:s26+$0x10] =	vst v62;
	v6 =	vor.u32 v1, v6;
	v5 =	vshll.u32 v5, $0x2  }
0x142: {  	[tilespmem:s26+$0x20] =	vst v6;
	v5 =	vor.u32 v1, v5;
	v2 =	vshll.u32 v2, $0x2  }
0x143: {  	[tilespmem:s26+$0x30] =	vst v5;
	v2 =	vor.u32 v1, v2;
	v3 =	vshll.u32 v3, $0x2  }
0x144: {  	[tilespmem:s26+$0x40] =	vst v2;
	v2 =	vor.u32 v1, v3;
	v3 =	vshll.u32 v4, $0x2  }
0x145: {  	[tilespmem:s26+$0x50] =	vst v2;
	v2 =	vor.u32 v1, v3;
	v3 =	vshll.u32 v63, $0x2  }
0x146: {  	[tilespmem:s26+$0x60] =	vst v2;
	v2 =	vor.u32 v1, v3  }
0x147: {  	s31 =	simm.s32 $0x0;
	[tilespmem:s26+$0x70] =	vst v2  }
0x148: {  	[tilespmem:s18], [sflag:$0x1] =	stream.indirect.gather [hbm4b:s4+s17], $0x80, s31, s17, $0xb8;
	[tilespmem:$0x1E800] =	vst v63  }
0x149: {  	_ =	swait.ge [sflag:s19], $0x4000  }
0x14a: {  	[sflag:s19] =	ssyncset.done $0x0  }
0x14b: {  	s28 =	simm.s32 $0x80;
	[sflag:s19] =	ssyncadd.s32 $0xFFFFC000  }
0x14c: {  	[tilespmem:s20], [sflag:$0x2] =	stream.indirect.gather [hbm4b:s4+s17], $0x80, s28, s17, $0xb8;
	[tilespmem:$0x1E800] =	vst v63  }
0x14d: {  	s29 =	simm.s32 $0x1400  }
0x14e: {  	[spmem:s1] =	stream.indirect.scatter.add.f32 [tilespmem:s18], [sflag:$0x3], $0x80, s29, s17, $0xb8;
	[tilespmem:$0x1E800] =	vst v63  }
0x14f: {  	_ =	swait.ge [sflag:s15], $0x4000  }
0x150: {  	[sflag:s15] =	ssyncset.done $0x0  }
0x151: {  	[sflag:s15] =	ssyncadd.s32 $0xFFFFC000  }
0x152: {  	_ =	swait.ge [sflag:s21], $0x4000  }
0x153: {  	[sflag:s21] =	ssyncset.done $0x0  }
0x154: {  	s30 =	simm.s32 $0x100;
	[sflag:s21] =	ssyncadd.s32 $0xFFFFC000  }
0x155: {  	[tilespmem:s18], [sflag:$0x1] =	stream.indirect.gather [hbm4b:s4+s17], $0x80, s30, s17, $0xb8;
	[tilespmem:$0x1E800] =	vst v63  }
0x156: {  	s31 =	simm.s32 $0x1480  }
0x157: {  	[spmem:s1] =	stream.indirect.scatter.add.f32 [tilespmem:s20], [sflag:$0x3], $0x80, s31, s17, $0xb8;
	[tilespmem:$0x1E800] =	vst v63  }
0x158: {  	_ =	swait.ge [sflag:s15], $0x4000  }
0x159: {  	s26 =	simm.s32 $0x400;
	[sflag:s15] =	ssyncset.done $0x0  }
.LBB2_16:
0x15a: {  	p0 =	sne.s32 s26, $0x4800  }
0x15b: {  	[sflag:s15] =	ssyncadd.s32 $0xFFFFC000;
	s28 =	smov.u32 s26;
	s26 =	sadd.s32 $0x400, s26  }
0x15c: {  	_ = 	snop  }
0x15d: {  	_ =	swait.ge [sflag:s19], $0x4000  }
0x15e: {  	s28 =	sshra.s32 s28, $0x2;
	[sflag:s19] =	ssyncset.done $0x0  }
0x15f: {  	s29 =	sadd.s32 $0x80, s28;
	[sflag:s19] =	ssyncadd.s32 $0xFFFFC000  }
0x160: {  	[tilespmem:s20], [sflag:$0x2] =	stream.indirect.gather [hbm4b:s4+s17], $0x80, s29, s17, $0xb8;
	[tilespmem:$0x1E800] =	vst v63  }
0x161: {  	s29 =	sadd.s32 $0x1400, s28  }
0x162: {  	[spmem:s1] =	stream.indirect.scatter.add.f32 [tilespmem:s18], [sflag:$0x3], $0x80, s29, s17, $0xb8;
	[tilespmem:$0x1E800] =	vst v63  }
0x163: {  	_ =	swait.ge [sflag:s15], $0x4000  }
0x164: {  	[sflag:s15] =	ssyncset.done $0x0  }
0x165: {  	[sflag:s15] =	ssyncadd.s32 $0xFFFFC000  }
0x166: {  	_ =	swait.ge [sflag:s21], $0x4000  }
0x167: {  	[sflag:s21] =	ssyncset.done $0x0  }
0x168: {  	s29 =	sadd.s32 $0x100, s28;
	[sflag:s21] =	ssyncadd.s32 $0xFFFFC000  }
0x169: {  	[tilespmem:s18], [sflag:$0x1] =	stream.indirect.gather [hbm4b:s4+s17], $0x80, s29, s17, $0xb8;
	[tilespmem:$0x1E800] =	vst v63  }
.Ltmp7:
0x16a: {  	_ = 	snop;
	(pc) =	sbr.rel @p0 .LBB2_16-.Ltmp7, $4  }
0x16b: {  	s28 =	sadd.s32 $0x1480, s28  }
0x16c: {  	[spmem:s1] =	stream.indirect.scatter.add.f32 [tilespmem:s20], [sflag:$0x3], $0x80, s28, s17, $0xb8;
	[tilespmem:$0x1E800] =	vst v63  }
0x16d: {  	_ =	swait.ge [sflag:s15], $0x4000  }
0x16e: {  	[sflag:s15] =	ssyncset.done $0x0  }
0x16f: {  	[sflag:s15] =	ssyncadd.s32 $0xFFFFC000  }
0x170: {  	_ =	swait.ge [sflag:s19], $0x4000  }
0x171: {  	[sflag:s19] =	ssyncset.done $0x0  }
0x172: {  	[sflag:s19] =	ssyncadd.s32 $0xFFFFC000  }
0x173: {  	[tilespmem:s20], [sflag:$0x2] =	stream.indirect.gather [hbm4b:s4+s17], $0x80, s22, s17, $0xb8;
	[tilespmem:$0x1E800] =	vst v63  }
0x174: {  	_ = 	snop  }
0x175: {  	[spmem:s1] =	stream.indirect.scatter.add.f32 [tilespmem:s18], [sflag:$0x3], $0x80, s23, s17, $0xb8;
	[tilespmem:$0x1E800] =	vst v63  }
0x176: {  	_ =	swait.ge [sflag:s15], $0x4000  }
0x177: {  	[sflag:s15] =	ssyncset.done $0x0  }
0x178: {  	[sflag:s15] =	ssyncadd.s32 $0xFFFFC000  }
0x179: {  	_ =	swait.ge [sflag:s21], $0x4000  }
0x17a: {  	[sflag:s21] =	ssyncset.done $0x0  }
0x17b: {  	[sflag:s21] =	ssyncadd.s32 $0xFFFFC000  }
0x17c: {  	[spmem:s1] =	stream.indirect.scatter.add.f32 [tilespmem:s20], [sflag:$0x3], $0x80, s24, s17, $0xb8;
	[tilespmem:$0x1E800] =	vst v63  }
0x17d: {  	_ =	swait.ge [sflag:s15], $0x4000  }
0x17e: {  	s25 =	sadd.s32 $0x1, s25;
	[sflag:s15] =	ssyncset.done $0x0  }
0x17f: {  	p0 =	sne.s32 s25, s13;
	[sflag:s15] =	ssyncadd.s32 $0xFFFFC000  }
.Ltmp8:
0x180: {  	[bflag:$0x0] =	sbarrier.arrive $0xFFFF;
	(pc) =	sbr.rel @p0 .LBB2_1-.Ltmp8, $4  }
0x181: {  	[hbm:s12], [sflag:s6] =	dma.local [spmem:s14], $0x2800  }
0x182: {  	_ =	swait.ge [sflag:s15], $0x2800  }
0x183: {  	[sflag:s15] =	ssyncset.done $0x0  }
0x184: {  	[sflag:s15] =	ssyncadd.s32 $0xFFFFD800  }
0x185: {  	_ =	sfence.sel $0x180000  }
0x186: {  	[bflag:$0x0] =	sbarrier.arrive $0xFFFF  }
0x187: {  	p0 =	sne.s32 s3, $0x0;
	_ =	strace $0x9000004A  }
0x188: {  	s0 =	sadd.s32 @!p0 $0x100000, s0;
	[bflag:$0x2] =	sbarrier.arrive $0xFFFF  }
0x189: {  	[sflag:s0] =	ssyncadd.tile.s32 @!p0 $0x1;
	_ =	shalt  }
.Lfunc_end2:
_tile_overlayer_lowered:
.L_overlay_start_2:
0x18a: {  	(tag) =	ssettag $0x2  }
0x18b: {  	s0 =	rddreg [dreg:$0x0];
	s2 =	stileid.u32  }
0x18c: {  	s1 =	rddreg [dreg:$0x1];
	p0 =	sne.s32 s2, $0x0  }
0x18d: {  	s3 =	rddreg [dreg:$0x2];
	[bflag:$0x3] =	sbarrier.arrive $0xFFFF;
	s2 =	simm.s32 @!p0 $0x1C03  }
0x18e: {  	[timem:s3], [sflag:s2] =	dma.local @!p0 [hbm:s0], s1  }
0x18f: {  	s0 =	simm.s32 @!p0 $0x3  }
0x190: {  	_ =	swait.ge @!p0 [sflag:s0], s1  }
0x191: {  	s1 =	ssub.s32 @!p0 $0x0, s1;
	[sflag:s0] =	ssyncset.done @!p0 $0x0  }
0x192: {  	[sflag:s0] =	ssyncadd.s32 @!p0 s1  }
0x193: {  	[bflag:$0x3] =	sbarrier.arrive $0xFFFF  }
0x194: {  	_ =	shalt  }

// kernel: kernel.7.cloned.1.call-start
scs
__scs_entry_jumppad:
0x0: {  	(pc) =	sbr.rel $0x88, $3  }
0x1: {  	(tag) =	ssettag $0x0;
	lr =	simm.s32 $0x1  }
0x2: {  	[smem:$0x3F92] =	sst lr;
	_ =	strace $0xD0000000  }
0x3: {  	_ = 	snop  }
0x4: {  	_ = 	snop  }
0x5: {  	_ = 	snop  }
0x6: {  	_ = 	snop  }
0x7: {  	_ = 	snop  }
__scs_overlays_trampoline_lowered:
0x8: {  	[smem:$0x3FA1] =	sst s0  }
0x9: {  	[smem:$0x3FA2] =	sst s1  }
0xa: {  	[smem:$0x3FA3] =	sst s2  }
0xb: {  	[smem:$0x3FA4] =	sst s3  }
0xc: {  	[smem:$0x3FA5] =	sst s4  }
0xd: {  	[smem:$0x3FA6] =	sst s5  }
0xe: {  	[smem:$0x3FA7] =	sst s6  }
0xf: {  	[smem:$0x3FA8] =	sst s7  }
0x10: {  	[smem:$0x3FA9] =	sst s8  }
0x11: {  	[smem:$0x3FAA] =	sst s9;
	s0 =	simm.s32 @!p0 $0x0  }
0x12: {  	s1 =	sld [smem:$0x3F90];
	s0 =	simm.s32 @p0 $0x1  }
0x13: {  	[smem:$0x3FAB] =	sst s0;
	s0 =	simm.s32 @!p1 $0x0  }
0x14: {  	s2 =	sld [smem:$0x3F8F];
	s0 =	simm.s32 @p1 $0x1  }
0x15: {  	[smem:$0x3FAC] =	sst s0;
	s0 =	simm.s32 @!p2 $0x0  }
0x16: {  	s3 =	sld [smem:$0x3FDB];
	s0 =	simm.s32 @p2 $0x1  }
0x17: {  	s4 =	simm.s32 $0x1BF5;
	[smem:$0x3FAE] =	sst s0  }
0x18: {  	s0 =	sld [smem:$0x3F91];
	_ =	swait.ge [sflag:s4], $0x0  }
0x19: {  	s7 =	sld [smem:$0x3F92]  }
0x1a: {  	s8 =	sadd.s32 $0xFFFFE003, lr  }
0x1b: {  	s9 =	sadd.s32 $0xFFFFFEF7, lr;
	s5 =	simm.s32 $0xFFFFFFFF;
	p2 =	slt.u32 s8, $0xFFFFF086  }
0x1c: {  	p1 =	slt.u32 s9, $0xF7A;
	s5 =	simm.s32 @!p2 $0x0  }
0x1d: {  	s5 =	simm.s32 @p1 $0x1;
	p0 =	seq.s32 s7, s2  }
0x1e: {  	s7 =	smul.u32 @!p0 $0xF7A, s2;
	p2 =	seq.s32 @!p0 s5, $0x0  }
0x1f: {  	s9 =	smul.u32 $0xF7A, s1;
	s8 =	simm.s32 @!p0 $0x1BF5;
	p2 =	por !p2, p0  }
0x20: {  	[sflag:s8] =	ssyncset.s32 @!p0 $0xFFFFF086;
	s6 =	sadd.s32 @!p0 s3, s7;
	s7 =	simm.s32 @!p0 $0x108  }
0x21: {  	s3 =	sadd.s32 s3, s9;
	s6 =	sadd.s32 @!p0 $0x88, s6;
	s7 =	simm.s32 @p2 $0x1082  }
0x22: {  	[simem:s7], [sflag:s8] =	dma.local @!p0 [hbm:s6], $0xF7A  }
0x23: {  	s9 =	sor.u32 $0xD0000000, s2;
	s6 =	simm.s32 $0x108;
	_ =	swait.ge @!p0 [sflag:s8], $0x0  }
0x24: {  	s3 =	sadd.s32 $0x88, s3;
	s6 =	simm.s32 @!p1 $0x1082;
	[sflag:s4] =	ssyncset.s32 $0xFFFFF086  }
0x25: {  	[simem:s6], [sflag:s4] =	dma.local [hbm:s3], $0xF7A  }
0x26: {  	[smem:$0x3F92] =	sst s1;
	(tag) =	ssettag s2;
	_ =	strace s9  }
0x27: {  	s1 =	sld [smem:$0x3FA2]  }
0x28: {  	s2 =	sld [smem:$0x3FA3]  }
0x29: {  	s4 =	sld [smem:$0x3FA5]  }
0x2a: {  	p0 =	seq.s32 s5, $0x0;
	s5 =	sld [smem:$0x3FA6]  }
0x2b: {  	s6 =	sld [smem:$0x3FA7]  }
0x2c: {  	s7 =	sld [smem:$0x3FA8]  }
0x2d: {  	s3 =	simm.s32 $0x108;
	s8 =	sld [smem:$0x3FA9]  }
0x2e: {  	s3 =	simm.s32 @!p0 $0x1082;
	s9 =	sld [smem:$0x3FAA]  }
0x2f: {  	lr =	sadd.s32 s0, s3;
	s0 =	sld [smem:$0x3FA1]  }
0x30: {  	s3 =	sld [smem:$0x3FA4]  }
0x31: {  	[smem:$0x3FAD] =	sst s10  }
0x32: {  	s10 =	sld [smem:$0x3FAB];
	_ =	sdelay $0x3  }
0x33: {  	p0 =	seq.s32 s10, $0x1;
	s10 =	sld [smem:$0x3FAD];
	_ =	sdelay $0x3  }
0x34: {  	[smem:$0x3FAD] =	sst s10  }
0x35: {  	s10 =	sld [smem:$0x3FAC];
	_ =	sdelay $0x3  }
0x36: {  	p1 =	seq.s32 s10, $0x1;
	s10 =	sld [smem:$0x3FAD];
	_ =	sdelay $0x3  }
0x37: {  	[smem:$0x3FAD] =	sst s10  }
0x38: {  	s10 =	sld [smem:$0x3FAE]  }
0x39: {  	_ = 	snop;
	(pc) =	sbr.ind lr, $3  }
0x3a: {  	_ = 	snop  }
0x3b: {  	_ = 	snop  }
0x3c: {  	p2 =	seq.s32 s10, $0x1;
	s10 =	sld [smem:$0x3FAD]  }
0x3d: {  	_ =	shalt  }
0x3e: {  	_ =	shalt  }
0x3f: {  	_ =	shalt  }
0x40: {  	_ =	shalt  }
0x41: {  	_ =	shalt  }
0x42: {  	_ =	shalt  }
0x43: {  	_ =	shalt  }
0x44: {  	_ =	shalt  }
0x45: {  	_ =	shalt  }
0x46: {  	_ =	shalt  }
0x47: {  	_ =	shalt  }
0x48: {  	_ =	shalt  }
0x49: {  	_ =	shalt  }
0x4a: {  	_ =	shalt  }
0x4b: {  	_ =	shalt  }
0x4c: {  	_ =	shalt  }
0x4d: {  	_ =	shalt  }
0x4e: {  	_ =	shalt  }
0x4f: {  	_ =	shalt  }
0x50: {  	_ =	shalt  }
0x51: {  	_ =	shalt  }
0x52: {  	_ =	shalt  }
0x53: {  	_ =	shalt  }
0x54: {  	_ =	shalt  }
0x55: {  	_ =	shalt  }
0x56: {  	_ =	shalt  }
0x57: {  	_ =	shalt  }
0x58: {  	_ =	shalt  }
0x59: {  	_ =	shalt  }
0x5a: {  	_ =	shalt  }
0x5b: {  	_ =	shalt  }
0x5c: {  	_ =	shalt  }
0x5d: {  	_ =	shalt  }
0x5e: {  	_ =	shalt  }
0x5f: {  	_ =	shalt  }
0x60: {  	_ =	shalt  }
0x61: {  	_ =	shalt  }
0x62: {  	_ =	shalt  }
0x63: {  	_ =	shalt  }
0x64: {  	_ =	shalt  }
0x65: {  	_ =	shalt  }
0x66: {  	_ =	shalt  }
0x67: {  	_ =	shalt  }
0x68: {  	_ =	shalt  }
0x69: {  	_ =	shalt  }
0x6a: {  	_ =	shalt  }
0x6b: {  	_ =	shalt  }
0x6c: {  	_ =	shalt  }
0x6d: {  	_ =	shalt  }
0x6e: {  	_ =	shalt  }
0x6f: {  	_ =	shalt  }
0x70: {  	_ =	shalt  }
0x71: {  	_ =	shalt  }
0x72: {  	_ =	shalt  }
0x73: {  	_ =	shalt  }
0x74: {  	_ =	shalt  }
0x75: {  	_ =	shalt  }
0x76: {  	_ =	shalt  }
0x77: {  	_ =	shalt  }
0x78: {  	_ =	shalt  }
0x79: {  	_ =	shalt  }
0x7a: {  	_ =	shalt  }
0x7b: {  	_ =	shalt  }
0x7c: {  	_ =	shalt  }
0x7d: {  	_ =	shalt  }
0x7e: {  	_ =	shalt  }
0x7f: {  	_ =	shalt  }
0x80: {  	_ =	shalt  }
0x81: {  	_ =	shalt  }
0x82: {  	_ =	shalt  }
0x83: {  	_ =	shalt  }
0x84: {  	_ =	shalt  }
0x85: {  	_ =	shalt  }
0x86: {  	_ =	shalt  }
0x87: {  	_ =	shalt  }
.Lfunc_end0:
.L_simem_size_0:
called_computation_lowered:
.L_overlay_start_0:
0x88: {  	s2 =	sld [smem:$0x3FD9]  }
0x89: {  	s3 =	sld [smem:$0x3FFE];
	_ =	sdelay $0x1  }
0x8a: {  	s1 =	srdreg.scid  }
0x8b: {  	s0 =	sand.u32 $0x1, s1  }
0x8c: {  	s16 =	sshll.u32 s0, $0xA;
	s2 =	sadd.s32 s3, s2  }
0x8d: {  	s2 =	sadd.s32 s2, s16  }
0x8e: {  	[smem:$0x3FB9] =	sst s2  }
0x8f: {  	_ = 	snop  }
0x90: {  	(tm) =	ssettm $0x1  }
0x91: {  	s17 =	sld [smem:$0x3FFB];
	_ =	sdelay $0x3  }
0x92: {  	_ =	strace s17  }
0x93: {  	s2 =	sld [smem:$0x3FFC];
	_ =	sdelay $0x3  }
0x94: {  	_ =	strace s2  }
0x95: {  	s2 =	sld [smem:$0x3FFD];
	_ =	sdelay $0x3  }
0x96: {  	_ =	strace s2  }
0x97: {  	_ =	strace $0x8FFFFFFF  }
0x98: {  	s18 =	sld [smem:$0x3FDB];
	_ =	sdelay $0x1  }
0x99: {  	s19 =	simm.s32 $_scs_section_size  }
0x9a: {  	s4 =	simm.s32 $_size__tile_overlayer_lowered;
	s5 =	simm.s32 $_tile_overlayer_lowered  }
0x9b: {  	s22 =	simm.s32 $0x1BFF;
	s21 =	sshll.u32 s5, $0x1;
	s2 =	sadd.s32 s19, s18  }
0x9c: {  	s6 =	simm.s32 $0x0;
	s20 =	sshll.u32 s4, $0x1;
	s4 =	sadd.s32 s21, s2  }
0x9d: {  	[timem:s6], [sflag:s22] =	dma.local [hbm:s4], s20  }
0x9e: {  	_ =	swait.ge [sflag:s22], s20  }
0x9f: {  	s3 =	ssub.s32 $0x0, s20;
	[sflag:s22] =	ssyncset.done $0x0  }
0xa0: {  	[sflag:s22] =	ssyncadd.s32 s3;
	_ =	sdelay $0x1  }
0xa1: {  	s23 =	simm.s32 $0x1B8B  }
0xa2: {  	_ =	swait.ge [sflag:s23], $0x1  }
0xa3: {  	[sflag:s23] =	ssyncset.done $0x0  }
0xa4: {  	s25 =	simm.s32 $0x1B8E;
	s24 =	sld [smem:$0x3FFE];
	[sflag:s23] =	ssyncadd.s32 $0xFFFFFFFF  }
0xa5: {  	s26 =	simm.s32 $execute0_lowered;
	[smem:$0x3FD2] =	sst s25  }
0xa6: {  	s4 =	sshll.u32 s26, $0x1;
	_ =	strace $0x80000046;
	[dreg:$0x1] =	wrdreg $0xFFFFFFFF  }
0xa7: {  	s28 =	simm.s32 $_size_execute0_lowered;
	s2 =	sadd.s32 s2, s4;
	[dreg:$0x0] =	wrdreg $0x0  }
0xa8: {  	s4 =	sshll.u32 s28, $0x1;
	[dreg:$0x2] =	wrdreg s2  }
0xa9: {  	[dreg:$0x3] =	wrdreg s4  }
0xaa: {  	[dreg:$0x4] =	wrdreg $0xC0  }
0xab: {  	_ =	task [dreg:s6], $0x5FFFF  }
0xac: {  	[dreg:$0x1] =	wrdreg $0xFFFFFFFF  }
0xad: {  	[dreg:$0x0] =	wrdreg $0x60  }
0xae: {  	[dreg:$0x2] =	wrdreg s24  }
0xaf: {  	[dreg:$0x3] =	wrdreg $0xA8800  }
0xb0: {  	[dreg:$0x4] =	wrdreg $0x1E8800  }
0xb1: {  	[dreg:$0x5] =	wrdreg $0x9  }
0xb2: {  	_ =	task.clear_ibuf [dreg:s6], $0x6FFFF;
	_ =	strace $0x90000046  }
0xb3: {  	s29 =	simm.s32 $0x9;
	_ =	strace $0x80000048  }
0xb4: {  	_ =	swait.ge [sflag:s29], $0x1  }
0xb5: {  	[sflag:s29] =	ssyncadd.s32 $0xFFFFFFFF  }
0xb6: {  	_ =	strace $0x90000048  }
0xb7: {  	_ =	sfence  }
0xb8: {  	s30 =	sld [smem:$0x0];
	_ =	sdelay $0x2  }
0xb9: {  	s31 =	sshll.u32 s1, $0xD;
	s1 =	sshrl.u32 s1, $0x2  }
0xba: {  	s3 =	sand.u32 $0x4000, s31;
	s1 =	sadd.s32 s1, s30  }
0xbb: {  	s0 =	sor.u32 s3, s0;
	s1 =	sshll.u32 s1, $0x11  }
0xbc: {  	s0 =	sor.u32 s1, s0  }
0xbd: {  	s0 =	sadd.s32 $0x8F2B, s0  }
0xbe: {  	[sflag:s0] =	ssyncadd.remote.s32 $0x1  }
0xbf: {  	_ =	sfence.sel $0xFFFF  }
0xc0: {  	[dreg:$0x0] =	wrdreg $0xFFFFFFFF;
	(pc) =	sbr.abs _section_cstart, $3  }
0xc1: {  	[dreg:$0x1] =	wrdreg $0xFFFFFFFF  }
0xc2: {  	_ =	task.clear_ibuf [dreg:s6], $0x2FFFF;
	_ =	strace $0x9FFFFFFF  }
0xc3: {  	(tm) =	ssettm $0x7FFFFFFF  }
tec
execute0_lowered:
.L_overlay_start_1:
0x0: {  	(tag) =	ssettag $0x1  }
0x1: {  	s0 =	rddreg [dreg:$0x0]  }
0x2: {  	s1 =	rddreg [dreg:$0x1]  }
0x3: {  	s2 =	rddreg [dreg:$0x2]  }
0x4: {  	s3 =	srdreg.scid;
	s5 =	simm.s32 $0x0;
	s6 =	stileid.u32  }
0x5: {  	s19 =	simm.s32 $0x1400;
	s20 =	simm.s32 $0x80;
	s21 =	simm.s32 $0x2800  }
0x6: {  	s22 =	simm.s32 $0x1;
	s28 =	simm.s32 $0x2700;
	s29 =	simm.s32 $0x0  }
0x7: {  	s3 =	sand.u32 $0x1, s3;
	[smem:$0x7FF] =	sst s5;
	s7 =	smul.u32 $0x14000, s6  }
0x8: {  	s5 =	sadd.s32 $0x2800, s0;
	s11 =	sadd.s32 $0x55A00, s0;
	s9 =	smul.u32 $0x280, s6  }
0x9: {  	s12 =	sadd.s32 $0x50A00, s0;
	s8 =	sadd.s32 $0x5AA00, s0;
	s10 =	smul.u32 $0x50000, s6  }
0xa: {  	s23 =	sadd.s32 $0x5D200, s0;
	s15 =	smul.u32 $0x2800, s6;
	s26 =	sshll.u32 s6, $0x6  }
0xb: {  	s4 =	smul.u32 $0x140000, s3;
	_ =	strace $0x80000047;
	[dreg:$0x4] =	wrdreg s8  }
0xc: {  	[dreg:$0x5] =	wrdreg s23;
	s24 =	ssub.s32 $0x2, s3;
	s8 =	sor.u32 $0x1C03, s26  }
0xd: {  	p0 =	sne.s32 s3, $0x0;
	s23 =	simm.s32 $0x6800;
	s26 =	simm.s32 $0x1380  }
0xe: {  	s13 =	sshrl.u32 s9, $0x3;
	s14 =	sshrl.u32 s24, $0x1;
	s25 =	sshrl.u32 s10, $0x2  }
0xf: {  	s30 =	sshrl.u32 s15, $0x3;
	s18 =	sadd.s32 s9, s2;
	s4 =	sadd.s32 s7, s4  }
0x10: {  	s16 =	ssub.s32 s24, s14;
	s17 =	sadd.s32 s25, s1;
	s31 =	sadd.s32 $0x280, s30  }
0x11: {  	s9 =	sadd.s32 s11, s30;
	s10 =	sadd.s32 s12, s30;
	s18 =	sshrl.u32 @!p0 s18, $0x3  }
0x12: {  	s24 =	simm.s32 $0x4;
	s25 =	simm.s32 $0x2;
	s4 =	sshrl.u32 s4, $0x3  }
0x13: {  	s11 =	sadd.s32 s11, s31;
	s12 =	sadd.s32 s12, s31;
	s15 =	smax.u32 s16, $0x1  }
0x14: {  	s16 =	sshrl.u32 s17, $0x3;
	s4 =	sadd.s32 s4, s0;
	s0 =	sadd.s32 s13, s0  }
0x15: {  	v1 =	vimm.f32 $1.000000000e+00;
	v0 =	vmov s3;
	s17 =	simm.s32 $0x3;
	s13 =	sadd.s32 $0x5DA00, s4;
	s14 =	sadd.s32 $0x5D400, s0  }
.LBB2_1:
0x16: {  	[tilespmem:$0xA800] =	vst v1  }
0x17: {  	[tilespmem:$0xA810] =	vst v1  }
0x18: {  	[tilespmem:$0xA820] =	vst v1  }
0x19: {  	[tilespmem:$0xA830] =	vst v1  }
0x1a: {  	[tilespmem:$0xA840] =	vst v1  }
0x1b: {  	[tilespmem:$0xA850] =	vst v1  }
0x1c: {  	[tilespmem:$0xA860] =	vst v1  }
0x1d: {  	[tilespmem:$0xA870] =	vst v1;
	s0 =	rddreg [dreg:$0x4]  }
0x1e: {  	[spmem:s16], [sflag:s8] =	dma.local [hbm:s0], $0x2800  }
0x1f: {  	_ =	swait.ge [sflag:s17], $0x2800  }
0x20: {  	[sflag:s17] =	ssyncset.done $0x0  }
0x21: {  	s0 =	rddreg [dreg:$0x5];
	[sflag:s17] =	ssyncadd.s32 $0xFFFFD800  }
0x22: {  	[spmem:s18], [sflag:s8] =	dma.local @!p0 [hbm:s0], $0x50  }
0x23: {  	s0 =	simm.s32 @!p0 $0x3  }
0x24: {  	_ =	swait.ge @!p0 [sflag:s0], $0x50  }
0x25: {  	[sflag:s0] =	ssyncset.done @!p0 $0x0  }
0x26: {  	[sflag:s0] =	ssyncadd.s32 @!p0 $0xFFFFFFB0  }
0x27: {  	s31 =	simm.s32 $0x0;
	[bflag:$0x0] =	sbarrier.arrive $0xFFFF  }
0x28: {  	[tilespmem:s31], [sflag:$0x3] =	stream.linear.gather [hbm4b:s9+s31], $0x1400, $0x38;
	[tilespmem:$0x1EB00] =	vst v63  }
0x29: {  	_ =	swait.ge [sflag:s17], $0x1400  }
0x2a: {  	[sflag:s17] =	ssyncset.done $0x0  }
0x2b: {  	[sflag:s17] =	ssyncadd.s32 $0xFFFFEC00  }
0x2c: {  	[tilespmem:s19], [sflag:$0x3] =	stream.linear.gather [hbm4b:s10+s31], $0x1400, $0x38;
	[tilespmem:$0x1EB00] =	vst v63  }
0x2d: {  	_ =	swait.ge [sflag:s17], $0x1400  }
0x2e: {  	[sflag:s17] =	ssyncset.done $0x0  }
0x2f: {  	s0 =	simm.s32 $0x0;
	[sflag:s17] =	ssyncadd.s32 $0xFFFFEC00  }
0x30: {  	v3 =	vld [tilespmem:s0+$0x0]  }
0x31: {  	v4 =	vld [tilespmem:s0+$0x10]  }
0x32: {  	v6 =	vld [tilespmem:s0+$0x20]  }
0x33: {  	v5 =	vld [tilespmem:s0+$0x30]  }
0x34: {  	v2 =	vld [tilespmem:s0+$0x40]  }
0x35: {  	v7 =	vshll.u32 v3, $0x1;
	v3 =	vld [tilespmem:s0+$0x50]  }
0x36: {  	s3 =	simm.s32 $0x200;
	v8 =	vshll.u32 v4, $0x1;
	v4 =	vld [tilespmem:s0+$0x60];
	v7 =	vor.u32 v0, v7  }
.LBB2_2:
0x37: {  	s4 =	sshra.s32 s3, $0x2;
	p1 =	sne.s32 s3, $0x4E00;
	[tilespmem:s0+$0x0] =	vst v7;
	v7 =	vor.u32 v0, v8;
	v6 =	vshll.u32 v6, $0x1;
	v8 =	vld [tilespmem:s0+$0x70]  }
0x38: {  	v9 =	vld [tilespmem:s4+$0x0];
	[tilespmem:s0+$0x10] =	vst v7;
	v6 =	vor.u32 v0, v6;
	v5 =	vshll.u32 v5, $0x1  }
0x39: {  	v10 =	vld [tilespmem:s4+$0x10];
	[tilespmem:s0+$0x20] =	vst v6;
	v5 =	vor.u32 v0, v5;
	v2 =	vshll.u32 v2, $0x1  }
.Ltmp0:
0x3a: {  	v6 =	vld [tilespmem:s4+$0x20];
	[tilespmem:s0+$0x30] =	vst v5;
	v2 =	vor.u32 v0, v2;
	v3 =	vshll.u32 v3, $0x1;
	(pc) =	sbr.rel @p1 .LBB2_2-.Ltmp0, $4  }
0x3b: {  	v5 =	vld [tilespmem:s4+$0x30];
	[tilespmem:s0+$0x40] =	vst v2;
	v3 =	vor.u32 v0, v3;
	v4 =	vshll.u32 v4, $0x1  }
0x3c: {  	v2 =	vld [tilespmem:s4+$0x40];
	[tilespmem:s0+$0x50] =	vst v3;
	v4 =	vor.u32 v0, v4;
	v7 =	vshll.u32 v8, $0x1  }
0x3d: {  	v8 =	vshll.u32 v9, $0x1;
	v3 =	vld [tilespmem:s4+$0x50];
	[tilespmem:s0+$0x60] =	vst v4;
	v9 =	vor.u32 v0, v7  }
0x3e: {  	s3 =	sadd.s32 $0x200, s3;
	v7 =	vor.u32 v0, v8;
	v8 =	vshll.u32 v10, $0x1;
	v4 =	vld [tilespmem:s4+$0x60];
	[tilespmem:s0+$0x70] =	vst v9;
	s0 =	smov.u32 s4  }
0x3f: {  	[tilespmem:s0+$0x0] =	vst v7;
	v62 =	vor.u32 v0, v8;
	v6 =	vshll.u32 v6, $0x1;
	v63 =	vld [tilespmem:s0+$0x70]  }
0x40: {  	[tilespmem:s0+$0x10] =	vst v62;
	v6 =	vor.u32 v0, v6;
	v5 =	vshll.u32 v5, $0x1  }
0x41: {  	[tilespmem:s0+$0x20] =	vst v6;
	v5 =	vor.u32 v0, v5;
	v2 =	vshll.u32 v2, $0x1  }
0x42: {  	[tilespmem:s0+$0x30] =	vst v5;
	v2 =	vor.u32 v0, v2;
	v3 =	vshll.u32 v3, $0x1  }
0x43: {  	[tilespmem:s0+$0x40] =	vst v2;
	v2 =	vor.u32 v0, v3;
	v3 =	vshll.u32 v4, $0x1  }
0x44: {  	[tilespmem:s0+$0x50] =	vst v2;
	v2 =	vor.u32 v0, v3;
	v3 =	vshll.u32 v63, $0x1  }
0x45: {  	[tilespmem:s0+$0x60] =	vst v2;
	v2 =	vor.u32 v0, v3  }
0x46: {  	s4 =	simm.s32 $0x0;
	[tilespmem:s0+$0x70] =	vst v2  }
0x47: {  	[tilespmem:s21], [sflag:$0x1] =	stream.indirect.gather [hbm4b:s5+s20], $0x80, s4, s20, $0xb8;
	[tilespmem:$0x1EB00] =	vst v63  }
0x48: {  	_ =	swait.ge [sflag:s22], $0x4000  }
0x49: {  	[sflag:s22] =	ssyncset.done $0x0  }
0x4a: {  	s6 =	simm.s32 $0x80;
	[sflag:s22] =	ssyncadd.s32 $0xFFFFC000  }
0x4b: {  	[tilespmem:s23], [sflag:$0x2] =	stream.indirect.gather [hbm4b:s5+s20], $0x80, s6, s20, $0xb8;
	[tilespmem:$0x1EB00] =	vst v63  }
0x4c: {  	s3 =	simm.s32 $0x1400  }
0x4d: {  	[spmem:s1] =	stream.indirect.scatter.add.f32 [tilespmem:s21], [sflag:$0x4], $0x80, s3, s20, $0xb8;
	[tilespmem:$0x1EB00] =	vst v63  }
0x4e: {  	_ =	swait.ge [sflag:s24], $0x4000  }
0x4f: {  	s30 =	simm.s32 @!p0 $0x4;
	[sflag:s24] =	ssyncset.done $0x0  }
0x50: {  	s31 =	simm.s32 @!p0 $0x80;
	s0 =	simm.s32 @!p0 $0xA800;
	[sflag:s24] =	ssyncadd.s32 $0xFFFFC000  }
0x51: {  	[spmem:s2] =	stream.indirect.scatter.add.f32 @!p0 [tilespmem:s0], [sflag:$0x4], $0x1, s3, s31, $0xb8;
	[tilespmem:$0x1EB00] =	vst v63  }
0x52: {  	_ =	swait.ge @!p0 [sflag:s30], $0x80  }
0x53: {  	[sflag:s30] =	ssyncset.done @!p0 $0x0  }
0x54: {  	[sflag:s30] =	ssyncadd.s32 @!p0 $0xFFFFFF80  }
0x55: {  	_ =	swait.ge [sflag:s25], $0x4000  }
0x56: {  	[sflag:s25] =	ssyncset.done $0x0  }
0x57: {  	s7 =	simm.s32 $0x100;
	[sflag:s25] =	ssyncadd.s32 $0xFFFFC000  }
0x58: {  	[tilespmem:s21], [sflag:$0x1] =	stream.indirect.gather [hbm4b:s5+s20], $0x80, s7, s20, $0xb8;
	[tilespmem:$0x1EB00] =	vst v63  }
0x59: {  	s4 =	simm.s32 $0x1480  }
0x5a: {  	[spmem:s1] =	stream.indirect.scatter.add.f32 [tilespmem:s23], [sflag:$0x4], $0x80, s4, s20, $0xb8;
	[tilespmem:$0x1EB00] =	vst v63  }
0x5b: {  	_ =	swait.ge [sflag:s24], $0x4000  }
0x5c: {  	[sflag:s24] =	ssyncset.done $0x0  }
0x5d: {  	s3 =	simm.s32 @!p0 $0x3;
	[sflag:s24] =	ssyncadd.s32 $0xFFFFC000  }
0x5e: {  	[spmem:s2] =	stream.indirect.scatter.add.f32 @!p0 [tilespmem:s0], [sflag:$0x3], $0x1, s4, s31, $0xb8;
	[tilespmem:$0x1EB00] =	vst v63  }
0x5f: {  	_ =	swait.ge @!p0 [sflag:s3], $0x80  }
0x60: {  	s4 =	simm.s32 $0x400;
	[sflag:s3] =	ssyncset.done @!p0 $0x0  }
.LBB2_4:
0x61: {  	[sflag:s3] =	ssyncadd.s32 @!p0 $0xFFFFFF80;
	s6 =	smov.u32 s4;
	s4 =	sadd.s32 $0x400, s4  }
0x62: {  	_ =	swait.ge [sflag:s22], $0x4000;
	p1 =	sne.s32 s4, $0x4C00  }
0x63: {  	s6 =	sshra.s32 s6, $0x2;
	[sflag:s22] =	ssyncset.done $0x0  }
0x64: {  	s7 =	sadd.s32 $0x80, s6;
	[sflag:s22] =	ssyncadd.s32 $0xFFFFC000  }
0x65: {  	[tilespmem:s23], [sflag:$0x2] =	stream.indirect.gather [hbm4b:s5+s20], $0x80, s7, s20, $0xb8;
	[tilespmem:$0x1EB00] =	vst v63  }
0x66: {  	s7 =	sadd.s32 $0x1400, s6  }
0x67: {  	[spmem:s1] =	stream.indirect.scatter.add.f32 [tilespmem:s21], [sflag:$0x4], $0x80, s7, s20, $0xb8;
	[tilespmem:$0x1EB00] =	vst v63  }
0x68: {  	_ =	swait.ge [sflag:s24], $0x4000  }
0x69: {  	[sflag:s24] =	ssyncset.done $0x0  }
0x6a: {  	[sflag:s24] =	ssyncadd.s32 $0xFFFFC000  }
0x6b: {  	[spmem:s2] =	stream.indirect.scatter.add.f32 @!p0 [tilespmem:s0], [sflag:$0x4], $0x1, s7, s31, $0xb8;
	[tilespmem:$0x1EB00] =	vst v63  }
0x6c: {  	_ =	swait.ge @!p0 [sflag:s30], $0x80  }
0x6d: {  	[sflag:s30] =	ssyncset.done @!p0 $0x0  }
0x6e: {  	[sflag:s30] =	ssyncadd.s32 @!p0 $0xFFFFFF80  }
0x6f: {  	_ =	swait.ge [sflag:s25], $0x4000  }
0x70: {  	[sflag:s25] =	ssyncset.done $0x0  }
0x71: {  	s7 =	sadd.s32 $0x100, s6;
	[sflag:s25] =	ssyncadd.s32 $0xFFFFC000  }
0x72: {  	[tilespmem:s21], [sflag:$0x1] =	stream.indirect.gather [hbm4b:s5+s20], $0x80, s7, s20, $0xb8;
	[tilespmem:$0x1EB00] =	vst v63  }
0x73: {  	s6 =	sadd.s32 $0x1480, s6  }
0x74: {  	[spmem:s1] =	stream.indirect.scatter.add.f32 [tilespmem:s23], [sflag:$0x4], $0x80, s6, s20, $0xb8;
	[tilespmem:$0x1EB00] =	vst v63  }
0x75: {  	_ =	swait.ge [sflag:s24], $0x4000  }
.Ltmp1:
0x76: {  	[sflag:s24] =	ssyncset.done $0x0;
	(pc) =	sbr.rel @p1 .LBB2_4-.Ltmp1, $4  }
0x77: {  	[sflag:s24] =	ssyncadd.s32 $0xFFFFC000  }
0x78: {  	[spmem:s2] =	stream.indirect.scatter.add.f32 @!p0 [tilespmem:s0], [sflag:$0x3], $0x1, s6, s31, $0xb8;
	[tilespmem:$0x1EB00] =	vst v63  }
0x79: {  	_ =	swait.ge @!p0 [sflag:s3], $0x80  }
0x7a: {  	[sflag:s3] =	ssyncset.done @!p0 $0x0  }
0x7b: {  	[sflag:s3] =	ssyncadd.s32 @!p0 $0xFFFFFF80  }
0x7c: {  	_ =	swait.ge [sflag:s22], $0x4000  }
0x7d: {  	[sflag:s22] =	ssyncset.done $0x0  }
0x7e: {  	[sflag:s22] =	ssyncadd.s32 $0xFFFFC000  }
0x7f: {  	[tilespmem:s23], [sflag:$0x2] =	stream.indirect.gather [hbm4b:s5+s20], $0x80, s26, s20, $0xb8;
	[tilespmem:$0x1EB00] =	vst v63  }
0x80: {  	_ = 	snop  }
0x81: {  	[spmem:s1] =	stream.indirect.scatter.add.f32 [tilespmem:s21], [sflag:$0x4], $0x80, s28, s20, $0xb8;
	[tilespmem:$0x1EB00] =	vst v63  }
0x82: {  	_ =	swait.ge [sflag:s24], $0x4000  }
0x83: {  	[sflag:s24] =	ssyncset.done $0x0  }
0x84: {  	s4 =	simm.s32 @p0 $0x2;
	[sflag:s24] =	ssyncadd.s32 $0xFFFFC000  }
0x85: {  	_ =	swait.ge @p0 [sflag:s4], $0x4000  }
0x86: {  	s6 =	simm.s32 @p0 $0x2780;
	[sflag:s4] =	ssyncset.done @p0 $0x0  }
0x87: {  	s7 =	simm.s32 @p0 $0x6800;
	[sflag:s4] =	ssyncadd.s32 @p0 $0xFFFFC000;
	s4 =	simm.s32 @p0 $0x80  }
0x88: {  	[spmem:s1] =	stream.indirect.scatter.add.f32 @p0 [tilespmem:s7], [sflag:$0x4], $0x80, s6, s4, $0xb8;
	[tilespmem:$0x1EB00] =	vst v63  }
0x89: {  	s4 =	simm.s32 @p0 $0x4  }
0x8a: {  	_ =	swait.ge @p0 [sflag:s4], $0x4000  }
0x8b: {  	[sflag:s4] =	ssyncset.done @p0 $0x0  }
0x8c: {  	[sflag:s4] =	ssyncadd.s32 @p0 $0xFFFFC000;
	s4 =	simm.s32 @!p0 $0x2700  }
0x8d: {  	[spmem:s2] =	stream.indirect.scatter.add.f32 @!p0 [tilespmem:s0], [sflag:$0x4], $0x1, s4, s31, $0xb8;
	[tilespmem:$0x1EB00] =	vst v63  }
0x8e: {  	_ =	swait.ge @!p0 [sflag:s30], $0x80  }
0x8f: {  	[sflag:s30] =	ssyncset.done @!p0 $0x0  }
0x90: {  	s4 =	simm.s32 @!p0 $0x2;
	[sflag:s30] =	ssyncadd.s32 @!p0 $0xFFFFFF80  }
0x91: {  	_ =	swait.ge @!p0 [sflag:s4], $0x4000  }
0x92: {  	[sflag:s4] =	ssyncset.done @!p0 $0x0  }
0x93: {  	s6 =	simm.s32 @!p0 $0x6800;
	[sflag:s4] =	ssyncadd.s32 @!p0 $0xFFFFC000;
	s4 =	simm.s32 @!p0 $0x2780  }
0x94: {  	[spmem:s1] =	stream.indirect.scatter.add.f32 @!p0 [tilespmem:s6], [sflag:$0x4], $0x80, s4, s31, $0xb8;
	[tilespmem:$0x1EB00] =	vst v63  }
0x95: {  	_ =	swait.ge @!p0 [sflag:s30], $0x4000  }
0x96: {  	[sflag:s30] =	ssyncset.done @!p0 $0x0  }
0x97: {  	[sflag:s30] =	ssyncadd.s32 @!p0 $0xFFFFC000  }
0x98: {  	[spmem:s2] =	stream.indirect.scatter.add.f32 @!p0 [tilespmem:s0], [sflag:$0x3], $0x1, s4, s31, $0xb8;
	[tilespmem:$0x1EB00] =	vst v63  }
0x99: {  	_ =	swait.ge @!p0 [sflag:s3], $0x80  }
0x9a: {  	[sflag:s3] =	ssyncset.done @!p0 $0x0  }
0x9b: {  	s31 =	simm.s32 $0x0;
	[sflag:s3] =	ssyncadd.s32 @!p0 $0xFFFFFF80  }
0x9c: {  	[tilespmem:s31], [sflag:$0x3] =	stream.linear.gather [hbm4b:s11+s31], $0x1400, $0x38;
	[tilespmem:$0x1EB00] =	vst v63  }
0x9d: {  	_ =	swait.ge [sflag:s17], $0x1400  }
0x9e: {  	[sflag:s17] =	ssyncset.done $0x0  }
0x9f: {  	[sflag:s17] =	ssyncadd.s32 $0xFFFFEC00  }
0xa0: {  	[tilespmem:s19], [sflag:$0x3] =	stream.linear.gather [hbm4b:s12+s31], $0x1400, $0x38;
	[tilespmem:$0x1EB00] =	vst v63  }
0xa1: {  	_ =	swait.ge [sflag:s17], $0x1400  }
0xa2: {  	[sflag:s17] =	ssyncset.done $0x0  }
0xa3: {  	s0 =	simm.s32 $0x0;
	[sflag:s17] =	ssyncadd.s32 $0xFFFFEC00  }
0xa4: {  	v3 =	vld [tilespmem:s0+$0x0]  }
0xa5: {  	v4 =	vld [tilespmem:s0+$0x10]  }
0xa6: {  	v6 =	vld [tilespmem:s0+$0x20]  }
0xa7: {  	v5 =	vld [tilespmem:s0+$0x30]  }
0xa8: {  	v2 =	vld [tilespmem:s0+$0x40]  }
0xa9: {  	v7 =	vshll.u32 v3, $0x1;
	v3 =	vld [tilespmem:s0+$0x50]  }
0xaa: {  	s3 =	simm.s32 $0x200;
	v8 =	vshll.u32 v4, $0x1;
	v4 =	vld [tilespmem:s0+$0x60];
	v7 =	vor.u32 v0, v7  }
.LBB2_6:
0xab: {  	s4 =	sshra.s32 s3, $0x2;
	p1 =	sne.s32 s3, $0x4E00;
	[tilespmem:s0+$0x0] =	vst v7;
	v7 =	vor.u32 v0, v8;
	v6 =	vshll.u32 v6, $0x1;
	v8 =	vld [tilespmem:s0+$0x70]  }
0xac: {  	v9 =	vld [tilespmem:s4+$0x0];
	[tilespmem:s0+$0x10] =	vst v7;
	v6 =	vor.u32 v0, v6;
	v5 =	vshll.u32 v5, $0x1  }
0xad: {  	v10 =	vld [tilespmem:s4+$0x10];
	[tilespmem:s0+$0x20] =	vst v6;
	v5 =	vor.u32 v0, v5;
	v2 =	vshll.u32 v2, $0x1  }
.Ltmp2:
0xae: {  	v6 =	vld [tilespmem:s4+$0x20];
	[tilespmem:s0+$0x30] =	vst v5;
	v2 =	vor.u32 v0, v2;
	v3 =	vshll.u32 v3, $0x1;
	(pc) =	sbr.rel @p1 .LBB2_6-.Ltmp2, $4  }
0xaf: {  	v5 =	vld [tilespmem:s4+$0x30];
	[tilespmem:s0+$0x40] =	vst v2;
	v3 =	vor.u32 v0, v3;
	v4 =	vshll.u32 v4, $0x1  }
0xb0: {  	v2 =	vld [tilespmem:s4+$0x40];
	[tilespmem:s0+$0x50] =	vst v3;
	v4 =	vor.u32 v0, v4;
	v7 =	vshll.u32 v8, $0x1  }
0xb1: {  	v8 =	vshll.u32 v9, $0x1;
	v3 =	vld [tilespmem:s4+$0x50];
	[tilespmem:s0+$0x60] =	vst v4;
	v9 =	vor.u32 v0, v7  }
0xb2: {  	s3 =	sadd.s32 $0x200, s3;
	v7 =	vor.u32 v0, v8;
	v8 =	vshll.u32 v10, $0x1;
	v4 =	vld [tilespmem:s4+$0x60];
	[tilespmem:s0+$0x70] =	vst v9;
	s0 =	smov.u32 s4  }
0xb3: {  	[tilespmem:s0+$0x0] =	vst v7;
	v62 =	vor.u32 v0, v8;
	v6 =	vshll.u32 v6, $0x1;
	v63 =	vld [tilespmem:s0+$0x70]  }
0xb4: {  	[tilespmem:s0+$0x10] =	vst v62;
	v6 =	vor.u32 v0, v6;
	v5 =	vshll.u32 v5, $0x1  }
0xb5: {  	[tilespmem:s0+$0x20] =	vst v6;
	v5 =	vor.u32 v0, v5;
	v2 =	vshll.u32 v2, $0x1  }
0xb6: {  	[tilespmem:s0+$0x30] =	vst v5;
	v2 =	vor.u32 v0, v2;
	v3 =	vshll.u32 v3, $0x1  }
0xb7: {  	[tilespmem:s0+$0x40] =	vst v2;
	v2 =	vor.u32 v0, v3;
	v3 =	vshll.u32 v4, $0x1  }
0xb8: {  	[tilespmem:s0+$0x50] =	vst v2;
	v2 =	vor.u32 v0, v3;
	v3 =	vshll.u32 v63, $0x1  }
0xb9: {  	[tilespmem:s0+$0x60] =	vst v2;
	v2 =	vor.u32 v0, v3  }
0xba: {  	s4 =	simm.s32 $0x0;
	[tilespmem:s0+$0x70] =	vst v2  }
0xbb: {  	[tilespmem:s21], [sflag:$0x1] =	stream.indirect.gather [hbm4b:s5+s20], $0x80, s4, s20, $0xb8;
	[tilespmem:$0x1EB00] =	vst v63  }
0xbc: {  	_ =	swait.ge [sflag:s22], $0x4000  }
0xbd: {  	[sflag:s22] =	ssyncset.done $0x0  }
0xbe: {  	s6 =	simm.s32 $0x80;
	[sflag:s22] =	ssyncadd.s32 $0xFFFFC000  }
0xbf: {  	[tilespmem:s23], [sflag:$0x2] =	stream.indirect.gather [hbm4b:s5+s20], $0x80, s6, s20, $0xb8;
	[tilespmem:$0x1EB00] =	vst v63  }
0xc0: {  	s3 =	simm.s32 $0x1400  }
0xc1: {  	[spmem:s1] =	stream.indirect.scatter.add.f32 [tilespmem:s21], [sflag:$0x4], $0x80, s3, s20, $0xb8;
	[tilespmem:$0x1EB00] =	vst v63  }
0xc2: {  	_ =	swait.ge [sflag:s24], $0x4000  }
0xc3: {  	s30 =	simm.s32 @!p0 $0x4;
	[sflag:s24] =	ssyncset.done $0x0  }
0xc4: {  	s31 =	simm.s32 @!p0 $0x80;
	s0 =	simm.s32 @!p0 $0xA800;
	[sflag:s24] =	ssyncadd.s32 $0xFFFFC000  }
0xc5: {  	[spmem:s2] =	stream.indirect.scatter.add.f32 @!p0 [tilespmem:s0], [sflag:$0x4], $0x1, s3, s31, $0xb8;
	[tilespmem:$0x1EB00] =	vst v63  }
0xc6: {  	_ =	swait.ge @!p0 [sflag:s30], $0x80  }
0xc7: {  	[sflag:s30] =	ssyncset.done @!p0 $0x0  }
0xc8: {  	[sflag:s30] =	ssyncadd.s32 @!p0 $0xFFFFFF80  }
0xc9: {  	_ =	swait.ge [sflag:s25], $0x4000  }
0xca: {  	[sflag:s25] =	ssyncset.done $0x0  }
0xcb: {  	s7 =	simm.s32 $0x100;
	[sflag:s25] =	ssyncadd.s32 $0xFFFFC000  }
0xcc: {  	[tilespmem:s21], [sflag:$0x1] =	stream.indirect.gather [hbm4b:s5+s20], $0x80, s7, s20, $0xb8;
	[tilespmem:$0x1EB00] =	vst v63  }
0xcd: {  	s4 =	simm.s32 $0x1480  }
0xce: {  	[spmem:s1] =	stream.indirect.scatter.add.f32 [tilespmem:s23], [sflag:$0x4], $0x80, s4, s20, $0xb8;
	[tilespmem:$0x1EB00] =	vst v63  }
0xcf: {  	_ =	swait.ge [sflag:s24], $0x4000  }
0xd0: {  	[sflag:s24] =	ssyncset.done $0x0  }
0xd1: {  	s3 =	simm.s32 @!p0 $0x3;
	[sflag:s24] =	ssyncadd.s32 $0xFFFFC000  }
0xd2: {  	[spmem:s2] =	stream.indirect.scatter.add.f32 @!p0 [tilespmem:s0], [sflag:$0x3], $0x1, s4, s31, $0xb8;
	[tilespmem:$0x1EB00] =	vst v63  }
0xd3: {  	_ =	swait.ge @!p0 [sflag:s3], $0x80  }
0xd4: {  	s4 =	simm.s32 $0x400;
	[sflag:s3] =	ssyncset.done @!p0 $0x0  }
.LBB2_8:
0xd5: {  	[sflag:s3] =	ssyncadd.s32 @!p0 $0xFFFFFF80;
	s6 =	smov.u32 s4;
	s4 =	sadd.s32 $0x400, s4  }
0xd6: {  	_ =	swait.ge [sflag:s22], $0x4000;
	p1 =	sne.s32 s4, $0x4C00  }
0xd7: {  	s6 =	sshra.s32 s6, $0x2;
	[sflag:s22] =	ssyncset.done $0x0  }
0xd8: {  	s7 =	sadd.s32 $0x80, s6;
	[sflag:s22] =	ssyncadd.s32 $0xFFFFC000  }
0xd9: {  	[tilespmem:s23], [sflag:$0x2] =	stream.indirect.gather [hbm4b:s5+s20], $0x80, s7, s20, $0xb8;
	[tilespmem:$0x1EB00] =	vst v63  }
0xda: {  	s7 =	sadd.s32 $0x1400, s6  }
0xdb: {  	[spmem:s1] =	stream.indirect.scatter.add.f32 [tilespmem:s21], [sflag:$0x4], $0x80, s7, s20, $0xb8;
	[tilespmem:$0x1EB00] =	vst v63  }
0xdc: {  	_ =	swait.ge [sflag:s24], $0x4000  }
0xdd: {  	[sflag:s24] =	ssyncset.done $0x0  }
0xde: {  	[sflag:s24] =	ssyncadd.s32 $0xFFFFC000  }
0xdf: {  	[spmem:s2] =	stream.indirect.scatter.add.f32 @!p0 [tilespmem:s0], [sflag:$0x4], $0x1, s7, s31, $0xb8;
	[tilespmem:$0x1EB00] =	vst v63  }
0xe0: {  	_ =	swait.ge @!p0 [sflag:s30], $0x80  }
0xe1: {  	[sflag:s30] =	ssyncset.done @!p0 $0x0  }
0xe2: {  	[sflag:s30] =	ssyncadd.s32 @!p0 $0xFFFFFF80  }
0xe3: {  	_ =	swait.ge [sflag:s25], $0x4000  }
0xe4: {  	[sflag:s25] =	ssyncset.done $0x0  }
0xe5: {  	s7 =	sadd.s32 $0x100, s6;
	[sflag:s25] =	ssyncadd.s32 $0xFFFFC000  }
0xe6: {  	[tilespmem:s21], [sflag:$0x1] =	stream.indirect.gather [hbm4b:s5+s20], $0x80, s7, s20, $0xb8;
	[tilespmem:$0x1EB00] =	vst v63  }
0xe7: {  	s6 =	sadd.s32 $0x1480, s6  }
0xe8: {  	[spmem:s1] =	stream.indirect.scatter.add.f32 [tilespmem:s23], [sflag:$0x4], $0x80, s6, s20, $0xb8;
	[tilespmem:$0x1EB00] =	vst v63  }
0xe9: {  	_ =	swait.ge [sflag:s24], $0x4000  }
.Ltmp3:
0xea: {  	[sflag:s24] =	ssyncset.done $0x0;
	(pc) =	sbr.rel @p1 .LBB2_8-.Ltmp3, $4  }
0xeb: {  	[sflag:s24] =	ssyncadd.s32 $0xFFFFC000  }
0xec: {  	[spmem:s2] =	stream.indirect.scatter.add.f32 @!p0 [tilespmem:s0], [sflag:$0x3], $0x1, s6, s31, $0xb8;
	[tilespmem:$0x1EB00] =	vst v63  }
0xed: {  	_ =	swait.ge @!p0 [sflag:s3], $0x80  }
0xee: {  	[sflag:s3] =	ssyncset.done @!p0 $0x0  }
0xef: {  	[sflag:s3] =	ssyncadd.s32 @!p0 $0xFFFFFF80  }
0xf0: {  	_ =	swait.ge [sflag:s22], $0x4000  }
0xf1: {  	[sflag:s22] =	ssyncset.done $0x0  }
0xf2: {  	[sflag:s22] =	ssyncadd.s32 $0xFFFFC000  }
0xf3: {  	[tilespmem:s23], [sflag:$0x2] =	stream.indirect.gather [hbm4b:s5+s20], $0x80, s26, s20, $0xb8;
	[tilespmem:$0x1EB00] =	vst v63  }
0xf4: {  	_ = 	snop  }
0xf5: {  	[spmem:s1] =	stream.indirect.scatter.add.f32 [tilespmem:s21], [sflag:$0x4], $0x80, s28, s20, $0xb8;
	[tilespmem:$0x1EB00] =	vst v63  }
0xf6: {  	_ =	swait.ge [sflag:s24], $0x4000  }
0xf7: {  	[sflag:s24] =	ssyncset.done $0x0  }
0xf8: {  	s4 =	simm.s32 @p0 $0x2;
	[sflag:s24] =	ssyncadd.s32 $0xFFFFC000  }
0xf9: {  	_ =	swait.ge @p0 [sflag:s4], $0x4000  }
0xfa: {  	s6 =	simm.s32 @p0 $0x2780;
	[sflag:s4] =	ssyncset.done @p0 $0x0  }
0xfb: {  	s7 =	simm.s32 @p0 $0x6800;
	[sflag:s4] =	ssyncadd.s32 @p0 $0xFFFFC000;
	s4 =	simm.s32 @p0 $0x80  }
0xfc: {  	[spmem:s1] =	stream.indirect.scatter.add.f32 @p0 [tilespmem:s7], [sflag:$0x4], $0x80, s6, s4, $0xb8;
	[tilespmem:$0x1EB00] =	vst v63  }
0xfd: {  	s4 =	simm.s32 @p0 $0x4  }
0xfe: {  	_ =	swait.ge @p0 [sflag:s4], $0x4000  }
0xff: {  	[sflag:s4] =	ssyncset.done @p0 $0x0  }
0x100: {  	[sflag:s4] =	ssyncadd.s32 @p0 $0xFFFFC000;
	s4 =	simm.s32 @!p0 $0x2700  }
0x101: {  	[spmem:s2] =	stream.indirect.scatter.add.f32 @!p0 [tilespmem:s0], [sflag:$0x4], $0x1, s4, s31, $0xb8;
	[tilespmem:$0x1EB00] =	vst v63  }
0x102: {  	_ =	swait.ge @!p0 [sflag:s30], $0x80  }
0x103: {  	[sflag:s30] =	ssyncset.done @!p0 $0x0  }
0x104: {  	s4 =	simm.s32 @!p0 $0x2;
	[sflag:s30] =	ssyncadd.s32 @!p0 $0xFFFFFF80  }
0x105: {  	_ =	swait.ge @!p0 [sflag:s4], $0x4000  }
0x106: {  	[sflag:s4] =	ssyncset.done @!p0 $0x0  }
0x107: {  	s6 =	simm.s32 @!p0 $0x6800;
	[sflag:s4] =	ssyncadd.s32 @!p0 $0xFFFFC000;
	s4 =	simm.s32 @!p0 $0x2780  }
0x108: {  	[spmem:s1] =	stream.indirect.scatter.add.f32 @!p0 [tilespmem:s6], [sflag:$0x4], $0x80, s4, s31, $0xb8;
	[tilespmem:$0x1EB00] =	vst v63  }
0x109: {  	_ =	swait.ge @!p0 [sflag:s30], $0x4000  }
0x10a: {  	[sflag:s30] =	ssyncset.done @!p0 $0x0  }
0x10b: {  	[sflag:s30] =	ssyncadd.s32 @!p0 $0xFFFFC000  }
0x10c: {  	[spmem:s2] =	stream.indirect.scatter.add.f32 @!p0 [tilespmem:s0], [sflag:$0x3], $0x1, s4, s31, $0xb8;
	[tilespmem:$0x1EB00] =	vst v63  }
0x10d: {  	_ =	swait.ge @!p0 [sflag:s3], $0x80  }
0x10e: {  	[sflag:s3] =	ssyncset.done @!p0 $0x0  }
0x10f: {  	[sflag:s3] =	ssyncadd.s32 @!p0 $0xFFFFFF80  }
0x110: {  	[bflag:$0x0] =	sbarrier.arrive $0xFFFF  }
0x111: {  	[hbm:s13], [sflag:s8] =	dma.local [spmem:s16], $0x2800  }
0x112: {  	s29 =	sadd.s32 $0x1, s29;
	_ =	swait.ge [sflag:s17], $0x2800  }
0x113: {  	p1 =	sne.s32 s29, s15;
	[sflag:s17] =	ssyncset.done $0x0  }
.Ltmp4:
0x114: {  	[sflag:s17] =	ssyncadd.s32 $0xFFFFD800;
	(pc) =	sbr.rel @p1 .LBB2_1-.Ltmp4, $4  }
0x115: {  	[hbm:s14], [sflag:s8] =	dma.local @!p0 [spmem:s18], $0x50  }
0x116: {  	_ =	swait.ge @!p0 [sflag:s3], $0x50  }
0x117: {  	[sflag:s3] =	ssyncset.done @!p0 $0x0  }
0x118: {  	[sflag:s3] =	ssyncadd.s32 @!p0 $0xFFFFFFB0  }
0x119: {  	_ =	sfence.sel $0x180000  }
0x11a: {  	[bflag:$0x0] =	sbarrier.arrive $0xFFFF  }
0x11b: {  	_ =	strace $0x90000047  }
0x11c: {  	s0 =	stileid.u32;
	[bflag:$0x2] =	sbarrier.arrive $0xFFFF  }
0x11d: {  	p0 =	sne.s32 s0, $0x0;
	s0 =	rddreg [dreg:$0x3]  }
0x11e: {  	s0 =	sadd.s32 @!p0 $0x100000, s0  }
0x11f: {  	[sflag:s0] =	ssyncadd.tile.s32 @!p0 $0x1;
	_ =	shalt  }
.Lfunc_end2:
_tile_overlayer_lowered:
.L_overlay_start_2:
0x120: {  	(tag) =	ssettag $0x2  }
0x121: {  	s0 =	rddreg [dreg:$0x0];
	s2 =	stileid.u32  }
0x122: {  	s1 =	rddreg [dreg:$0x1];
	p0 =	sne.s32 s2, $0x0  }
0x123: {  	s3 =	rddreg [dreg:$0x2];
	[bflag:$0x3] =	sbarrier.arrive $0xFFFF;
	s2 =	simm.s32 @!p0 $0x1C03  }
0x124: {  	[timem:s3], [sflag:s2] =	dma.local @!p0 [hbm:s0], s1  }
0x125: {  	s0 =	simm.s32 @!p0 $0x3  }
0x126: {  	_ =	swait.ge @!p0 [sflag:s0], s1  }
0x127: {  	s1 =	ssub.s32 @!p0 $0x0, s1;
	[sflag:s0] =	ssyncset.done @!p0 $0x0  }
0x128: {  	[sflag:s0] =	ssyncadd.s32 @!p0 s1  }
0x129: {  	[bflag:$0x3] =	sbarrier.arrive $0xFFFF  }
0x12a: {  	_ =	shalt  }

</sc_bundles>
